<compile_context>
chip_gen: v7x
topology: tpu7x:2x2x1
jax: 0.10.2.dev20260603
libtpu: 0.0.44.dev20260713+nightly
codegen_flags: <defaults>
</compile_context>

<pallas_src>
import jax
import jax.numpy as jnp
import numpy as np
from jax import lax
from jax.experimental import pallas as pl
from jax.experimental.pallas import tpu as pltpu
from jax.experimental.pallas import tpu_sc as plsc

B, N = 2, 2048
D_IN, D = 128, 256
H, DH = 4, 64
GX, GY, GT = 128, 128, 200
TOT = GX * GY * GT
NO = 32
PT = N // 16
GSLC = TOT // 16

_OFF_LIST = [(dx, dy, dt) for dx in (-1, 0, 1) for dy in (-1, 0, 1) for dt in (-1, 0, 1)]
_OFFI = np.zeros((NO, 4), np.int32)
for _j, (_a, _b, _c) in enumerate(_OFF_LIST):
    _OFFI[_j] = (_a, _b, _c, 1)
_OFFS32 = np.zeros((NO, 3), np.float32)
for _j, (_a, _b, _c) in enumerate(_OFF_LIST):
    _OFFS32[_j] = (_a, _b, _c)
_SEL = np.zeros((D, H), np.float32)
for _h in range(H):
    _SEL[_h * DH:(_h + 1) * DH, _h] = 1.0


def _a_body(feat_ref, coordsT_ref, offi_ref, Wf_ref, bf_ref, Wq_ref, bq_ref,
            fp_ref, q_ref, nlinT_ref):
    f = feat_ref[0]
    fp = jnp.dot(f, Wf_ref[...], preferred_element_type=jnp.float32, precision=lax.Precision.HIGHEST) + bf_ref[...]
    fp_ref[0] = fp
    q_ref[0] = jnp.dot(fp, Wq_ref[...], preferred_element_type=jnp.float32, precision=lax.Precision.HIGHEST) + bq_ref[...]
    ct = coordsT_ref[0]
    vx = (jnp.clip(ct[0:1, :] * (1.0 / 256.0), 0.0, 1.0) * float(GX - 1)).astype(jnp.int32)
    vy = (jnp.clip(ct[1:2, :] * (1.0 / 256.0), 0.0, 1.0) * float(GY - 1)).astype(jnp.int32)
    vt = (jnp.clip(ct[2:3, :], 0.0, 1.0) * float(GT - 1)).astype(jnp.int32)
    nx = offi_ref[:, 0:1] + vx
    ny = offi_ref[:, 1:2] + vy
    nt = offi_ref[:, 2:3] + vt
    inb = ((nx >= 0) & (nx < GX) & (ny >= 0) & (ny < GY)
           & (nt >= 0) & (nt < GT) & (offi_ref[:, 3:4] > 0))
    nlin = nx * (GY * GT) + ny * GT + nt
    nlinT_ref[0] = jnp.where(inb, nlin, -1)


def _stage_a(features, coordsT, offi, W_feat, b_feat, Wq, bq):
    return pl.pallas_call(
        _a_body,
        grid=(B,),
        in_specs=[
            pl.BlockSpec((1, N, D_IN), lambda b: (b, 0, 0)),
            pl.BlockSpec((1, 3, N), lambda b: (b, 0, 0)),
            pl.BlockSpec((NO, 4), lambda b: (0, 0)),
            pl.BlockSpec((D_IN, D), lambda b: (0, 0)),
            pl.BlockSpec((1, D), lambda b: (0, 0)),
            pl.BlockSpec((D, D), lambda b: (0, 0)),
            pl.BlockSpec((1, D), lambda b: (0, 0)),
        ],
        out_specs=[
            pl.BlockSpec((1, N, D), lambda b: (b, 0, 0)),
            pl.BlockSpec((1, N, D), lambda b: (b, 0, 0)),
            pl.BlockSpec((1, NO, N), lambda b: (b, 0, 0)),
        ],
        out_shape=[
            jax.ShapeDtypeStruct((B, N, D), jnp.float32),
            jax.ShapeDtypeStruct((B, N, D), jnp.float32),
            jax.ShapeDtypeStruct((B, NO, N), jnp.int32),
        ],
    )(features, coordsT, offi, W_feat, b_feat.reshape(1, D), Wq, bq.reshape(1, D))


def _b1_body(nlinT_hbm, grid_hbm, fill_v, lin_v, val_v):
    c = lax.axis_index("c")
    t = lax.axis_index("s")
    i16 = lax.iota(jnp.int32, 16)
    gbase = c * TOT

    def _fill(i, _):
        fill_v[pl.ds(i * 16, 16)] = jnp.full((16,), -1, jnp.int32)
        return 0
    lax.fori_loop(0, 800, _fill, 0)

    def _small(g, _):
        val_v[pl.ds(g * 16, 16)] = t * PT + g * 16 + i16
        return 0
    lax.fori_loop(0, 8, _small, 0)

    def _memset(i, _):
        pltpu.sync_copy(fill_v, grid_hbm.at[pl.ds(gbase + t * GSLC + i * 12800, 12800)])
        return 0
    lax.fori_loop(0, 16, _memset, 0)

    pltpu.sync_copy(nlinT_hbm.at[pl.ds((c * NO + 13) * N + t * PT, PT)], lin_v)

    def _lclamp(g, _):
        lin_v[pl.ds(g * 16, 16)] = lin_v[pl.ds(g * 16, 16)] + gbase
        return 0
    lax.fori_loop(0, PT // 16, _lclamp, 0)

    plsc.subcore_barrier()

    pltpu.sync_copy(val_v, grid_hbm.at[lin_v])


def _b2_body(nlinT_hbm, grid_hbm, seg_hbm, repT_hbm,
             idxc_v, lin_v, seg_v, repc_v):
    c = lax.axis_index("c")
    t = lax.axis_index("s")
    gbase = c * TOT

    def _ldrow(j, _):
        pltpu.sync_copy(nlinT_hbm.at[pl.ds((c * NO + j) * N + t * PT, PT)], repc_v.at[j])
        return 0
    lax.fori_loop(0, 27, _ldrow, 0)
    pltpu.sync_copy(nlinT_hbm.at[pl.ds((c * NO + 13) * N + t * PT, PT)], lin_v)

    def _lclamp(g, _):
        lin_v[pl.ds(g * 16, 16)] = lin_v[pl.ds(g * 16, 16)] + gbase
        return 0
    lax.fori_loop(0, PT // 16, _lclamp, 0)

    def _clamp(i, _):
        idxc_v[i // 8, pl.ds((i % 8) * 16, 16)] = gbase + jnp.maximum(
            repc_v[i // 8, pl.ds((i % 8) * 16, 16)], 0)
        return 0
    lax.fori_loop(0, 27 * PT // 16, _clamp, 0)

    pltpu.sync_copy(grid_hbm.at[lin_v], seg_v)
    pltpu.sync_copy(seg_v, seg_hbm.at[pl.ds(c * N + t * PT, PT)])

    def _ngather(j, _):
        pltpu.sync_copy(grid_hbm.at[idxc_v.at[j]], repc_v.at[j])
        return 0
    lax.fori_loop(0, 27, _ngather, 0)

    def _strow(j, _):
        pltpu.sync_copy(repc_v.at[j], repT_hbm.at[pl.ds((c * NO + j) * N + t * PT, PT)])
        return 0
    lax.fori_loop(0, 27, _strow, 0)


def _stage_b(nlinT_f):
    sc_mesh = plsc.VectorSubcoreMesh(core_axis_name="c", subcore_axis_name="s")
    b1 = pl.kernel(
        _b1_body,
        out_type=[jax.ShapeDtypeStruct((B * TOT,), jnp.int32)],
        mesh=sc_mesh,
        scratch_types=[
            pltpu.VMEM((12800,), jnp.int32),
            pltpu.VMEM((PT,), jnp.int32),
            pltpu.VMEM((PT,), jnp.int32),
        ],
    )
    grid = b1(nlinT_f)[0]
    b2 = pl.kernel(
        _b2_body,
        out_type=[
            jax.ShapeDtypeStruct((B * N,), jnp.int32),
            jax.ShapeDtypeStruct((B * NO * N,), jnp.int32),
        ],
        mesh=plsc.VectorSubcoreMesh(core_axis_name="c", subcore_axis_name="s"),
        scratch_types=[
            pltpu.VMEM((NO, PT), jnp.int32),
            pltpu.VMEM((PT,), jnp.int32),
            pltpu.VMEM((PT,), jnp.int32),
            pltpu.VMEM((NO, PT), jnp.int32),
        ],
    )
    seg_f, repT_f = b2(nlinT_f, grid)
    return grid, seg_f, repT_f


_SN = 256


def _c_body(fp_ref, seg_ref, offs_ref, Wia_ref, bia_ref, Wp1_ref, bp1_ref,
            Wp2_ref, bp2_ref, Wk_ref, bk_ref, Wv_ref, bv_ref,
            kvp_ref, pe_ref):
    i = pl.program_id(1)
    seg = seg_ref[0]
    uio = lax.broadcasted_iota(jnp.int32, (_SN, 1), 0) + i * _SN
    pmat = (uio == seg).astype(jnp.float32)
    cnt = jnp.maximum(jnp.sum(pmat, axis=1, keepdims=True), 1.0)
    sums = jnp.dot(pmat, fp_ref[0], preferred_element_type=jnp.float32, precision=lax.Precision.HIGHEST)
    means = sums * (1.0 / cnt)
    vf = jnp.maximum(
        jnp.dot(means, Wia_ref[...], preferred_element_type=jnp.float32, precision=lax.Precision.HIGHEST) + bia_ref[...], 0.0)
    kvf = jnp.dot(vf, Wk_ref[...], preferred_element_type=jnp.float32, precision=lax.Precision.HIGHEST)
    vvf = jnp.dot(vf, Wv_ref[...], preferred_element_type=jnp.float32, precision=lax.Precision.HIGHEST)

    def _pack(x):
        lo = lax.bitcast_convert_type(
            x[:, 0:D // 2].astype(jnp.bfloat16).astype(jnp.float32), jnp.int32)
        hi = lax.bitcast_convert_type(
            x[:, D // 2:D].astype(jnp.bfloat16).astype(jnp.float32), jnp.int32)
        return hi | ((lo >> 16) & 0xffff)
    kvp_ref[0] = jnp.concatenate([_pack(kvf), _pack(vvf)], axis=1)
    offs = offs_ref[...]
    pe_h = jnp.maximum(jnp.dot(offs, Wp1_ref[...], preferred_element_type=jnp.float32, precision=lax.Precision.HIGHEST)
                       + bp1_ref[...], 0.0)
    pe = jnp.dot(pe_h, Wp2_ref[...], preferred_element_type=jnp.float32, precision=lax.Precision.HIGHEST) + bp2_ref[...]
    kpe = jnp.dot(pe, Wk_ref[...], preferred_element_type=jnp.float32, precision=lax.Precision.HIGHEST) + bk_ref[...]
    vpe = jnp.dot(pe, Wv_ref[...], preferred_element_type=jnp.float32, precision=lax.Precision.HIGHEST) + bv_ref[...]
    pe_ref[...] = jnp.concatenate([kpe, vpe], axis=0)


def _stage_c(fp, seg2, offsf, W_ia, b_ia, W_p1, b_p1, W_p2, b_p2, Wk, bk, Wv, bv):
    return pl.pallas_call(
        _c_body,
        grid=(B, N // _SN),
        in_specs=[
            pl.BlockSpec((1, N, D), lambda b, i: (b, 0, 0)),
            pl.BlockSpec((1, 1, N), lambda b, i: (b, 0, 0)),
            pl.BlockSpec((NO, 3), lambda b, i: (0, 0)),
            pl.BlockSpec((D, D), lambda b, i: (0, 0)),
            pl.BlockSpec((1, D), lambda b, i: (0, 0)),
            pl.BlockSpec((3, D // 2), lambda b, i: (0, 0)),
            pl.BlockSpec((1, D // 2), lambda b, i: (0, 0)),
            pl.BlockSpec((D // 2, D), lambda b, i: (0, 0)),
            pl.BlockSpec((1, D), lambda b, i: (0, 0)),
            pl.BlockSpec((D, D), lambda b, i: (0, 0)),
            pl.BlockSpec((1, D), lambda b, i: (0, 0)),
            pl.BlockSpec((D, D), lambda b, i: (0, 0)),
            pl.BlockSpec((1, D), lambda b, i: (0, 0)),
        ],
        out_specs=[
            pl.BlockSpec((1, _SN, D), lambda b, i: (b, i, 0)),
            pl.BlockSpec((2 * NO, D), lambda b, i: (0, 0)),
        ],
        out_shape=[
            jax.ShapeDtypeStruct((B, N, D), jnp.int32),
            jax.ShapeDtypeStruct((2 * NO, D), jnp.float32),
        ],
    )(fp, seg2, offsf, W_ia, b_ia.reshape(1, D), W_p1, b_p1.reshape(1, D // 2),
      W_p2, b_p2.reshape(1, D), Wk, bk.reshape(1, D), Wv, bv.reshape(1, D))


_DC = PT
_NCH = 27


def _d_body(kvp_hbm, repT_hbm, kg_hbm,
            raw_v, repc_v, kb00, kb01, kb10, kb11,
            kg0, kg1, kg2, kg3, kw0, kw1, kw2, kw3):
    c = lax.axis_index("c")
    t = lax.axis_index("s")
    kbufs = ((kb00, kb01), (kb10, kb11))
    kgs = ((kg0, kg2), (kg1, kg3))
    kws = ((kw0, kw2), (kw1, kw3))

    def _ldrow(j, _):
        pltpu.sync_copy(repT_hbm.at[pl.ds((c * NO + j) * N + t * PT, PT)], raw_v.at[j])
        return 0
    lax.fori_loop(0, _NCH, _ldrow, 0)

    def _clamp(i, _):
        repc_v[pl.ds(i * 16, 16)] = c * N + jnp.maximum(raw_v[i // 8, pl.ds((i % 8) * 16, 16)], 0)
        return 0
    lax.fori_loop(0, _NCH * PT // 16, _clamp, 0)

    _HD = _DC // 2

    def _startg(i, p):
        for s in range(2):
            idx = repc_v.at[pl.ds(i * _DC + s * _HD, _HD)]
            pltpu.async_copy(kvp_hbm.at[idx], kbufs[p][s], kgs[p][s])

    def _waitg(i, p):
        for s in range(2):
            idx = repc_v.at[pl.ds(i * _DC + s * _HD, _HD)]
            pltpu.make_async_copy(kvp_hbm.at[idx], kbufs[p][s], kgs[p][s]).wait()

    def _out(i):
        return (c * NO + i) * N + t * PT

    def _startw(i, p):
        for s in range(2):
            pltpu.async_copy(kbufs[p][s], kg_hbm.at[pl.ds(_out(i) + s * _HD, _HD), :], kws[p][s])

    def _drainw(p):
        for s in range(2):
            pltpu.make_async_copy(kbufs[p][s], kg_hbm.at[pl.ds(0, _HD), :], kws[p][s]).wait()

    _startg(0, 0)

    def _pair(g, _):
        for p in (0, 1):
            i = 2 * g + p
            q = 1 - p
            if p == 0:
                @pl.when(g >= 1)
                def _():
                    _drainw(q)
                _startg(i + 1, q)
            else:
                _drainw(q)
                _startg(i + 1, q)
            _waitg(i, p)
            _startw(i, p)
        return 0
    lax.fori_loop(0, (_NCH - 1) // 2, _pair, 0)

    _waitg(_NCH - 1, 0)
    _startw(_NCH - 1, 0)
    _drainw(0)
    _drainw(1)


def _stage_d(kvp_f, repT_f):
    f = pl.kernel(
        _d_body,
        out_type=[
            jax.ShapeDtypeStruct((B * NO * N, D), jnp.int32),
        ],
        mesh=plsc.VectorSubcoreMesh(core_axis_name="c", subcore_axis_name="s"),
        scratch_types=[
            pltpu.VMEM((NO, PT), jnp.int32),
            pltpu.VMEM((NO * PT,), jnp.int32),
            pltpu.VMEM((_DC // 2, D), jnp.int32),
            pltpu.VMEM((_DC // 2, D), jnp.int32),
            pltpu.VMEM((_DC // 2, D), jnp.int32),
            pltpu.VMEM((_DC // 2, D), jnp.int32),
            pltpu.SemaphoreType.DMA,
            pltpu.SemaphoreType.DMA,
            pltpu.SemaphoreType.DMA,
            pltpu.SemaphoreType.DMA,
            pltpu.SemaphoreType.DMA,
            pltpu.SemaphoreType.DMA,
            pltpu.SemaphoreType.DMA,
            pltpu.SemaphoreType.DMA,
        ],
    )
    return f(kvp_f, repT_f)[0]


_BN = 128


def _e_body(q_ref, fp_ref, nlinT_ref, repT_ref, kg_ref, pe_ref,
            sel_ref, selT_ref, Wo_ref, bo_ref, g_ref, be_ref, out_ref):
    q = q_ref[0]
    found = (nlinT_ref[0] >= 0) & (repT_ref[0] >= 0)
    pen = jnp.where(found, 0.0, -1e9)
    kpe = pe_ref[0:NO, :]
    vpe = pe_ref[NO:2 * NO, :]
    Dh = D // 2
    validm = (lax.broadcasted_iota(jnp.int32, (NO, 1), 0) < 27).astype(jnp.int32)
    kvw = kg_ref[0] * validm[:, :, None]
    kw = kvw[:, :, 0:Dh]
    vw = kvw[:, :, Dh:D]

    def _lo(w):
        return lax.bitcast_convert_type(w << 16, jnp.float32)

    def _hi(w):
        return lax.bitcast_convert_type(w & jnp.int32(-65536), jnp.float32)

    klo = _lo(kw) + kpe[:, None, 0:Dh]
    khi = _hi(kw) + kpe[:, None, Dh:D]
    plo = q[None, :, 0:Dh] * klo
    phi = q[None, :, Dh:D] * khi
    logits = (jnp.dot(plo.reshape(NO * _BN, Dh), sel_ref[0:Dh, :],
                      preferred_element_type=jnp.float32, precision=lax.Precision.HIGHEST)
              + jnp.dot(phi.reshape(NO * _BN, Dh), sel_ref[Dh:D, :],
                        preferred_element_type=jnp.float32, precision=lax.Precision.HIGHEST)
              ).reshape(NO, _BN, H)
    logits = logits * (1.0 / np.sqrt(DH).astype(np.float32)) + pen[:, :, None]
    m = jnp.max(logits, axis=0, keepdims=True)
    p = jnp.exp(logits - m)
    attn = p / jnp.sum(p, axis=0, keepdims=True)
    af = attn.reshape(NO * _BN, H)
    alo = jnp.dot(af, selT_ref[:, 0:Dh],
                  preferred_element_type=jnp.float32, precision=lax.Precision.HIGHEST).reshape(NO, _BN, Dh)
    ahi = jnp.dot(af, selT_ref[:, Dh:D],
                  preferred_element_type=jnp.float32, precision=lax.Precision.HIGHEST).reshape(NO, _BN, Dh)
    ctx_lo = jnp.sum(alo * (_lo(vw) + vpe[:, None, 0:Dh]), axis=0)
    ctx_hi = jnp.sum(ahi * (_hi(vw) + vpe[:, None, Dh:D]), axis=0)
    out = (jnp.dot(ctx_lo, Wo_ref[0:Dh, :],
                   preferred_element_type=jnp.float32, precision=lax.Precision.HIGHEST)
           + jnp.dot(ctx_hi, Wo_ref[Dh:D, :],
                     preferred_element_type=jnp.float32, precision=lax.Precision.HIGHEST)
           + bo_ref[...])
    enh = fp_ref[0] + out
    mu = jnp.mean(enh, axis=-1, keepdims=True)
    var = jnp.mean((enh - mu) ** 2, axis=-1, keepdims=True)
    out_ref[0] = (enh - mu) * lax.rsqrt(var + 1e-5) * g_ref[...] + be_ref[...]


def _stage_e(q, fp, nlinT, repT, kg, pepack, sel, selT, Wo, bo, gamma, beta):
    return pl.pallas_call(
        _e_body,
        grid=(B, N // _BN),
        in_specs=[
            pl.BlockSpec((1, _BN, D), lambda b, i: (b, i, 0)),
            pl.BlockSpec((1, _BN, D), lambda b, i: (b, i, 0)),
            pl.BlockSpec((1, NO, _BN), lambda b, i: (b, 0, i)),
            pl.BlockSpec((1, NO, _BN), lambda b, i: (b, 0, i)),
            pl.BlockSpec((1, NO, _BN, D), lambda b, i: (b, 0, i, 0)),
            pl.BlockSpec((2 * NO, D), lambda b, i: (0, 0)),
            pl.BlockSpec((D, H), lambda b, i: (0, 0)),
            pl.BlockSpec((H, D), lambda b, i: (0, 0)),
            pl.BlockSpec((D, D), lambda b, i: (0, 0)),
            pl.BlockSpec((1, D), lambda b, i: (0, 0)),
            pl.BlockSpec((1, D), lambda b, i: (0, 0)),
            pl.BlockSpec((1, D), lambda b, i: (0, 0)),
        ],
        out_specs=pl.BlockSpec((1, _BN, D), lambda b, i: (b, i, 0)),
        out_shape=jax.ShapeDtypeStruct((B, N, D), jnp.float32),
    )(q, fp, nlinT, repT, kg, pepack, sel, selT, Wo, bo.reshape(1, D),
      gamma.reshape(1, D), beta.reshape(1, D))


def kernel(features, coords, W_feat, b_feat, W_ia, b_ia, W_p1, b_p1, W_p2, b_p2,
           Wq, bq, Wk, bk, Wv, bv, Wo, bo, gamma, beta):
    offi = jnp.asarray(_OFFI)
    offsf = jnp.asarray(_OFFS32)
    sel = jnp.asarray(_SEL)
    selT = jnp.asarray(_SEL.T.copy())
    coordsT = coords.swapaxes(1, 2)
    fp, q, nlinT = _stage_a(features, coordsT, offi, W_feat, b_feat, Wq, bq)
    _, seg_f, repT_f = _stage_b(nlinT.reshape(B * NO * N))
    kvp, pepack = _stage_c(fp, seg_f.reshape(B, 1, N), offsf,
                           W_ia, b_ia, W_p1, b_p1, W_p2, b_p2, Wk, bk, Wv, bv)
    kg_f = _stage_d(kvp.reshape(B * N, D), repT_f)
    kg = kg_f.reshape(B, NO, N, D)
    repT = repT_f.reshape(B, NO, N)
    return _stage_e(q, fp, nlinT, repT, kg, pepack, sel, selT, Wo, bo, gamma, beta)

# --- scband reference (transcript-rebuilt; emitter-appended) ---
"""Pipeline reference for scband-micro-voxel-spatial-encoder-5540507812249 (READ-ONLY COPY).

The authoritative reference and input builder live on the scoring server;
editing this copy changes nothing except your own understanding.
"""

import jax, jax.numpy as jnp
import numpy as np

B, N = 2, 2048
D_IN, D = 128, 256
H, DH = 4, 64
GX, GY, GT = 128, 128, 200
TOT = GX * GY * GT
OFFS = np.array([[dx, dy, dt] for dx in (-1, 0, 1) for dy in (-1, 0, 1) for dt in (-1, 0, 1)], dtype=np.int32)


def setup_inputs(seed: int = 0):
    key = jax.random.key(seed)
    ks = jax.random.split(key, 16)
    s = 0.02
    return {
        'features': jax.random.normal(ks[0], (B, N, D_IN), dtype=jnp.float32),
        'coords': jax.random.uniform(ks[1], (B, N, 3), dtype=jnp.float32) * jnp.array([256.0, 256.0, 1.0], dtype=jnp.float32),
        'W_feat': jax.random.normal(ks[2], (D_IN, D), dtype=jnp.float32) * s,
        'b_feat': jnp.zeros((D,), jnp.float32),
        'W_ia': jax.random.normal(ks[3], (D, D), dtype=jnp.float32) * s,
        'b_ia': jnp.zeros((D,), jnp.float32),
        'W_p1': jax.random.normal(ks[4], (3, D // 2), dtype=jnp.float32) * s,
        'b_p1': jnp.zeros((D // 2,), jnp.float32),
        'W_p2': jax.random.normal(ks[5], (D // 2, D), dtype=jnp.float32) * s,
        'b_p2': jnp.zeros((D,), jnp.float32),
        'Wq': jax.random.normal(ks[6], (D, D), dtype=jnp.float32) * s,
        'bq': jnp.zeros((D,), jnp.float32),
        'Wk': jax.random.normal(ks[7], (D, D), dtype=jnp.float32) * s,
        'bk': jnp.zeros((D,), jnp.float32),
        'Wv': jax.random.normal(ks[8], (D, D), dtype=jnp.float32) * s,
        'bv': jnp.zeros((D,), jnp.float32),
        'Wo': jax.random.normal(ks[9], (D, D), dtype=jnp.float32) * s,
        'bo': jnp.zeros((D,), jnp.float32),
        'gamma': jnp.ones((D,), jnp.float32),
        'beta': jnp.zeros((D,), jnp.float32),
    }


def _voxel_idx(coords_b):
    rng = jnp.array([256.0, 256.0, 1.0], dtype=jnp.float32)
    norm = jnp.clip(coords_b / rng, 0.0, 1.0)
    gd = jnp.array([GX - 1, GY - 1, GT - 1], dtype=jnp.float32)
    return (norm * gd).astype(jnp.int32)


def reference(features, coords, W_feat, b_feat, W_ia, b_ia, W_p1, b_p1, W_p2, b_p2, Wq, bq, Wk, bk, Wv, bv, Wo, bo, gamma, beta):
    offs = jnp.asarray(OFFS)
    fp = features @ W_feat + b_feat  # [B,N,D]
    # positional encoding of the 27 offsets (shared across points)
    pe = jax.nn.relu(offs.astype(jnp.float32) @ W_p1 + b_p1) @ W_p2 + b_p2  # [27,D]
    gdims = jnp.array([GX, GY, GT], dtype=jnp.int32)
    outs = []
    for b in range(B):
        vox = _voxel_idx(coords[b])                      # [N,3]
        lin = vox[:, 0] * (GY * GT) + vox[:, 1] * GT + vox[:, 2]
        uniq, inv = jnp.unique(lin, return_inverse=True, size=N, fill_value=TOT)
        inv = inv.reshape(-1)
        cnt = jax.ops.segment_sum(jnp.ones((N,), jnp.float32), inv, num_segments=N)
        sums = jax.ops.segment_sum(fp[b], inv, num_segments=N)
        means = sums / jnp.maximum(cnt, 1.0)[:, None]
        vf = jax.nn.relu(means @ W_ia + b_ia)            # [N,D] per-unique-voxel features
        nvox = vox[:, None, :] + offs[None, :, :]        # [N,27,3]
        inb = jnp.all((nvox >= 0) & (nvox < gdims[None, None, :]), axis=-1)
        nlin = nvox[..., 0] * (GY * GT) + nvox[..., 1] * GT + nvox[..., 2]
        pos = jnp.clip(jnp.searchsorted(uniq, nlin), 0, N - 1)
        found = inb & (uniq[pos] == nlin) & (cnt[pos] > 0)  # [N,27]
        kv = vf[pos] + pe[None, :, :]                    # [N,27,D]
        q = (fp[b] @ Wq + bq).reshape(N, H, DH)
        k = (kv @ Wk + bk).reshape(N, 27, H, DH)
        v = (kv @ Wv + bv).reshape(N, 27, H, DH)
        logits = jnp.einsum('nhd,nkhd->nhk', q, k) / np.sqrt(DH).astype(np.float32)
        logits = jnp.where(found[:, None, :], logits, -1e9)
        attn = jax.nn.softmax(logits, axis=-1)
        ctx = jnp.einsum('nhk,nkhd->nkhd'[:9].replace('k','K') if False else 'nhk,nkhd->nhd', attn, v).reshape(N, D)
        out = ctx @ Wo + bo
        any_valid = found.any(axis=1)
        enh = fp[b] + jnp.where(any_valid[:, None], out, 0.0)
        mu = enh.mean(axis=-1, keepdims=True)
        var = ((enh - mu) ** 2).mean(axis=-1, keepdims=True)
        enh = (enh - mu) / jnp.sqrt(var + 1e-5) * gamma + beta
        outs.append(enh)
    return jnp.stack(outs, axis=0)

if __name__ == "__main__":
    import jax
    _d = setup_inputs()
    print(jax.jit(kernel)(*tuple(_d.values())))

</pallas_src>

<mosaic_0001>
#map = affine_map<(d0, d1) -> (0)>
module attributes {stable_mosaic.version = 14 : i64} {
  func.func @_b1_body(%arg0: i32, %arg1: i32, %arg2: memref<131072xi32, #tpu.memory_space<hbm>>, %arg3: memref<6553600xi32, #tpu.memory_space<hbm>>, %arg4: memref<12800xi32, #tpu.memory_space<vmem>>, %arg5: memref<128xi32, #tpu.memory_space<vmem>>, %arg6: memref<128xi32, #tpu.memory_space<vmem>>) attributes {dimension_semantics = [#tpu.dimension_semantics<core_parallel>, #tpu.dimension_semantics<subcore_parallel>], iteration_bounds = array<i64: 2, 16>, scalar_prefetch = 0 : i64, scratch_operands = 3 : i64, tpu.core_type = #tpu.core_type<sc_vector_subcore>, window_params = [{transform_indices = #map}, {transform_indices = #map}]} {
    %iota3A = tpu.iota {dimensions = array<i32: 0>} : vector<16xi32>
    %mul3A = arith.constant 3276800 : i32
    %mul3A_0 = arith.muli %arg0, %mul3A : i32
    %scan3A = arith.constant 0 : i32
    %scan3A_1 = arith.constant 0 : i32
    %scan3A_2 = arith.constant 800 : i32
    %scan3A_3 = arith.addi %scan3A_1, %scan3A_2 : i32
    %scan3A_4 = arith.constant 1 : i32
    %scan3A_5 = scf.for %scan3A_36 = %scan3A_1 to %scan3A_3 step %scan3A_4 iter_args(%scan3A_37 = %scan3A) -> (i32)  : i32 {
      %broadcast_in_dim3A = arith.constant -1 : i32
      %broadcast_in_dim3A_38 = vector.broadcast %broadcast_in_dim3A : i32 to vector<16xi32>
      %mul3A_39 = arith.constant 16 : i32
      %mul3A_40 = arith.muli %scan3A_36, %mul3A_39 : i32
      %swap3A = arith.index_cast %mul3A_40 : i32 to index
      %swap3A_41 = tpu.vector_load %arg4[%swap3A] {strides = array<i32>} : memref<12800xi32, #tpu.memory_space<vmem>>, vector<16xi32>,
      %swap3A_42 = vector.shape_cast %swap3A_41 : vector<16xi32> to vector<16xi32>
      %swap3A_43 = vector.shape_cast %broadcast_in_dim3A_38 : vector<16xi32> to vector<16xi32>
      tpu.vector_store %arg4[%swap3A], %swap3A_43 {strides = array<i32>} : memref<12800xi32, #tpu.memory_space<vmem>>, vector<16xi32>,
      %scan3A_44 = arith.constant 0 : i32
      scf.yield %scan3A_44 : i32
    }
    %scan3A_6 = arith.constant 800 : i32
    %scan3A_7 = arith.constant 0 : i32
    %scan3A_8 = arith.constant 0 : i32
    %scan3A_9 = arith.constant 8 : i32
    %scan3A_10 = arith.addi %scan3A_8, %scan3A_9 : i32
    %scan3A_11 = arith.constant 1 : i32
    %scan3A_12 = scf.for %scan3A_36 = %scan3A_8 to %scan3A_10 step %scan3A_11 iter_args(%scan3A_37 = %scan3A_7) -> (i32)  : i32 {
      %mul3A_38 = arith.constant 128 : i32
      %mul3A_39 = arith.muli %arg1, %mul3A_38 : i32
      %mul3A_40 = arith.constant 16 : i32
      %mul3A_41 = arith.muli %scan3A_36, %mul3A_40 : i32
      %add3A_42 = arith.addi %mul3A_39, %mul3A_41 : i32
      %add3A_43 = vector.broadcast %add3A_42 : i32 to vector<16xi32>
      %add3A_44 = arith.addi %add3A_43, %iota3A : vector<16xi32>
      %mul3A_45 = arith.constant 16 : i32
      %mul3A_46 = arith.muli %scan3A_36, %mul3A_45 : i32
      %swap3A = arith.index_cast %mul3A_46 : i32 to index
      %swap3A_47 = tpu.vector_load %arg6[%swap3A] {strides = array<i32>} : memref<128xi32, #tpu.memory_space<vmem>>, vector<16xi32>,
      %swap3A_48 = vector.shape_cast %swap3A_47 : vector<16xi32> to vector<16xi32>
      %swap3A_49 = vector.shape_cast %add3A_44 : vector<16xi32> to vector<16xi32>
      tpu.vector_store %arg6[%swap3A], %swap3A_49 {strides = array<i32>} : memref<128xi32, #tpu.memory_space<vmem>>, vector<16xi32>,
      %scan3A_50 = arith.constant 0 : i32
      scf.yield %scan3A_50 : i32
    }
    %scan3A_13 = arith.constant 8 : i32
    %scan3A_14 = arith.constant 0 : i32
    %scan3A_15 = arith.constant 0 : i32
    %scan3A_16 = arith.constant 16 : i32
    %scan3A_17 = arith.addi %scan3A_15, %scan3A_16 : i32
    %scan3A_18 = arith.constant 1 : i32
    %scan3A_19 = scf.for %scan3A_36 = %scan3A_15 to %scan3A_17 step %scan3A_18 iter_args(%scan3A_37 = %scan3A_14) -> (i32)  : i32 {
      %mul3A_38 = arith.constant 204800 : i32
      %mul3A_39 = arith.muli %arg1, %mul3A_38 : i32
      %add3A_40 = arith.addi %mul3A_0, %mul3A_39 : i32
      %mul3A_41 = arith.constant 12800 : i32
      %mul3A_42 = arith.muli %scan3A_36, %mul3A_41 : i32
      %add3A_43 = arith.addi %add3A_40, %mul3A_42 : i32
      "tpu.region"() ({
        %run_scoped3A = tpu.sem_alloc : memref<!tpu.dma_semaphore, #tpu.memory_space<semaphore_mem>>
        %dma_start3A = tpu.memref_slice %arg3[%add3A_43] : memref<6553600xi32, #tpu.memory_space<hbm>> -> memref<12800xi32, #tpu.memory_space<hbm>>
        %dma_start3A_45 = tpu.memref_slice %arg3[%add3A_43] : memref<6553600xi32, #tpu.memory_space<hbm>> -> memref<12800xi32, #tpu.memory_space<hbm>>
        tpu.enqueue_dma source(%arg4 : memref<12800xi32, #tpu.memory_space<vmem>>) target(%dma_start3A_45 : memref<12800xi32, #tpu.memory_space<hbm>>) target_semaphore(%run_scoped3A : memref<!tpu.dma_semaphore, #tpu.memory_space<semaphore_mem>>)
        %dma_wait3A = tpu.memref_slice %arg3[%add3A_43] : memref<6553600xi32, #tpu.memory_space<hbm>> -> memref<12800xi32, #tpu.memory_space<hbm>>
        %dma_wait3A_46 = tpu.memref_slice %arg3[%add3A_43] : memref<6553600xi32, #tpu.memory_space<hbm>> -> memref<12800xi32, #tpu.memory_space<hbm>>
        tpu.wait_dma2 semaphore(%run_scoped3A : memref<!tpu.dma_semaphore, #tpu.memory_space<semaphore_mem>>) src(%arg4 : memref<12800xi32, #tpu.memory_space<vmem>>) dst(%dma_wait3A_46 : memref<12800xi32, #tpu.memory_space<hbm>>)
        tpu.yield
      }) : () -> ()
      %scan3A_44 = arith.constant 0 : i32
      scf.yield %scan3A_44 : i32
    }
    %scan3A_20 = arith.constant 16 : i32
    %mul3A_21 = arith.constant 32 : i32
    %mul3A_22 = arith.muli %arg0, %mul3A_21 : i32
    %add3A = arith.constant 13 : i32
    %add3A_23 = arith.addi %mul3A_22, %add3A : i32
    %mul3A_24 = arith.constant 2048 : i32
    %mul3A_25 = arith.muli %add3A_23, %mul3A_24 : i32
    %mul3A_26 = arith.constant 128 : i32
    %mul3A_27 = arith.muli %arg1, %mul3A_26 : i32
    %add3A_28 = arith.addi %mul3A_25, %mul3A_27 : i32
    "tpu.region"() ({
      %run_scoped3A = tpu.sem_alloc : memref<!tpu.dma_semaphore, #tpu.memory_space<semaphore_mem>>
      %dma_start3A = tpu.memref_slice %arg2[%add3A_28] : memref<131072xi32, #tpu.memory_space<hbm>> -> memref<128xi32, #tpu.memory_space<hbm>>
      %dma_start3A_36 = tpu.memref_slice %arg2[%add3A_28] : memref<131072xi32, #tpu.memory_space<hbm>> -> memref<128xi32, #tpu.memory_space<hbm>>
      tpu.enqueue_dma source(%dma_start3A_36 : memref<128xi32, #tpu.memory_space<hbm>>) target(%arg5 : memref<128xi32, #tpu.memory_space<vmem>>) target_semaphore(%run_scoped3A : memref<!tpu.dma_semaphore, #tpu.memory_space<semaphore_mem>>)
      %dma_wait3A = tpu.memref_slice %arg2[%add3A_28] : memref<131072xi32, #tpu.memory_space<hbm>> -> memref<128xi32, #tpu.memory_space<hbm>>
      %dma_wait3A_37 = tpu.memref_slice %arg2[%add3A_28] : memref<131072xi32, #tpu.memory_space<hbm>> -> memref<128xi32, #tpu.memory_space<hbm>>
      tpu.wait_dma2 semaphore(%run_scoped3A : memref<!tpu.dma_semaphore, #tpu.memory_space<semaphore_mem>>) src(%dma_wait3A_37 : memref<128xi32, #tpu.memory_space<hbm>>) dst(%arg5 : memref<128xi32, #tpu.memory_space<vmem>>)
      tpu.yield
    }) : () -> ()
    %scan3A_29 = arith.constant 0 : i32
    %scan3A_30 = arith.constant 0 : i32
    %scan3A_31 = arith.constant 8 : i32
    %scan3A_32 = arith.addi %scan3A_30, %scan3A_31 : i32
    %scan3A_33 = arith.constant 1 : i32
    %scan3A_34 = scf.for %scan3A_36 = %scan3A_30 to %scan3A_32 step %scan3A_33 iter_args(%scan3A_37 = %scan3A_29) -> (i32)  : i32 {
      %mul3A_38 = arith.constant 16 : i32
      %mul3A_39 = arith.muli %scan3A_36, %mul3A_38 : i32
      %get3A = arith.index_cast %mul3A_39 : i32 to index
      %get3A_40 = tpu.vector_load %arg5[%get3A] {strides = array<i32>} : memref<128xi32, #tpu.memory_space<vmem>>, vector<16xi32>,
      %get3A_41 = vector.shape_cast %get3A_40 : vector<16xi32> to vector<16xi32>
      %add3A_42 = vector.broadcast %mul3A_0 : i32 to vector<16xi32>
      %add3A_43 = arith.addi %get3A_41, %add3A_42 : vector<16xi32>
      %mul3A_44 = arith.constant 16 : i32
      %mul3A_45 = arith.muli %scan3A_36, %mul3A_44 : i32
      %swap3A = arith.index_cast %mul3A_45 : i32 to index
      %swap3A_46 = tpu.vector_load %arg5[%swap3A] {strides = array<i32>} : memref<128xi32, #tpu.memory_space<vmem>>, vector<16xi32>,
      %swap3A_47 = vector.shape_cast %swap3A_46 : vector<16xi32> to vector<16xi32>
      %swap3A_48 = vector.shape_cast %add3A_43 : vector<16xi32> to vector<16xi32>
      tpu.vector_store %arg5[%swap3A], %swap3A_48 {strides = array<i32>} : memref<128xi32, #tpu.memory_space<vmem>>, vector<16xi32>,
      %scan3A_49 = arith.constant 0 : i32
      scf.yield %scan3A_49 : i32
    }
    %scan3A_35 = arith.constant 8 : i32
    %barrier3A = arith.constant 0 : index
    tpu.barrier barrier_id(%barrier3A)
    "tpu.region"() ({
      %run_scoped3A = tpu.sem_alloc : memref<!tpu.dma_semaphore, #tpu.memory_space<semaphore_mem>>
      %dma_start3A = arith.constant 0 : i32
      %dma_start3A_36 = tpu.memref_slice %arg3[%dma_start3A] : memref<6553600xi32, #tpu.memory_space<hbm>> -> memref<6553600xi32, #tpu.memory_space<hbm>>
      tpu.enqueue_indirect_dma source(%arg6 : memref<128xi32, #tpu.memory_space<vmem>>) target(%dma_start3A_36 : memref<6553600xi32, #tpu.memory_space<hbm>>) offsets(%arg5 : memref<128xi32, #tpu.memory_space<vmem>>) semaphore(%run_scoped3A : memref<!tpu.dma_semaphore, #tpu.memory_space<semaphore_mem>>)
      %dma_wait3A = arith.constant 0 : i32
      %dma_wait3A_37 = tpu.memref_slice %arg3[%dma_wait3A] : memref<6553600xi32, #tpu.memory_space<hbm>> -> memref<6553600xi32, #tpu.memory_space<hbm>>
      tpu.wait_indirect_dma semaphore(%run_scoped3A : memref<!tpu.dma_semaphore, #tpu.memory_space<semaphore_mem>>) src(%arg6 : memref<128xi32, #tpu.memory_space<vmem>>) dst(%dma_wait3A_37 : memref<6553600xi32, #tpu.memory_space<hbm>>)
      tpu.yield
    }) : () -> ()
    return
  }
}

#map = affine_map<(d0, d1) -> (0)>
module attributes {stable_mosaic.version = 14 : i64} {
  func.func @_b2_body(%arg0: i32, %arg1: i32, %arg2: memref<131072xi32, #tpu.memory_space<hbm>>, %arg3: memref<6553600xi32, #tpu.memory_space<hbm>>, %arg4: memref<4096xi32, #tpu.memory_space<hbm>>, %arg5: memref<131072xi32, #tpu.memory_space<hbm>>, %arg6: memref<32x128xi32, #tpu.memory_space<vmem>>, %arg7: memref<128xi32, #tpu.memory_space<vmem>>, %arg8: memref<128xi32, #tpu.memory_space<vmem>>, %arg9: memref<32x128xi32, #tpu.memory_space<vmem>>) attributes {dimension_semantics = [#tpu.dimension_semantics<core_parallel>, #tpu.dimension_semantics<subcore_parallel>], iteration_bounds = array<i64: 2, 16>, scalar_prefetch = 0 : i64, scratch_operands = 4 : i64, tpu.core_type = #tpu.core_type<sc_vector_subcore>, window_params = [{transform_indices = #map}, {transform_indices = #map}, {transform_indices = #map}, {transform_indices = #map}]} {
    %mul3A = arith.constant 3276800 : i32
    %mul3A_0 = arith.muli %arg0, %mul3A : i32
    %scan3A = arith.constant 0 : i32
    %scan3A_1 = arith.constant 0 : i32
    %scan3A_2 = arith.constant 27 : i32
    %scan3A_3 = arith.addi %scan3A_1, %scan3A_2 : i32
    %scan3A_4 = arith.constant 1 : i32
    %scan3A_5 = scf.for %scan3A_48 = %scan3A_1 to %scan3A_3 step %scan3A_4 iter_args(%scan3A_49 = %scan3A) -> (i32)  : i32 {
      %mul3A_50 = arith.constant 32 : i32
      %mul3A_51 = arith.muli %arg0, %mul3A_50 : i32
      %add3A_52 = arith.addi %mul3A_51, %scan3A_48 : i32
      %mul3A_53 = arith.constant 2048 : i32
      %mul3A_54 = arith.muli %add3A_52, %mul3A_53 : i32
      %mul3A_55 = arith.constant 128 : i32
      %mul3A_56 = arith.muli %arg1, %mul3A_55 : i32
      %add3A_57 = arith.addi %mul3A_54, %mul3A_56 : i32
      "tpu.region"() ({
        %run_scoped3A = tpu.sem_alloc : memref<!tpu.dma_semaphore, #tpu.memory_space<semaphore_mem>>
        %dma_start3A = arith.constant 0 : i32
        %dma_start3A_59 = tpu.memref_slice %arg9[%scan3A_48, %dma_start3A] : memref<32x128xi32, #tpu.memory_space<vmem>> -> memref<1x128xi32, #tpu.memory_space<vmem>>
        %dma_start3A_60 = tpu.memref_squeeze %dma_start3A_59 : memref<1x128xi32, #tpu.memory_space<vmem>> -> memref<128xi32, #tpu.memory_space<vmem>>
        %dma_start3A_61 = tpu.memref_slice %arg2[%add3A_57] : memref<131072xi32, #tpu.memory_space<hbm>> -> memref<128xi32, #tpu.memory_space<hbm>>
        %dma_start3A_62 = arith.constant 0 : i32
        %dma_start3A_63 = tpu.memref_slice %arg9[%scan3A_48, %dma_start3A_62] : memref<32x128xi32, #tpu.memory_space<vmem>> -> memref<1x128xi32, #tpu.memory_space<vmem>>
        %dma_start3A_64 = tpu.memref_squeeze %dma_start3A_63 : memref<1x128xi32, #tpu.memory_space<vmem>> -> memref<128xi32, #tpu.memory_space<vmem>>
        %dma_start3A_65 = tpu.memref_slice %arg2[%add3A_57] : memref<131072xi32, #tpu.memory_space<hbm>> -> memref<128xi32, #tpu.memory_space<hbm>>
        tpu.enqueue_dma source(%dma_start3A_65 : memref<128xi32, #tpu.memory_space<hbm>>) target(%dma_start3A_64 : memref<128xi32, #tpu.memory_space<vmem>>) target_semaphore(%run_scoped3A : memref<!tpu.dma_semaphore, #tpu.memory_space<semaphore_mem>>)
        %dma_wait3A = arith.constant 0 : i32
        %dma_wait3A_66 = tpu.memref_slice %arg9[%scan3A_48, %dma_wait3A] : memref<32x128xi32, #tpu.memory_space<vmem>> -> memref<1x128xi32, #tpu.memory_space<vmem>>
        %dma_wait3A_67 = tpu.memref_squeeze %dma_wait3A_66 : memref<1x128xi32, #tpu.memory_space<vmem>> -> memref<128xi32, #tpu.memory_space<vmem>>
        %dma_wait3A_68 = tpu.memref_slice %arg2[%add3A_57] : memref<131072xi32, #tpu.memory_space<hbm>> -> memref<128xi32, #tpu.memory_space<hbm>>
        %dma_wait3A_69 = arith.constant 0 : i32
        %dma_wait3A_70 = tpu.memref_slice %arg9[%scan3A_48, %dma_wait3A_69] : memref<32x128xi32, #tpu.memory_space<vmem>> -> memref<1x128xi32, #tpu.memory_space<vmem>>
        %dma_wait3A_71 = tpu.memref_squeeze %dma_wait3A_70 : memref<1x128xi32, #tpu.memory_space<vmem>> -> memref<128xi32, #tpu.memory_space<vmem>>
        %dma_wait3A_72 = tpu.memref_slice %arg2[%add3A_57] : memref<131072xi32, #tpu.memory_space<hbm>> -> memref<128xi32, #tpu.memory_space<hbm>>
        tpu.wait_dma2 semaphore(%run_scoped3A : memref<!tpu.dma_semaphore, #tpu.memory_space<semaphore_mem>>) src(%dma_wait3A_72 : memref<128xi32, #tpu.memory_space<hbm>>) dst(%dma_wait3A_71 : memref<128xi32, #tpu.memory_space<vmem>>)
        tpu.yield
      }) : () -> ()
      %scan3A_58 = arith.constant 0 : i32
      scf.yield %scan3A_58 : i32
    }
    %scan3A_6 = arith.constant 27 : i32
    %mul3A_7 = arith.constant 32 : i32
    %mul3A_8 = arith.muli %arg0, %mul3A_7 : i32
    %add3A = arith.constant 13 : i32
    %add3A_9 = arith.addi %mul3A_8, %add3A : i32
    %mul3A_10 = arith.constant 2048 : i32
    %mul3A_11 = arith.muli %add3A_9, %mul3A_10 : i32
    %mul3A_12 = arith.constant 128 : i32
    %mul3A_13 = arith.muli %arg1, %mul3A_12 : i32
    %add3A_14 = arith.addi %mul3A_11, %mul3A_13 : i32
    "tpu.region"() ({
      %run_scoped3A = tpu.sem_alloc : memref<!tpu.dma_semaphore, #tpu.memory_space<semaphore_mem>>
      %dma_start3A = tpu.memref_slice %arg2[%add3A_14] : memref<131072xi32, #tpu.memory_space<hbm>> -> memref<128xi32, #tpu.memory_space<hbm>>
      %dma_start3A_48 = tpu.memref_slice %arg2[%add3A_14] : memref<131072xi32, #tpu.memory_space<hbm>> -> memref<128xi32, #tpu.memory_space<hbm>>
      tpu.enqueue_dma source(%dma_start3A_48 : memref<128xi32, #tpu.memory_space<hbm>>) target(%arg7 : memref<128xi32, #tpu.memory_space<vmem>>) target_semaphore(%run_scoped3A : memref<!tpu.dma_semaphore, #tpu.memory_space<semaphore_mem>>)
      %dma_wait3A = tpu.memref_slice %arg2[%add3A_14] : memref<131072xi32, #tpu.memory_space<hbm>> -> memref<128xi32, #tpu.memory_space<hbm>>
      %dma_wait3A_49 = tpu.memref_slice %arg2[%add3A_14] : memref<131072xi32, #tpu.memory_space<hbm>> -> memref<128xi32, #tpu.memory_space<hbm>>
      tpu.wait_dma2 semaphore(%run_scoped3A : memref<!tpu.dma_semaphore, #tpu.memory_space<semaphore_mem>>) src(%dma_wait3A_49 : memref<128xi32, #tpu.memory_space<hbm>>) dst(%arg7 : memref<128xi32, #tpu.memory_space<vmem>>)
      tpu.yield
    }) : () -> ()
    %scan3A_15 = arith.constant 0 : i32
    %scan3A_16 = arith.constant 0 : i32
    %scan3A_17 = arith.constant 8 : i32
    %scan3A_18 = arith.addi %scan3A_16, %scan3A_17 : i32
    %scan3A_19 = arith.constant 1 : i32
    %scan3A_20 = scf.for %scan3A_48 = %scan3A_16 to %scan3A_18 step %scan3A_19 iter_args(%scan3A_49 = %scan3A_15) -> (i32)  : i32 {
      %mul3A_50 = arith.constant 16 : i32
      %mul3A_51 = arith.muli %scan3A_48, %mul3A_50 : i32
      %get3A = arith.index_cast %mul3A_51 : i32 to index
      %get3A_52 = tpu.vector_load %arg7[%get3A] {strides = array<i32>} : memref<128xi32, #tpu.memory_space<vmem>>, vector<16xi32>,
      %get3A_53 = vector.shape_cast %get3A_52 : vector<16xi32> to vector<16xi32>
      %add3A_54 = vector.broadcast %mul3A_0 : i32 to vector<16xi32>
      %add3A_55 = arith.addi %get3A_53, %add3A_54 : vector<16xi32>
      %mul3A_56 = arith.constant 16 : i32
      %mul3A_57 = arith.muli %scan3A_48, %mul3A_56 : i32
      %swap3A = arith.index_cast %mul3A_57 : i32 to index
      %swap3A_58 = tpu.vector_load %arg7[%swap3A] {strides = array<i32>} : memref<128xi32, #tpu.memory_space<vmem>>, vector<16xi32>,
      %swap3A_59 = vector.shape_cast %swap3A_58 : vector<16xi32> to vector<16xi32>
      %swap3A_60 = vector.shape_cast %add3A_55 : vector<16xi32> to vector<16xi32>
      tpu.vector_store %arg7[%swap3A], %swap3A_60 {strides = array<i32>} : memref<128xi32, #tpu.memory_space<vmem>>, vector<16xi32>,
      %scan3A_61 = arith.constant 0 : i32
      scf.yield %scan3A_61 : i32
    }
    %scan3A_21 = arith.constant 8 : i32
    %scan3A_22 = arith.constant 0 : i32
    %scan3A_23 = arith.constant 0 : i32
    %scan3A_24 = arith.constant 216 : i32
    %scan3A_25 = arith.addi %scan3A_23, %scan3A_24 : i32
    %scan3A_26 = arith.constant 1 : i32
    %scan3A_27 = scf.for %scan3A_48 = %scan3A_23 to %scan3A_25 step %scan3A_26 iter_args(%scan3A_49 = %scan3A_22) -> (i32)  : i32 {
      %jit3A = arith.constant 8 : i32
      %div3A = arith.divsi %scan3A_48, %jit3A : i32
      %sign3A = arith.constant 0 : i32
      %sign3A_50 = arith.cmpi sgt, %scan3A_48, %sign3A : i32
      %sign3A_51 = arith.extui %sign3A_50 : i1 to i32
      %sign3A_52 = arith.constant 0 : i32
      %sign3A_53 = arith.cmpi slt, %scan3A_48, %sign3A_52 : i32
      %sign3A_54 = arith.extui %sign3A_53 : i1 to i32
      %sign3A_55 = arith.subi %sign3A_51, %sign3A_54 : i32
      %sign3A_56 = arith.constant 0 : i32
      %sign3A_57 = arith.cmpi sgt, %jit3A, %sign3A_56 : i32
      %sign3A_58 = arith.extui %sign3A_57 : i1 to i32
      %sign3A_59 = arith.constant 0 : i32
      %sign3A_60 = arith.cmpi slt, %jit3A, %sign3A_59 : i32
      %sign3A_61 = arith.extui %sign3A_60 : i1 to i32
      %sign3A_62 = arith.subi %sign3A_58, %sign3A_61 : i32
      %ne3A = arith.cmpi ne, %sign3A_55, %sign3A_62 : i32
      %rem3A = arith.remsi %scan3A_48, %jit3A : i32
      %ne3A_63 = arith.constant 0 : i32
      %ne3A_64 = arith.cmpi ne, %rem3A, %ne3A_63 : i32
      %and3A = arith.andi %ne3A, %ne3A_64 : i1
      %sub3A = arith.constant 1 : i32
      %sub3A_65 = arith.subi %div3A, %sub3A : i32
      %select_n3A = arith.select %and3A, %sub3A_65, %div3A : i32
      %jit3A_66 = arith.constant 8 : i32
      %eq3A = arith.constant 0 : i32
      %eq3A_67 = arith.cmpi eq, %jit3A_66, %eq3A : i32
      %jit3A_68 = arith.constant 1 : i32
      %select_n3A_69 = arith.select %eq3A_67, %jit3A_68, %jit3A_66 : i32
      %rem3A_70 = arith.remsi %scan3A_48, %select_n3A_69 : i32
      %ne3A_71 = arith.constant 0 : i32
      %ne3A_72 = arith.cmpi ne, %rem3A_70, %ne3A_71 : i32
      %lt3A = arith.constant 0 : i32
      %lt3A_73 = arith.cmpi slt, %rem3A_70, %lt3A : i32
      %lt3A_74 = arith.constant 0 : i32
      %lt3A_75 = arith.cmpi slt, %select_n3A_69, %lt3A_74 : i32
      %ne3A_76 = arith.xori %lt3A_73, %lt3A_75 : i1
      %and3A_77 = arith.andi %ne3A_76, %ne3A_72 : i1
      %add3A_78 = arith.addi %rem3A_70, %select_n3A_69 : i32
      %select_n3A_79 = arith.select %and3A_77, %add3A_78, %rem3A_70 : i32
      %mul3A_80 = arith.constant 16 : i32
      %mul3A_81 = arith.muli %select_n3A_79, %mul3A_80 : i32
      %get3A = arith.index_cast %select_n3A : i32 to index
      %get3A_82 = arith.index_cast %mul3A_81 : i32 to index
      %get3A_83 = tpu.vector_load %arg9[%get3A, %get3A_82] {strides = array<i32>} : memref<32x128xi32, #tpu.memory_space<vmem>>, vector<1x16xi32>,
      %get3A_84 = vector.shape_cast %get3A_83 : vector<1x16xi32> to vector<16xi32>
      %max3A = arith.constant 0 : i32
      %max3A_85 = vector.broadcast %max3A : i32 to vector<16xi32>
      %max3A_86 = arith.maxsi %get3A_84, %max3A_85 : vector<16xi32>
      %add3A_87 = vector.broadcast %mul3A_0 : i32 to vector<16xi32>
      %add3A_88 = arith.addi %add3A_87, %max3A_86 : vector<16xi32>
      %jit3A_89 = arith.constant 8 : i32
      %div3A_90 = arith.divsi %scan3A_48, %jit3A_89 : i32
      %sign3A_91 = arith.constant 0 : i32
      %sign3A_92 = arith.cmpi sgt, %scan3A_48, %sign3A_91 : i32
      %sign3A_93 = arith.extui %sign3A_92 : i1 to i32
      %sign3A_94 = arith.constant 0 : i32
      %sign3A_95 = arith.cmpi slt, %scan3A_48, %sign3A_94 : i32
      %sign3A_96 = arith.extui %sign3A_95 : i1 to i32
      %sign3A_97 = arith.subi %sign3A_93, %sign3A_96 : i32
      %sign3A_98 = arith.constant 0 : i32
      %sign3A_99 = arith.cmpi sgt, %jit3A_89, %sign3A_98 : i32
      %sign3A_100 = arith.extui %sign3A_99 : i1 to i32
      %sign3A_101 = arith.constant 0 : i32
      %sign3A_102 = arith.cmpi slt, %jit3A_89, %sign3A_101 : i32
      %sign3A_103 = arith.extui %sign3A_102 : i1 to i32
      %sign3A_104 = arith.subi %sign3A_100, %sign3A_103 : i32
      %ne3A_105 = arith.cmpi ne, %sign3A_97, %sign3A_104 : i32
      %rem3A_106 = arith.remsi %scan3A_48, %jit3A_89 : i32
      %ne3A_107 = arith.constant 0 : i32
      %ne3A_108 = arith.cmpi ne, %rem3A_106, %ne3A_107 : i32
      %and3A_109 = arith.andi %ne3A_105, %ne3A_108 : i1
      %sub3A_110 = arith.constant 1 : i32
      %sub3A_111 = arith.subi %div3A_90, %sub3A_110 : i32
      %select_n3A_112 = arith.select %and3A_109, %sub3A_111, %div3A_90 : i32
      %jit3A_113 = arith.constant 8 : i32
      %eq3A_114 = arith.constant 0 : i32
      %eq3A_115 = arith.cmpi eq, %jit3A_113, %eq3A_114 : i32
      %jit3A_116 = arith.constant 1 : i32
      %select_n3A_117 = arith.select %eq3A_115, %jit3A_116, %jit3A_113 : i32
      %rem3A_118 = arith.remsi %scan3A_48, %select_n3A_117 : i32
      %ne3A_119 = arith.constant 0 : i32
      %ne3A_120 = arith.cmpi ne, %rem3A_118, %ne3A_119 : i32
      %lt3A_121 = arith.constant 0 : i32
      %lt3A_122 = arith.cmpi slt, %rem3A_118, %lt3A_121 : i32
      %lt3A_123 = arith.constant 0 : i32
      %lt3A_124 = arith.cmpi slt, %select_n3A_117, %lt3A_123 : i32
      %ne3A_125 = arith.xori %lt3A_122, %lt3A_124 : i1
      %and3A_126 = arith.andi %ne3A_125, %ne3A_120 : i1
      %add3A_127 = arith.addi %rem3A_118, %select_n3A_117 : i32
      %select_n3A_128 = arith.select %and3A_126, %add3A_127, %rem3A_118 : i32
      %mul3A_129 = arith.constant 16 : i32
      %mul3A_130 = arith.muli %select_n3A_128, %mul3A_129 : i32
      %swap3A = arith.index_cast %select_n3A_112 : i32 to index
      %swap3A_131 = arith.index_cast %mul3A_130 : i32 to index
      %swap3A_132 = tpu.vector_load %arg6[%swap3A, %swap3A_131] {strides = array<i32>} : memref<32x128xi32, #tpu.memory_space<vmem>>, vector<1x16xi32>,
      %swap3A_133 = vector.shape_cast %swap3A_132 : vector<1x16xi32> to vector<16xi32>
      %swap3A_134 = vector.shape_cast %add3A_88 : vector<16xi32> to vector<1x16xi32>
      tpu.vector_store %arg6[%swap3A, %swap3A_131], %swap3A_134 {strides = array<i32>} : memref<32x128xi32, #tpu.memory_space<vmem>>, vector<1x16xi32>,
      %scan3A_135 = arith.constant 0 : i32
      scf.yield %scan3A_135 : i32
    }
    %scan3A_28 = arith.constant 216 : i32
    "tpu.region"() ({
      %run_scoped3A = tpu.sem_alloc : memref<!tpu.dma_semaphore, #tpu.memory_space<semaphore_mem>>
      %dma_start3A = arith.constant 0 : i32
      %dma_start3A_48 = tpu.memref_slice %arg3[%dma_start3A] : memref<6553600xi32, #tpu.memory_space<hbm>> -> memref<6553600xi32, #tpu.memory_space<hbm>>
      tpu.enqueue_indirect_dma source(%dma_start3A_48 : memref<6553600xi32, #tpu.memory_space<hbm>>) target(%arg8 : memref<128xi32, #tpu.memory_space<vmem>>) offsets(%arg7 : memref<128xi32, #tpu.memory_space<vmem>>) semaphore(%run_scoped3A : memref<!tpu.dma_semaphore, #tpu.memory_space<semaphore_mem>>)
      %dma_wait3A = arith.constant 0 : i32
      %dma_wait3A_49 = tpu.memref_slice %arg3[%dma_wait3A] : memref<6553600xi32, #tpu.memory_space<hbm>> -> memref<6553600xi32, #tpu.memory_space<hbm>>
      tpu.wait_indirect_dma semaphore(%run_scoped3A : memref<!tpu.dma_semaphore, #tpu.memory_space<semaphore_mem>>) src(%dma_wait3A_49 : memref<6553600xi32, #tpu.memory_space<hbm>>) dst(%arg8 : memref<128xi32, #tpu.memory_space<vmem>>)
      tpu.yield
    }) : () -> ()
    %mul3A_29 = arith.constant 2048 : i32
    %mul3A_30 = arith.muli %arg0, %mul3A_29 : i32
    %mul3A_31 = arith.constant 128 : i32
    %mul3A_32 = arith.muli %arg1, %mul3A_31 : i32
    %add3A_33 = arith.addi %mul3A_30, %mul3A_32 : i32
    "tpu.region"() ({
      %run_scoped3A = tpu.sem_alloc : memref<!tpu.dma_semaphore, #tpu.memory_space<semaphore_mem>>
      %dma_start3A = tpu.memref_slice %arg4[%add3A_33] : memref<4096xi32, #tpu.memory_space<hbm>> -> memref<128xi32, #tpu.memory_space<hbm>>
      %dma_start3A_48 = tpu.memref_slice %arg4[%add3A_33] : memref<4096xi32, #tpu.memory_space<hbm>> -> memref<128xi32, #tpu.memory_space<hbm>>
      tpu.enqueue_dma source(%arg8 : memref<128xi32, #tpu.memory_space<vmem>>) target(%dma_start3A_48 : memref<128xi32, #tpu.memory_space<hbm>>) target_semaphore(%run_scoped3A : memref<!tpu.dma_semaphore, #tpu.memory_space<semaphore_mem>>)
      %dma_wait3A = tpu.memref_slice %arg4[%add3A_33] : memref<4096xi32, #tpu.memory_space<hbm>> -> memref<128xi32, #tpu.memory_space<hbm>>
      %dma_wait3A_49 = tpu.memref_slice %arg4[%add3A_33] : memref<4096xi32, #tpu.memory_space<hbm>> -> memref<128xi32, #tpu.memory_space<hbm>>
      tpu.wait_dma2 semaphore(%run_scoped3A : memref<!tpu.dma_semaphore, #tpu.memory_space<semaphore_mem>>) src(%arg8 : memref<128xi32, #tpu.memory_space<vmem>>) dst(%dma_wait3A_49 : memref<128xi32, #tpu.memory_space<hbm>>)
      tpu.yield
    }) : () -> ()
    %scan3A_34 = arith.constant 0 : i32
    %scan3A_35 = arith.constant 0 : i32
    %scan3A_36 = arith.constant 27 : i32
    %scan3A_37 = arith.addi %scan3A_35, %scan3A_36 : i32
    %scan3A_38 = arith.constant 1 : i32
    %scan3A_39 = scf.for %scan3A_48 = %scan3A_35 to %scan3A_37 step %scan3A_38 iter_args(%scan3A_49 = %scan3A_34) -> (i32)  : i32 {
      "tpu.region"() ({
        %run_scoped3A = tpu.sem_alloc : memref<!tpu.dma_semaphore, #tpu.memory_space<semaphore_mem>>
        %dma_start3A = arith.constant 0 : i32
        %dma_start3A_51 = tpu.memref_slice %arg9[%scan3A_48, %dma_start3A] : memref<32x128xi32, #tpu.memory_space<vmem>> -> memref<1x128xi32, #tpu.memory_space<vmem>>
        %dma_start3A_52 = tpu.memref_squeeze %dma_start3A_51 : memref<1x128xi32, #tpu.memory_space<vmem>> -> memref<128xi32, #tpu.memory_space<vmem>>
        %dma_start3A_53 = arith.constant 0 : i32
        %dma_start3A_54 = tpu.memref_slice %arg6[%scan3A_48, %dma_start3A_53] : memref<32x128xi32, #tpu.memory_space<vmem>> -> memref<1x128xi32, #tpu.memory_space<vmem>>
        %dma_start3A_55 = tpu.memref_squeeze %dma_start3A_54 : memref<1x128xi32, #tpu.memory_space<vmem>> -> memref<128xi32, #tpu.memory_space<vmem>>
        %dma_start3A_56 = arith.constant 0 : i32
        %dma_start3A_57 = tpu.memref_slice %arg3[%dma_start3A_56] : memref<6553600xi32, #tpu.memory_space<hbm>> -> memref<6553600xi32, #tpu.memory_space<hbm>>
        tpu.enqueue_indirect_dma source(%dma_start3A_57 : memref<6553600xi32, #tpu.memory_space<hbm>>) target(%dma_start3A_52 : memref<128xi32, #tpu.memory_space<vmem>>) offsets(%dma_start3A_55 : memref<128xi32, #tpu.memory_space<vmem>>) semaphore(%run_scoped3A : memref<!tpu.dma_semaphore, #tpu.memory_space<semaphore_mem>>)
        %dma_wait3A = arith.constant 0 : i32
        %dma_wait3A_58 = tpu.memref_slice %arg9[%scan3A_48, %dma_wait3A] : memref<32x128xi32, #tpu.memory_space<vmem>> -> memref<1x128xi32, #tpu.memory_space<vmem>>
        %dma_wait3A_59 = tpu.memref_squeeze %dma_wait3A_58 : memref<1x128xi32, #tpu.memory_space<vmem>> -> memref<128xi32, #tpu.memory_space<vmem>>
        %dma_wait3A_60 = arith.constant 0 : i32
        %dma_wait3A_61 = tpu.memref_slice %arg6[%scan3A_48, %dma_wait3A_60] : memref<32x128xi32, #tpu.memory_space<vmem>> -> memref<1x128xi32, #tpu.memory_space<vmem>>
        %dma_wait3A_62 = tpu.memref_squeeze %dma_wait3A_61 : memref<1x128xi32, #tpu.memory_space<vmem>> -> memref<128xi32, #tpu.memory_space<vmem>>
        %dma_wait3A_63 = arith.constant 0 : i32
        %dma_wait3A_64 = tpu.memref_slice %arg3[%dma_wait3A_63] : memref<6553600xi32, #tpu.memory_space<hbm>> -> memref<6553600xi32, #tpu.memory_space<hbm>>
        tpu.wait_indirect_dma semaphore(%run_scoped3A : memref<!tpu.dma_semaphore, #tpu.memory_space<semaphore_mem>>) src(%dma_wait3A_64 : memref<6553600xi32, #tpu.memory_space<hbm>>) dst(%dma_wait3A_59 : memref<128xi32, #tpu.memory_space<vmem>>)
        tpu.yield
      }) : () -> ()
      %scan3A_50 = arith.constant 0 : i32
      scf.yield %scan3A_50 : i32
    }
    %scan3A_40 = arith.constant 27 : i32
    %scan3A_41 = arith.constant 0 : i32
    %scan3A_42 = arith.constant 0 : i32
    %scan3A_43 = arith.constant 27 : i32
    %scan3A_44 = arith.addi %scan3A_42, %scan3A_43 : i32
    %scan3A_45 = arith.constant 1 : i32
    %scan3A_46 = scf.for %scan3A_48 = %scan3A_42 to %scan3A_44 step %scan3A_45 iter_args(%scan3A_49 = %scan3A_41) -> (i32)  : i32 {
      %mul3A_50 = arith.constant 32 : i32
      %mul3A_51 = arith.muli %arg0, %mul3A_50 : i32
      %add3A_52 = arith.addi %mul3A_51, %scan3A_48 : i32
      %mul3A_53 = arith.constant 2048 : i32
      %mul3A_54 = arith.muli %add3A_52, %mul3A_53 : i32
      %mul3A_55 = arith.constant 128 : i32
      %mul3A_56 = arith.muli %arg1, %mul3A_55 : i32
      %add3A_57 = arith.addi %mul3A_54, %mul3A_56 : i32
      "tpu.region"() ({
        %run_scoped3A = tpu.sem_alloc : memref<!tpu.dma_semaphore, #tpu.memory_space<semaphore_mem>>
        %dma_start3A = arith.constant 0 : i32
        %dma_start3A_59 = tpu.memref_slice %arg9[%scan3A_48, %dma_start3A] : memref<32x128xi32, #tpu.memory_space<vmem>> -> memref<1x128xi32, #tpu.memory_space<vmem>>
        %dma_start3A_60 = tpu.memref_squeeze %dma_start3A_59 : memref<1x128xi32, #tpu.memory_space<vmem>> -> memref<128xi32, #tpu.memory_space<vmem>>
        %dma_start3A_61 = tpu.memref_slice %arg5[%add3A_57] : memref<131072xi32, #tpu.memory_space<hbm>> -> memref<128xi32, #tpu.memory_space<hbm>>
        %dma_start3A_62 = tpu.memref_slice %arg5[%add3A_57] : memref<131072xi32, #tpu.memory_space<hbm>> -> memref<128xi32, #tpu.memory_space<hbm>>
        %dma_start3A_63 = arith.constant 0 : i32
        %dma_start3A_64 = tpu.memref_slice %arg9[%scan3A_48, %dma_start3A_63] : memref<32x128xi32, #tpu.memory_space<vmem>> -> memref<1x128xi32, #tpu.memory_space<vmem>>
        %dma_start3A_65 = tpu.memref_squeeze %dma_start3A_64 : memref<1x128xi32, #tpu.memory_space<vmem>> -> memref<128xi32, #tpu.memory_space<vmem>>
        tpu.enqueue_dma source(%dma_start3A_65 : memref<128xi32, #tpu.memory_space<vmem>>) target(%dma_start3A_62 : memref<128xi32, #tpu.memory_space<hbm>>) target_semaphore(%run_scoped3A : memref<!tpu.dma_semaphore, #tpu.memory_space<semaphore_mem>>)
        %dma_wait3A = arith.constant 0 : i32
        %dma_wait3A_66 = tpu.memref_slice %arg9[%scan3A_48, %dma_wait3A] : memref<32x128xi32, #tpu.memory_space<vmem>> -> memref<1x128xi32, #tpu.memory_space<vmem>>
        %dma_wait3A_67 = tpu.memref_squeeze %dma_wait3A_66 : memref<1x128xi32, #tpu.memory_space<vmem>> -> memref<128xi32, #tpu.memory_space<vmem>>
        %dma_wait3A_68 = tpu.memref_slice %arg5[%add3A_57] : memref<131072xi32, #tpu.memory_space<hbm>> -> memref<128xi32, #tpu.memory_space<hbm>>
        %dma_wait3A_69 = tpu.memref_slice %arg5[%add3A_57] : memref<131072xi32, #tpu.memory_space<hbm>> -> memref<128xi32, #tpu.memory_space<hbm>>
        %dma_wait3A_70 = arith.constant 0 : i32
        %dma_wait3A_71 = tpu.memref_slice %arg9[%scan3A_48, %dma_wait3A_70] : memref<32x128xi32, #tpu.memory_space<vmem>> -> memref<1x128xi32, #tpu.memory_space<vmem>>
        %dma_wait3A_72 = tpu.memref_squeeze %dma_wait3A_71 : memref<1x128xi32, #tpu.memory_space<vmem>> -> memref<128xi32, #tpu.memory_space<vmem>>
        tpu.wait_dma2 semaphore(%run_scoped3A : memref<!tpu.dma_semaphore, #tpu.memory_space<semaphore_mem>>) src(%dma_wait3A_72 : memref<128xi32, #tpu.memory_space<vmem>>) dst(%dma_wait3A_69 : memref<128xi32, #tpu.memory_space<hbm>>)
        tpu.yield
      }) : () -> ()
      %scan3A_58 = arith.constant 0 : i32
      scf.yield %scan3A_58 : i32
    }
    %scan3A_47 = arith.constant 27 : i32
    return
  }
}

#map = affine_map<(d0, d1) -> (0, 0)>
#map1 = affine_map<(d0, d1) -> (0)>
module attributes {stable_mosaic.version = 14 : i64} {
  func.func @_d_body(%arg0: i32, %arg1: i32, %arg2: memref<4096x256xi32, #tpu.memory_space<hbm>>, %arg3: memref<131072xi32, #tpu.memory_space<hbm>>, %arg4: memref<131072x256xi32, #tpu.memory_space<hbm>>, %arg5: memref<32x128xi32, #tpu.memory_space<vmem>>, %arg6: memref<4096xi32, #tpu.memory_space<vmem>>, %arg7: memref<64x256xi32, #tpu.memory_space<vmem>>, %arg8: memref<64x256xi32, #tpu.memory_space<vmem>>, %arg9: memref<64x256xi32, #tpu.memory_space<vmem>>, %arg10: memref<64x256xi32, #tpu.memory_space<vmem>>, %arg11: memref<!tpu.dma_semaphore, #tpu.memory_space<semaphore_mem>>, %arg12: memref<!tpu.dma_semaphore, #tpu.memory_space<semaphore_mem>>, %arg13: memref<!tpu.dma_semaphore, #tpu.memory_space<semaphore_mem>>, %arg14: memref<!tpu.dma_semaphore, #tpu.memory_space<semaphore_mem>>, %arg15: memref<!tpu.dma_semaphore, #tpu.memory_space<semaphore_mem>>, %arg16: memref<!tpu.dma_semaphore, #tpu.memory_space<semaphore_mem>>, %arg17: memref<!tpu.dma_semaphore, #tpu.memory_space<semaphore_mem>>, %arg18: memref<!tpu.dma_semaphore, #tpu.memory_space<semaphore_mem>>) attributes {dimension_semantics = [#tpu.dimension_semantics<core_parallel>, #tpu.dimension_semantics<subcore_parallel>], iteration_bounds = array<i64: 2, 16>, scalar_prefetch = 0 : i64, scratch_operands = 14 : i64, tpu.core_type = #tpu.core_type<sc_vector_subcore>, window_params = [{transform_indices = #map}, {transform_indices = #map1}, {transform_indices = #map}]} {
    %scan3A = arith.constant 0 : i32
    %scan3A_0 = arith.constant 0 : i32
    %scan3A_1 = arith.constant 27 : i32
    %scan3A_2 = arith.addi %scan3A_0, %scan3A_1 : i32
    %scan3A_3 = arith.constant 1 : i32
    %scan3A_4 = scf.for %scan3A_90 = %scan3A_0 to %scan3A_2 step %scan3A_3 iter_args(%scan3A_91 = %scan3A) -> (i32)  : i32 {
      %mul3A_92 = arith.constant 32 : i32
      %mul3A_93 = arith.muli %arg0, %mul3A_92 : i32
      %add3A_94 = arith.addi %mul3A_93, %scan3A_90 : i32
      %mul3A_95 = arith.constant 2048 : i32
      %mul3A_96 = arith.muli %add3A_94, %mul3A_95 : i32
      %mul3A_97 = arith.constant 128 : i32
      %mul3A_98 = arith.muli %arg1, %mul3A_97 : i32
      %add3A_99 = arith.addi %mul3A_96, %mul3A_98 : i32
      "tpu.region"() ({
        %run_scoped3A = tpu.sem_alloc : memref<!tpu.dma_semaphore, #tpu.memory_space<semaphore_mem>>
        %dma_start3A_101 = arith.constant 0 : i32
        %dma_start3A_102 = tpu.memref_slice %arg5[%scan3A_90, %dma_start3A_101] : memref<32x128xi32, #tpu.memory_space<vmem>> -> memref<1x128xi32, #tpu.memory_space<vmem>>
        %dma_start3A_103 = tpu.memref_squeeze %dma_start3A_102 : memref<1x128xi32, #tpu.memory_space<vmem>> -> memref<128xi32, #tpu.memory_space<vmem>>
        %dma_start3A_104 = tpu.memref_slice %arg3[%add3A_99] : memref<131072xi32, #tpu.memory_space<hbm>> -> memref<128xi32, #tpu.memory_space<hbm>>
        %dma_start3A_105 = arith.constant 0 : i32
        %dma_start3A_106 = tpu.memref_slice %arg5[%scan3A_90, %dma_start3A_105] : memref<32x128xi32, #tpu.memory_space<vmem>> -> memref<1x128xi32, #tpu.memory_space<vmem>>
        %dma_start3A_107 = tpu.memref_squeeze %dma_start3A_106 : memref<1x128xi32, #tpu.memory_space<vmem>> -> memref<128xi32, #tpu.memory_space<vmem>>
        %dma_start3A_108 = tpu.memref_slice %arg3[%add3A_99] : memref<131072xi32, #tpu.memory_space<hbm>> -> memref<128xi32, #tpu.memory_space<hbm>>
        tpu.enqueue_dma source(%dma_start3A_108 : memref<128xi32, #tpu.memory_space<hbm>>) target(%dma_start3A_107 : memref<128xi32, #tpu.memory_space<vmem>>) target_semaphore(%run_scoped3A : memref<!tpu.dma_semaphore, #tpu.memory_space<semaphore_mem>>)
        %dma_wait3A_109 = arith.constant 0 : i32
        %dma_wait3A_110 = tpu.memref_slice %arg5[%scan3A_90, %dma_wait3A_109] : memref<32x128xi32, #tpu.memory_space<vmem>> -> memref<1x128xi32, #tpu.memory_space<vmem>>
        %dma_wait3A_111 = tpu.memref_squeeze %dma_wait3A_110 : memref<1x128xi32, #tpu.memory_space<vmem>> -> memref<128xi32, #tpu.memory_space<vmem>>
        %dma_wait3A_112 = tpu.memref_slice %arg3[%add3A_99] : memref<131072xi32, #tpu.memory_space<hbm>> -> memref<128xi32, #tpu.memory_space<hbm>>
        %dma_wait3A_113 = arith.constant 0 : i32
        %dma_wait3A_114 = tpu.memref_slice %arg5[%scan3A_90, %dma_wait3A_113] : memref<32x128xi32, #tpu.memory_space<vmem>> -> memref<1x128xi32, #tpu.memory_space<vmem>>
        %dma_wait3A_115 = tpu.memref_squeeze %dma_wait3A_114 : memref<1x128xi32, #tpu.memory_space<vmem>> -> memref<128xi32, #tpu.memory_space<vmem>>
        %dma_wait3A_116 = tpu.memref_slice %arg3[%add3A_99] : memref<131072xi32, #tpu.memory_space<hbm>> -> memref<128xi32, #tpu.memory_space<hbm>>
        tpu.wait_dma2 semaphore(%run_scoped3A : memref<!tpu.dma_semaphore, #tpu.memory_space<semaphore_mem>>) src(%dma_wait3A_116 : memref<128xi32, #tpu.memory_space<hbm>>) dst(%dma_wait3A_115 : memref<128xi32, #tpu.memory_space<vmem>>)
        tpu.yield
      }) : () -> ()
      %scan3A_100 = arith.constant 0 : i32
      scf.yield %scan3A_100 : i32
    }
    %scan3A_5 = arith.constant 27 : i32
    %scan3A_6 = arith.constant 0 : i32
    %scan3A_7 = arith.constant 0 : i32
    %scan3A_8 = arith.constant 216 : i32
    %scan3A_9 = arith.addi %scan3A_7, %scan3A_8 : i32
    %scan3A_10 = arith.constant 1 : i32
    %scan3A_11 = scf.for %scan3A_90 = %scan3A_7 to %scan3A_9 step %scan3A_10 iter_args(%scan3A_91 = %scan3A_6) -> (i32)  : i32 {
      %mul3A_92 = arith.constant 2048 : i32
      %mul3A_93 = arith.muli %arg0, %mul3A_92 : i32
      %jit3A = arith.constant 8 : i32
      %div3A = arith.divsi %scan3A_90, %jit3A : i32
      %sign3A = arith.constant 0 : i32
      %sign3A_94 = arith.cmpi sgt, %scan3A_90, %sign3A : i32
      %sign3A_95 = arith.extui %sign3A_94 : i1 to i32
      %sign3A_96 = arith.constant 0 : i32
      %sign3A_97 = arith.cmpi slt, %scan3A_90, %sign3A_96 : i32
      %sign3A_98 = arith.extui %sign3A_97 : i1 to i32
      %sign3A_99 = arith.subi %sign3A_95, %sign3A_98 : i32
      %sign3A_100 = arith.constant 0 : i32
      %sign3A_101 = arith.cmpi sgt, %jit3A, %sign3A_100 : i32
      %sign3A_102 = arith.extui %sign3A_101 : i1 to i32
      %sign3A_103 = arith.constant 0 : i32
      %sign3A_104 = arith.cmpi slt, %jit3A, %sign3A_103 : i32
      %sign3A_105 = arith.extui %sign3A_104 : i1 to i32
      %sign3A_106 = arith.subi %sign3A_102, %sign3A_105 : i32
      %ne3A = arith.cmpi ne, %sign3A_99, %sign3A_106 : i32
      %rem3A = arith.remsi %scan3A_90, %jit3A : i32
      %ne3A_107 = arith.constant 0 : i32
      %ne3A_108 = arith.cmpi ne, %rem3A, %ne3A_107 : i32
      %and3A = arith.andi %ne3A, %ne3A_108 : i1
      %sub3A = arith.constant 1 : i32
      %sub3A_109 = arith.subi %div3A, %sub3A : i32
      %select_n3A = arith.select %and3A, %sub3A_109, %div3A : i32
      %jit3A_110 = arith.constant 8 : i32
      %eq3A = arith.constant 0 : i32
      %eq3A_111 = arith.cmpi eq, %jit3A_110, %eq3A : i32
      %jit3A_112 = arith.constant 1 : i32
      %select_n3A_113 = arith.select %eq3A_111, %jit3A_112, %jit3A_110 : i32
      %rem3A_114 = arith.remsi %scan3A_90, %select_n3A_113 : i32
      %ne3A_115 = arith.constant 0 : i32
      %ne3A_116 = arith.cmpi ne, %rem3A_114, %ne3A_115 : i32
      %lt3A = arith.constant 0 : i32
      %lt3A_117 = arith.cmpi slt, %rem3A_114, %lt3A : i32
      %lt3A_118 = arith.constant 0 : i32
      %lt3A_119 = arith.cmpi slt, %select_n3A_113, %lt3A_118 : i32
      %ne3A_120 = arith.xori %lt3A_117, %lt3A_119 : i1
      %and3A_121 = arith.andi %ne3A_120, %ne3A_116 : i1
      %add3A_122 = arith.addi %rem3A_114, %select_n3A_113 : i32
      %select_n3A_123 = arith.select %and3A_121, %add3A_122, %rem3A_114 : i32
      %mul3A_124 = arith.constant 16 : i32
      %mul3A_125 = arith.muli %select_n3A_123, %mul3A_124 : i32
      %get3A = arith.index_cast %select_n3A : i32 to index
      %get3A_126 = arith.index_cast %mul3A_125 : i32 to index
      %get3A_127 = tpu.vector_load %arg5[%get3A, %get3A_126] {strides = array<i32>} : memref<32x128xi32, #tpu.memory_space<vmem>>, vector<1x16xi32>,
      %get3A_128 = vector.shape_cast %get3A_127 : vector<1x16xi32> to vector<16xi32>
      %max3A = arith.constant 0 : i32
      %max3A_129 = vector.broadcast %max3A : i32 to vector<16xi32>
      %max3A_130 = arith.maxsi %get3A_128, %max3A_129 : vector<16xi32>
      %add3A_131 = vector.broadcast %mul3A_93 : i32 to vector<16xi32>
      %add3A_132 = arith.addi %add3A_131, %max3A_130 : vector<16xi32>
      %mul3A_133 = arith.constant 16 : i32
      %mul3A_134 = arith.muli %scan3A_90, %mul3A_133 : i32
      %swap3A = arith.index_cast %mul3A_134 : i32 to index
      %swap3A_135 = tpu.vector_load %arg6[%swap3A] {strides = array<i32>} : memref<4096xi32, #tpu.memory_space<vmem>>, vector<16xi32>,
      %swap3A_136 = vector.shape_cast %swap3A_135 : vector<16xi32> to vector<16xi32>
      %swap3A_137 = vector.shape_cast %add3A_132 : vector<16xi32> to vector<16xi32>
      tpu.vector_store %arg6[%swap3A], %swap3A_137 {strides = array<i32>} : memref<4096xi32, #tpu.memory_space<vmem>>, vector<16xi32>,
      %scan3A_138 = arith.constant 0 : i32
      scf.yield %scan3A_138 : i32
    }
    %scan3A_12 = arith.constant 216 : i32
    %dma_start3A = arith.constant 0 : i32
    %dma_start3A_13 = tpu.memref_slice %arg6[%dma_start3A] : memref<4096xi32, #tpu.memory_space<vmem>> -> memref<64xi32, #tpu.memory_space<vmem>>
    %dma_start3A_14 = arith.constant 0 : i32
    %dma_start3A_15 = arith.constant 0 : i32
    %dma_start3A_16 = tpu.memref_slice %arg2[%dma_start3A_14, %dma_start3A_15] : memref<4096x256xi32, #tpu.memory_space<hbm>> -> memref<4096x256xi32, #tpu.memory_space<hbm>>
    tpu.enqueue_indirect_dma source(%dma_start3A_16 : memref<4096x256xi32, #tpu.memory_space<hbm>>) target(%arg7 : memref<64x256xi32, #tpu.memory_space<vmem>>) offsets(%dma_start3A_13 : memref<64xi32, #tpu.memory_space<vmem>>) semaphore(%arg11 : memref<!tpu.dma_semaphore, #tpu.memory_space<semaphore_mem>>)
    %dma_start3A_17 = arith.constant 64 : i32
    %dma_start3A_18 = tpu.memref_slice %arg6[%dma_start3A_17] : memref<4096xi32, #tpu.memory_space<vmem>> -> memref<64xi32, #tpu.memory_space<vmem>>
    %dma_start3A_19 = arith.constant 0 : i32
    %dma_start3A_20 = arith.constant 0 : i32
    %dma_start3A_21 = tpu.memref_slice %arg2[%dma_start3A_19, %dma_start3A_20] : memref<4096x256xi32, #tpu.memory_space<hbm>> -> memref<4096x256xi32, #tpu.memory_space<hbm>>
    tpu.enqueue_indirect_dma source(%dma_start3A_21 : memref<4096x256xi32, #tpu.memory_space<hbm>>) target(%arg8 : memref<64x256xi32, #tpu.memory_space<vmem>>) offsets(%dma_start3A_18 : memref<64xi32, #tpu.memory_space<vmem>>) semaphore(%arg13 : memref<!tpu.dma_semaphore, #tpu.memory_space<semaphore_mem>>)
    %scan3A_22 = arith.constant 0 : i32
    %scan3A_23 = arith.constant 0 : i32
    %scan3A_24 = arith.constant 13 : i32
    %scan3A_25 = arith.addi %scan3A_23, %scan3A_24 : i32
    %scan3A_26 = arith.constant 1 : i32
    %scan3A_27 = scf.for %scan3A_90 = %scan3A_23 to %scan3A_25 step %scan3A_26 iter_args(%scan3A_91 = %scan3A_22) -> (i32)  : i32 {
      %mul3A_92 = arith.constant 2 : i32
      %mul3A_93 = arith.muli %mul3A_92, %scan3A_90 : i32
      %add3A_94 = arith.constant 0 : i32
      %add3A_95 = arith.addi %mul3A_93, %add3A_94 : i32
      %ge3A = arith.constant 1 : i32
      %ge3A_96 = arith.cmpi sge, %scan3A_90, %ge3A : i32
      %convert_element_type3A = arith.extui %ge3A_96 : i1 to i32
      %cond3A = arith.constant 0 : i32
      %cond3A_97 = arith.cmpi ne, %convert_element_type3A, %cond3A : i32
      scf.if %cond3A_97 {
        %dma_wait3A_239 = arith.constant 0 : i32
        %dma_wait3A_240 = arith.constant 0 : i32
        %dma_wait3A_241 = tpu.memref_slice %arg4[%dma_wait3A_239, %dma_wait3A_240] : memref<131072x256xi32, #tpu.memory_space<hbm>> -> memref<64x256xi32, #tpu.memory_space<hbm>>
        %dma_wait3A_242 = arith.constant 0 : i32
        %dma_wait3A_243 = arith.constant 0 : i32
        %dma_wait3A_244 = tpu.memref_slice %arg4[%dma_wait3A_242, %dma_wait3A_243] : memref<131072x256xi32, #tpu.memory_space<hbm>> -> memref<64x256xi32, #tpu.memory_space<hbm>>
        tpu.wait_dma2 semaphore(%arg16 : memref<!tpu.dma_semaphore, #tpu.memory_space<semaphore_mem>>) src(%arg9 : memref<64x256xi32, #tpu.memory_space<vmem>>) dst(%dma_wait3A_244 : memref<64x256xi32, #tpu.memory_space<hbm>>)
        %dma_wait3A_245 = arith.constant 0 : i32
        %dma_wait3A_246 = arith.constant 0 : i32
        %dma_wait3A_247 = tpu.memref_slice %arg4[%dma_wait3A_245, %dma_wait3A_246] : memref<131072x256xi32, #tpu.memory_space<hbm>> -> memref<64x256xi32, #tpu.memory_space<hbm>>
        %dma_wait3A_248 = arith.constant 0 : i32
        %dma_wait3A_249 = arith.constant 0 : i32
        %dma_wait3A_250 = tpu.memref_slice %arg4[%dma_wait3A_248, %dma_wait3A_249] : memref<131072x256xi32, #tpu.memory_space<hbm>> -> memref<64x256xi32, #tpu.memory_space<hbm>>
        tpu.wait_dma2 semaphore(%arg18 : memref<!tpu.dma_semaphore, #tpu.memory_space<semaphore_mem>>) src(%arg10 : memref<64x256xi32, #tpu.memory_space<vmem>>) dst(%dma_wait3A_250 : memref<64x256xi32, #tpu.memory_space<hbm>>)
      } else {
      }
      %add3A_98 = arith.constant 1 : i32
      %add3A_99 = arith.addi %add3A_95, %add3A_98 : i32
      %mul3A_100 = arith.constant 128 : i32
      %mul3A_101 = arith.muli %add3A_99, %mul3A_100 : i32
      %add3A_102 = arith.constant 0 : i32
      %add3A_103 = arith.addi %mul3A_101, %add3A_102 : i32
      %dma_start3A_104 = tpu.memref_slice %arg6[%add3A_103] : memref<4096xi32, #tpu.memory_space<vmem>> -> memref<64xi32, #tpu.memory_space<vmem>>
      %dma_start3A_105 = arith.constant 0 : i32
      %dma_start3A_106 = arith.constant 0 : i32
      %dma_start3A_107 = tpu.memref_slice %arg2[%dma_start3A_105, %dma_start3A_106] : memref<4096x256xi32, #tpu.memory_space<hbm>> -> memref<4096x256xi32, #tpu.memory_space<hbm>>
      tpu.enqueue_indirect_dma source(%dma_start3A_107 : memref<4096x256xi32, #tpu.memory_space<hbm>>) target(%arg9 : memref<64x256xi32, #tpu.memory_space<vmem>>) offsets(%dma_start3A_104 : memref<64xi32, #tpu.memory_space<vmem>>) semaphore(%arg12 : memref<!tpu.dma_semaphore, #tpu.memory_space<semaphore_mem>>)
      %mul3A_108 = arith.constant 128 : i32
      %mul3A_109 = arith.muli %add3A_99, %mul3A_108 : i32
      %add3A_110 = arith.constant 64 : i32
      %add3A_111 = arith.addi %mul3A_109, %add3A_110 : i32
      %dma_start3A_112 = tpu.memref_slice %arg6[%add3A_111] : memref<4096xi32, #tpu.memory_space<vmem>> -> memref<64xi32, #tpu.memory_space<vmem>>
      %dma_start3A_113 = arith.constant 0 : i32
      %dma_start3A_114 = arith.constant 0 : i32
      %dma_start3A_115 = tpu.memref_slice %arg2[%dma_start3A_113, %dma_start3A_114] : memref<4096x256xi32, #tpu.memory_space<hbm>> -> memref<4096x256xi32, #tpu.memory_space<hbm>>
      tpu.enqueue_indirect_dma source(%dma_start3A_115 : memref<4096x256xi32, #tpu.memory_space<hbm>>) target(%arg10 : memref<64x256xi32, #tpu.memory_space<vmem>>) offsets(%dma_start3A_112 : memref<64xi32, #tpu.memory_space<vmem>>) semaphore(%arg14 : memref<!tpu.dma_semaphore, #tpu.memory_space<semaphore_mem>>)
      %mul3A_116 = arith.constant 128 : i32
      %mul3A_117 = arith.muli %add3A_95, %mul3A_116 : i32
      %add3A_118 = arith.constant 0 : i32
      %add3A_119 = arith.addi %mul3A_117, %add3A_118 : i32
      %dma_wait3A_120 = tpu.memref_slice %arg6[%add3A_119] : memref<4096xi32, #tpu.memory_space<vmem>> -> memref<64xi32, #tpu.memory_space<vmem>>
      %dma_wait3A_121 = arith.constant 0 : i32
      %dma_wait3A_122 = arith.constant 0 : i32
      %dma_wait3A_123 = tpu.memref_slice %arg2[%dma_wait3A_121, %dma_wait3A_122] : memref<4096x256xi32, #tpu.memory_space<hbm>> -> memref<4096x256xi32, #tpu.memory_space<hbm>>
      tpu.wait_indirect_dma semaphore(%arg11 : memref<!tpu.dma_semaphore, #tpu.memory_space<semaphore_mem>>) src(%dma_wait3A_123 : memref<4096x256xi32, #tpu.memory_space<hbm>>) dst(%arg7 : memref<64x256xi32, #tpu.memory_space<vmem>>)
      %mul3A_124 = arith.constant 128 : i32
      %mul3A_125 = arith.muli %add3A_95, %mul3A_124 : i32
      %add3A_126 = arith.constant 64 : i32
      %add3A_127 = arith.addi %mul3A_125, %add3A_126 : i32
      %dma_wait3A_128 = tpu.memref_slice %arg6[%add3A_127] : memref<4096xi32, #tpu.memory_space<vmem>> -> memref<64xi32, #tpu.memory_space<vmem>>
      %dma_wait3A_129 = arith.constant 0 : i32
      %dma_wait3A_130 = arith.constant 0 : i32
      %dma_wait3A_131 = tpu.memref_slice %arg2[%dma_wait3A_129, %dma_wait3A_130] : memref<4096x256xi32, #tpu.memory_space<hbm>> -> memref<4096x256xi32, #tpu.memory_space<hbm>>
      tpu.wait_indirect_dma semaphore(%arg13 : memref<!tpu.dma_semaphore, #tpu.memory_space<semaphore_mem>>) src(%dma_wait3A_131 : memref<4096x256xi32, #tpu.memory_space<hbm>>) dst(%arg8 : memref<64x256xi32, #tpu.memory_space<vmem>>)
      %mul3A_132 = arith.constant 32 : i32
      %mul3A_133 = arith.muli %arg0, %mul3A_132 : i32
      %add3A_134 = arith.addi %mul3A_133, %add3A_95 : i32
      %mul3A_135 = arith.constant 2048 : i32
      %mul3A_136 = arith.muli %add3A_134, %mul3A_135 : i32
      %mul3A_137 = arith.constant 128 : i32
      %mul3A_138 = arith.muli %arg1, %mul3A_137 : i32
      %add3A_139 = arith.addi %mul3A_136, %mul3A_138 : i32
      %add3A_140 = arith.constant 0 : i32
      %add3A_141 = arith.addi %add3A_139, %add3A_140 : i32
      %dma_start3A_142 = arith.constant 0 : i32
      %dma_start3A_143 = tpu.memref_slice %arg4[%add3A_141, %dma_start3A_142] : memref<131072x256xi32, #tpu.memory_space<hbm>> -> memref<64x256xi32, #tpu.memory_space<hbm>>
      %dma_start3A_144 = arith.constant 0 : i32
      %dma_start3A_145 = tpu.memref_slice %arg4[%add3A_141, %dma_start3A_144] : memref<131072x256xi32, #tpu.memory_space<hbm>> -> memref<64x256xi32, #tpu.memory_space<hbm>>
      tpu.enqueue_dma source(%arg7 : memref<64x256xi32, #tpu.memory_space<vmem>>) target(%dma_start3A_145 : memref<64x256xi32, #tpu.memory_space<hbm>>) target_semaphore(%arg15 : memref<!tpu.dma_semaphore, #tpu.memory_space<semaphore_mem>>)
      %mul3A_146 = arith.constant 32 : i32
      %mul3A_147 = arith.muli %arg0, %mul3A_146 : i32
      %add3A_148 = arith.addi %mul3A_147, %add3A_95 : i32
      %mul3A_149 = arith.constant 2048 : i32
      %mul3A_150 = arith.muli %add3A_148, %mul3A_149 : i32
      %mul3A_151 = arith.constant 128 : i32
      %mul3A_152 = arith.muli %arg1, %mul3A_151 : i32
      %add3A_153 = arith.addi %mul3A_150, %mul3A_152 : i32
      %add3A_154 = arith.constant 64 : i32
      %add3A_155 = arith.addi %add3A_153, %add3A_154 : i32
      %dma_start3A_156 = arith.constant 0 : i32
      %dma_start3A_157 = tpu.memref_slice %arg4[%add3A_155, %dma_start3A_156] : memref<131072x256xi32, #tpu.memory_space<hbm>> -> memref<64x256xi32, #tpu.memory_space<hbm>>
      %dma_start3A_158 = arith.constant 0 : i32
      %dma_start3A_159 = tpu.memref_slice %arg4[%add3A_155, %dma_start3A_158] : memref<131072x256xi32, #tpu.memory_space<hbm>> -> memref<64x256xi32, #tpu.memory_space<hbm>>
      tpu.enqueue_dma source(%arg8 : memref<64x256xi32, #tpu.memory_space<vmem>>) target(%dma_start3A_159 : memref<64x256xi32, #tpu.memory_space<hbm>>) target_semaphore(%arg17 : memref<!tpu.dma_semaphore, #tpu.memory_space<semaphore_mem>>)
      %mul3A_160 = arith.constant 2 : i32
      %mul3A_161 = arith.muli %mul3A_160, %scan3A_90 : i32
      %add3A_162 = arith.constant 1 : i32
      %add3A_163 = arith.addi %mul3A_161, %add3A_162 : i32
      %dma_wait3A_164 = arith.constant 0 : i32
      %dma_wait3A_165 = arith.constant 0 : i32
      %dma_wait3A_166 = tpu.memref_slice %arg4[%dma_wait3A_164, %dma_wait3A_165] : memref<131072x256xi32, #tpu.memory_space<hbm>> -> memref<64x256xi32, #tpu.memory_space<hbm>>
      %dma_wait3A_167 = arith.constant 0 : i32
      %dma_wait3A_168 = arith.constant 0 : i32
      %dma_wait3A_169 = tpu.memref_slice %arg4[%dma_wait3A_167, %dma_wait3A_168] : memref<131072x256xi32, #tpu.memory_space<hbm>> -> memref<64x256xi32, #tpu.memory_space<hbm>>
      tpu.wait_dma2 semaphore(%arg15 : memref<!tpu.dma_semaphore, #tpu.memory_space<semaphore_mem>>) src(%arg7 : memref<64x256xi32, #tpu.memory_space<vmem>>) dst(%dma_wait3A_169 : memref<64x256xi32, #tpu.memory_space<hbm>>)
      %dma_wait3A_170 = arith.constant 0 : i32
      %dma_wait3A_171 = arith.constant 0 : i32
      %dma_wait3A_172 = tpu.memref_slice %arg4[%dma_wait3A_170, %dma_wait3A_171] : memref<131072x256xi32, #tpu.memory_space<hbm>> -> memref<64x256xi32, #tpu.memory_space<hbm>>
      %dma_wait3A_173 = arith.constant 0 : i32
      %dma_wait3A_174 = arith.constant 0 : i32
      %dma_wait3A_175 = tpu.memref_slice %arg4[%dma_wait3A_173, %dma_wait3A_174] : memref<131072x256xi32, #tpu.memory_space<hbm>> -> memref<64x256xi32, #tpu.memory_space<hbm>>
      tpu.wait_dma2 semaphore(%arg17 : memref<!tpu.dma_semaphore, #tpu.memory_space<semaphore_mem>>) src(%arg8 : memref<64x256xi32, #tpu.memory_space<vmem>>) dst(%dma_wait3A_175 : memref<64x256xi32, #tpu.memory_space<hbm>>)
      %add3A_176 = arith.constant 1 : i32
      %add3A_177 = arith.addi %add3A_163, %add3A_176 : i32
      %mul3A_178 = arith.constant 128 : i32
      %mul3A_179 = arith.muli %add3A_177, %mul3A_178 : i32
      %add3A_180 = arith.constant 0 : i32
      %add3A_181 = arith.addi %mul3A_179, %add3A_180 : i32
      %dma_start3A_182 = tpu.memref_slice %arg6[%add3A_181] : memref<4096xi32, #tpu.memory_space<vmem>> -> memref<64xi32, #tpu.memory_space<vmem>>
      %dma_start3A_183 = arith.constant 0 : i32
      %dma_start3A_184 = arith.constant 0 : i32
      %dma_start3A_185 = tpu.memref_slice %arg2[%dma_start3A_183, %dma_start3A_184] : memref<4096x256xi32, #tpu.memory_space<hbm>> -> memref<4096x256xi32, #tpu.memory_space<hbm>>
      tpu.enqueue_indirect_dma source(%dma_start3A_185 : memref<4096x256xi32, #tpu.memory_space<hbm>>) target(%arg7 : memref<64x256xi32, #tpu.memory_space<vmem>>) offsets(%dma_start3A_182 : memref<64xi32, #tpu.memory_space<vmem>>) semaphore(%arg11 : memref<!tpu.dma_semaphore, #tpu.memory_space<semaphore_mem>>)
      %mul3A_186 = arith.constant 128 : i32
      %mul3A_187 = arith.muli %add3A_177, %mul3A_186 : i32
      %add3A_188 = arith.constant 64 : i32
      %add3A_189 = arith.addi %mul3A_187, %add3A_188 : i32
      %dma_start3A_190 = tpu.memref_slice %arg6[%add3A_189] : memref<4096xi32, #tpu.memory_space<vmem>> -> memref<64xi32, #tpu.memory_space<vmem>>
      %dma_start3A_191 = arith.constant 0 : i32
      %dma_start3A_192 = arith.constant 0 : i32
      %dma_start3A_193 = tpu.memref_slice %arg2[%dma_start3A_191, %dma_start3A_192] : memref<4096x256xi32, #tpu.memory_space<hbm>> -> memref<4096x256xi32, #tpu.memory_space<hbm>>
      tpu.enqueue_indirect_dma source(%dma_start3A_193 : memref<4096x256xi32, #tpu.memory_space<hbm>>) target(%arg8 : memref<64x256xi32, #tpu.memory_space<vmem>>) offsets(%dma_start3A_190 : memref<64xi32, #tpu.memory_space<vmem>>) semaphore(%arg13 : memref<!tpu.dma_semaphore, #tpu.memory_space<semaphore_mem>>)
      %mul3A_194 = arith.constant 128 : i32
      %mul3A_195 = arith.muli %add3A_163, %mul3A_194 : i32
      %add3A_196 = arith.constant 0 : i32
      %add3A_197 = arith.addi %mul3A_195, %add3A_196 : i32
      %dma_wait3A_198 = tpu.memref_slice %arg6[%add3A_197] : memref<4096xi32, #tpu.memory_space<vmem>> -> memref<64xi32, #tpu.memory_space<vmem>>
      %dma_wait3A_199 = arith.constant 0 : i32
      %dma_wait3A_200 = arith.constant 0 : i32
      %dma_wait3A_201 = tpu.memref_slice %arg2[%dma_wait3A_199, %dma_wait3A_200] : memref<4096x256xi32, #tpu.memory_space<hbm>> -> memref<4096x256xi32, #tpu.memory_space<hbm>>
      tpu.wait_indirect_dma semaphore(%arg12 : memref<!tpu.dma_semaphore, #tpu.memory_space<semaphore_mem>>) src(%dma_wait3A_201 : memref<4096x256xi32, #tpu.memory_space<hbm>>) dst(%arg9 : memref<64x256xi32, #tpu.memory_space<vmem>>)
      %mul3A_202 = arith.constant 128 : i32
      %mul3A_203 = arith.muli %add3A_163, %mul3A_202 : i32
      %add3A_204 = arith.constant 64 : i32
      %add3A_205 = arith.addi %mul3A_203, %add3A_204 : i32
      %dma_wait3A_206 = tpu.memref_slice %arg6[%add3A_205] : memref<4096xi32, #tpu.memory_space<vmem>> -> memref<64xi32, #tpu.memory_space<vmem>>
      %dma_wait3A_207 = arith.constant 0 : i32
      %dma_wait3A_208 = arith.constant 0 : i32
      %dma_wait3A_209 = tpu.memref_slice %arg2[%dma_wait3A_207, %dma_wait3A_208] : memref<4096x256xi32, #tpu.memory_space<hbm>> -> memref<4096x256xi32, #tpu.memory_space<hbm>>
      tpu.wait_indirect_dma semaphore(%arg14 : memref<!tpu.dma_semaphore, #tpu.memory_space<semaphore_mem>>) src(%dma_wait3A_209 : memref<4096x256xi32, #tpu.memory_space<hbm>>) dst(%arg10 : memref<64x256xi32, #tpu.memory_space<vmem>>)
      %mul3A_210 = arith.constant 32 : i32
      %mul3A_211 = arith.muli %arg0, %mul3A_210 : i32
      %add3A_212 = arith.addi %mul3A_211, %add3A_163 : i32
      %mul3A_213 = arith.constant 2048 : i32
      %mul3A_214 = arith.muli %add3A_212, %mul3A_213 : i32
      %mul3A_215 = arith.constant 128 : i32
      %mul3A_216 = arith.muli %arg1, %mul3A_215 : i32
      %add3A_217 = arith.addi %mul3A_214, %mul3A_216 : i32
      %add3A_218 = arith.constant 0 : i32
      %add3A_219 = arith.addi %add3A_217, %add3A_218 : i32
      %dma_start3A_220 = arith.constant 0 : i32
      %dma_start3A_221 = tpu.memref_slice %arg4[%add3A_219, %dma_start3A_220] : memref<131072x256xi32, #tpu.memory_space<hbm>> -> memref<64x256xi32, #tpu.memory_space<hbm>>
      %dma_start3A_222 = arith.constant 0 : i32
      %dma_start3A_223 = tpu.memref_slice %arg4[%add3A_219, %dma_start3A_222] : memref<131072x256xi32, #tpu.memory_space<hbm>> -> memref<64x256xi32, #tpu.memory_space<hbm>>
      tpu.enqueue_dma source(%arg9 : memref<64x256xi32, #tpu.memory_space<vmem>>) target(%dma_start3A_223 : memref<64x256xi32, #tpu.memory_space<hbm>>) target_semaphore(%arg16 : memref<!tpu.dma_semaphore, #tpu.memory_space<semaphore_mem>>)
      %mul3A_224 = arith.constant 32 : i32
      %mul3A_225 = arith.muli %arg0, %mul3A_224 : i32
      %add3A_226 = arith.addi %mul3A_225, %add3A_163 : i32
      %mul3A_227 = arith.constant 2048 : i32
      %mul3A_228 = arith.muli %add3A_226, %mul3A_227 : i32
      %mul3A_229 = arith.constant 128 : i32
      %mul3A_230 = arith.muli %arg1, %mul3A_229 : i32
      %add3A_231 = arith.addi %mul3A_228, %mul3A_230 : i32
      %add3A_232 = arith.constant 64 : i32
      %add3A_233 = arith.addi %add3A_231, %add3A_232 : i32
      %dma_start3A_234 = arith.constant 0 : i32
      %dma_start3A_235 = tpu.memref_slice %arg4[%add3A_233, %dma_start3A_234] : memref<131072x256xi32, #tpu.memory_space<hbm>> -> memref<64x256xi32, #tpu.memory_space<hbm>>
      %dma_start3A_236 = arith.constant 0 : i32
      %dma_start3A_237 = tpu.memref_slice %arg4[%add3A_233, %dma_start3A_236] : memref<131072x256xi32, #tpu.memory_space<hbm>> -> memref<64x256xi32, #tpu.memory_space<hbm>>
      tpu.enqueue_dma source(%arg10 : memref<64x256xi32, #tpu.memory_space<vmem>>) target(%dma_start3A_237 : memref<64x256xi32, #tpu.memory_space<hbm>>) target_semaphore(%arg18 : memref<!tpu.dma_semaphore, #tpu.memory_space<semaphore_mem>>)
      %scan3A_238 = arith.constant 0 : i32
      scf.yield %scan3A_238 : i32
    }
    %scan3A_28 = arith.constant 13 : i32
    %dma_wait3A = arith.constant 3328 : i32
    %dma_wait3A_29 = tpu.memref_slice %arg6[%dma_wait3A] : memref<4096xi32, #tpu.memory_space<vmem>> -> memref<64xi32, #tpu.memory_space<vmem>>
    %dma_wait3A_30 = arith.constant 0 : i32
    %dma_wait3A_31 = arith.constant 0 : i32
    %dma_wait3A_32 = tpu.memref_slice %arg2[%dma_wait3A_30, %dma_wait3A_31] : memref<4096x256xi32, #tpu.memory_space<hbm>> -> memref<4096x256xi32, #tpu.memory_space<hbm>>
    tpu.wait_indirect_dma semaphore(%arg11 : memref<!tpu.dma_semaphore, #tpu.memory_space<semaphore_mem>>) src(%dma_wait3A_32 : memref<4096x256xi32, #tpu.memory_space<hbm>>) dst(%arg7 : memref<64x256xi32, #tpu.memory_space<vmem>>)
    %dma_wait3A_33 = arith.constant 3392 : i32
    %dma_wait3A_34 = tpu.memref_slice %arg6[%dma_wait3A_33] : memref<4096xi32, #tpu.memory_space<vmem>> -> memref<64xi32, #tpu.memory_space<vmem>>
    %dma_wait3A_35 = arith.constant 0 : i32
    %dma_wait3A_36 = arith.constant 0 : i32
    %dma_wait3A_37 = tpu.memref_slice %arg2[%dma_wait3A_35, %dma_wait3A_36] : memref<4096x256xi32, #tpu.memory_space<hbm>> -> memref<4096x256xi32, #tpu.memory_space<hbm>>
    tpu.wait_indirect_dma semaphore(%arg13 : memref<!tpu.dma_semaphore, #tpu.memory_space<semaphore_mem>>) src(%dma_wait3A_37 : memref<4096x256xi32, #tpu.memory_space<hbm>>) dst(%arg8 : memref<64x256xi32, #tpu.memory_space<vmem>>)
    %mul3A = arith.constant 32 : i32
    %mul3A_38 = arith.muli %arg0, %mul3A : i32
    %add3A = arith.constant 26 : i32
    %add3A_39 = arith.addi %mul3A_38, %add3A : i32
    %mul3A_40 = arith.constant 2048 : i32
    %mul3A_41 = arith.muli %add3A_39, %mul3A_40 : i32
    %mul3A_42 = arith.constant 128 : i32
    %mul3A_43 = arith.muli %arg1, %mul3A_42 : i32
    %add3A_44 = arith.addi %mul3A_41, %mul3A_43 : i32
    %add3A_45 = arith.constant 0 : i32
    %add3A_46 = arith.addi %add3A_44, %add3A_45 : i32
    %dma_start3A_47 = arith.constant 0 : i32
    %dma_start3A_48 = tpu.memref_slice %arg4[%add3A_46, %dma_start3A_47] : memref<131072x256xi32, #tpu.memory_space<hbm>> -> memref<64x256xi32, #tpu.memory_space<hbm>>
    %dma_start3A_49 = arith.constant 0 : i32
    %dma_start3A_50 = tpu.memref_slice %arg4[%add3A_46, %dma_start3A_49] : memref<131072x256xi32, #tpu.memory_space<hbm>> -> memref<64x256xi32, #tpu.memory_space<hbm>>
    tpu.enqueue_dma source(%arg7 : memref<64x256xi32, #tpu.memory_space<vmem>>) target(%dma_start3A_50 : memref<64x256xi32, #tpu.memory_space<hbm>>) target_semaphore(%arg15 : memref<!tpu.dma_semaphore, #tpu.memory_space<semaphore_mem>>)
    %mul3A_51 = arith.constant 32 : i32
    %mul3A_52 = arith.muli %arg0, %mul3A_51 : i32
    %add3A_53 = arith.constant 26 : i32
    %add3A_54 = arith.addi %mul3A_52, %add3A_53 : i32
    %mul3A_55 = arith.constant 2048 : i32
    %mul3A_56 = arith.muli %add3A_54, %mul3A_55 : i32
    %mul3A_57 = arith.constant 128 : i32
    %mul3A_58 = arith.muli %arg1, %mul3A_57 : i32
    %add3A_59 = arith.addi %mul3A_56, %mul3A_58 : i32
    %add3A_60 = arith.constant 64 : i32
    %add3A_61 = arith.addi %add3A_59, %add3A_60 : i32
    %dma_start3A_62 = arith.constant 0 : i32
    %dma_start3A_63 = tpu.memref_slice %arg4[%add3A_61, %dma_start3A_62] : memref<131072x256xi32, #tpu.memory_space<hbm>> -> memref<64x256xi32, #tpu.memory_space<hbm>>
    %dma_start3A_64 = arith.constant 0 : i32
    %dma_start3A_65 = tpu.memref_slice %arg4[%add3A_61, %dma_start3A_64] : memref<131072x256xi32, #tpu.memory_space<hbm>> -> memref<64x256xi32, #tpu.memory_space<hbm>>
    tpu.enqueue_dma source(%arg8 : memref<64x256xi32, #tpu.memory_space<vmem>>) target(%dma_start3A_65 : memref<64x256xi32, #tpu.memory_space<hbm>>) target_semaphore(%arg17 : memref<!tpu.dma_semaphore, #tpu.memory_space<semaphore_mem>>)
    %dma_wait3A_66 = arith.constant 0 : i32
    %dma_wait3A_67 = arith.constant 0 : i32
    %dma_wait3A_68 = tpu.memref_slice %arg4[%dma_wait3A_66, %dma_wait3A_67] : memref<131072x256xi32, #tpu.memory_space<hbm>> -> memref<64x256xi32, #tpu.memory_space<hbm>>
    %dma_wait3A_69 = arith.constant 0 : i32
    %dma_wait3A_70 = arith.constant 0 : i32
    %dma_wait3A_71 = tpu.memref_slice %arg4[%dma_wait3A_69, %dma_wait3A_70] : memref<131072x256xi32, #tpu.memory_space<hbm>> -> memref<64x256xi32, #tpu.memory_space<hbm>>
    tpu.wait_dma2 semaphore(%arg15 : memref<!tpu.dma_semaphore, #tpu.memory_space<semaphore_mem>>) src(%arg7 : memref<64x256xi32, #tpu.memory_space<vmem>>) dst(%dma_wait3A_71 : memref<64x256xi32, #tpu.memory_space<hbm>>)
    %dma_wait3A_72 = arith.constant 0 : i32
    %dma_wait3A_73 = arith.constant 0 : i32
    %dma_wait3A_74 = tpu.memref_slice %arg4[%dma_wait3A_72, %dma_wait3A_73] : memref<131072x256xi32, #tpu.memory_space<hbm>> -> memref<64x256xi32, #tpu.memory_space<hbm>>
    %dma_wait3A_75 = arith.constant 0 : i32
    %dma_wait3A_76 = arith.constant 0 : i32
    %dma_wait3A_77 = tpu.memref_slice %arg4[%dma_wait3A_75, %dma_wait3A_76] : memref<131072x256xi32, #tpu.memory_space<hbm>> -> memref<64x256xi32, #tpu.memory_space<hbm>>
    tpu.wait_dma2 semaphore(%arg17 : memref<!tpu.dma_semaphore, #tpu.memory_space<semaphore_mem>>) src(%arg8 : memref<64x256xi32, #tpu.memory_space<vmem>>) dst(%dma_wait3A_77 : memref<64x256xi32, #tpu.memory_space<hbm>>)
    %dma_wait3A_78 = arith.constant 0 : i32
    %dma_wait3A_79 = arith.constant 0 : i32
    %dma_wait3A_80 = tpu.memref_slice %arg4[%dma_wait3A_78, %dma_wait3A_79] : memref<131072x256xi32, #tpu.memory_space<hbm>> -> memref<64x256xi32, #tpu.memory_space<hbm>>
    %dma_wait3A_81 = arith.constant 0 : i32
    %dma_wait3A_82 = arith.constant 0 : i32
    %dma_wait3A_83 = tpu.memref_slice %arg4[%dma_wait3A_81, %dma_wait3A_82] : memref<131072x256xi32, #tpu.memory_space<hbm>> -> memref<64x256xi32, #tpu.memory_space<hbm>>
    tpu.wait_dma2 semaphore(%arg16 : memref<!tpu.dma_semaphore, #tpu.memory_space<semaphore_mem>>) src(%arg9 : memref<64x256xi32, #tpu.memory_space<vmem>>) dst(%dma_wait3A_83 : memref<64x256xi32, #tpu.memory_space<hbm>>)
    %dma_wait3A_84 = arith.constant 0 : i32
    %dma_wait3A_85 = arith.constant 0 : i32
    %dma_wait3A_86 = tpu.memref_slice %arg4[%dma_wait3A_84, %dma_wait3A_85] : memref<131072x256xi32, #tpu.memory_space<hbm>> -> memref<64x256xi32, #tpu.memory_space<hbm>>
    %dma_wait3A_87 = arith.constant 0 : i32
    %dma_wait3A_88 = arith.constant 0 : i32
    %dma_wait3A_89 = tpu.memref_slice %arg4[%dma_wait3A_87, %dma_wait3A_88] : memref<131072x256xi32, #tpu.memory_space<hbm>> -> memref<64x256xi32, #tpu.memory_space<hbm>>
    tpu.wait_dma2 semaphore(%arg18 : memref<!tpu.dma_semaphore, #tpu.memory_space<semaphore_mem>>) src(%arg10 : memref<64x256xi32, #tpu.memory_space<vmem>>) dst(%dma_wait3A_89 : memref<64x256xi32, #tpu.memory_space<hbm>>)
    return
  }
}

module attributes {stable_mosaic.version = 14 : i64} {
  func.func @_a_body(%arg0: i32, %arg1: memref<1x2048x128xf32, #tpu.memory_space<vmem>>, %arg2: memref<1x3x2048xf32, #tpu.memory_space<vmem>>, %arg3: memref<32x4xi32, #tpu.memory_space<vmem>>, %arg4: memref<128x256xf32, #tpu.memory_space<vmem>>, %arg5: memref<1x256xf32, #tpu.memory_space<vmem>>, %arg6: memref<256x256xf32, #tpu.memory_space<vmem>>, %arg7: memref<1x256xf32, #tpu.memory_space<vmem>>, %arg8: memref<1x2048x256xf32, #tpu.memory_space<vmem>>, %arg9: memref<1x2048x256xf32, #tpu.memory_space<vmem>>, %arg10: memref<1x32x2048xi32, #tpu.memory_space<vmem>>) attributes {dimension_semantics = [#tpu.dimension_semantics<arbitrary>], iteration_bounds = array<i64: 2>, scalar_prefetch = 0 : i64, scratch_operands = 0 : i64, tpu.core_type = #tpu.core_type<tc>, window_params = [{transform_indices = @transform_0, window_bounds = array<i64: 1, 2048, 128>}, {transform_indices = @transform_1, window_bounds = array<i64: 1, 3, 2048>}, {pipeline_mode = #tpu.pipeline_mode<synchronous>, transform_indices = @transform_2, window_bounds = array<i64: 32, 4>}, {pipeline_mode = #tpu.pipeline_mode<synchronous>, transform_indices = @transform_3, window_bounds = array<i64: 128, 256>}, {pipeline_mode = #tpu.pipeline_mode<synchronous>, transform_indices = @transform_4, window_bounds = array<i64: 1, 256>}, {pipeline_mode = #tpu.pipeline_mode<synchronous>, transform_indices = @transform_5, window_bounds = array<i64: 256, 256>}, {pipeline_mode = #tpu.pipeline_mode<synchronous>, transform_indices = @transform_6, window_bounds = array<i64: 1, 256>}, {transform_indices = @transform_7, window_bounds = array<i64: 1, 2048, 256>}, {transform_indices = @transform_8, window_bounds = array<i64: 1, 2048, 256>}, {transform_indices = @transform_9, window_bounds = array<i64: 1, 32, 2048>}]} {
    %get3A = arith.constant 0 : index
    %get3A_0 = arith.constant 0 : index
    %get3A_1 = arith.constant 0 : index
    %get3A_2 = vector.load %arg1[%get3A, %get3A_0, %get3A_1] : memref<1x2048x128xf32, #tpu.memory_space<vmem>>, vector<1x2048x128xf32>
    %get3A_3 = vector.shape_cast %get3A_2 : vector<1x2048x128xf32> to vector<2048x128xf32>
    %get3A_4 = arith.constant 0 : index
    %get3A_5 = arith.constant 0 : index
    %get3A_6 = vector.load %arg4[%get3A_4, %get3A_5] : memref<128x256xf32, #tpu.memory_space<vmem>>, vector<128x256xf32>
    %dot_general3A = arith.constant dense<0.000000e+00> : vector<2048x256xf32>
    %dot_general3A_7 = tpu.matmul %get3A_3, %get3A_6, %dot_general3A {dimension_numbers = #tpu.dot_dimension_numbers<[1], [0], [0], [1], [0, 0, 1, 1], [], []>, precision = #tpu.contract_precision<fp32>, transpose_lhs_hint = false} : vector<2048x128xf32>, vector<128x256xf32>, vector<2048x256xf32> -> vector<2048x256xf32>
    %get3A_8 = arith.constant 0 : index
    %get3A_9 = arith.constant 0 : index
    %get3A_10 = vector.load %arg5[%get3A_8, %get3A_9] : memref<1x256xf32, #tpu.memory_space<vmem>>, vector<1x256xf32>
    %add3A = vector.broadcast %get3A_10 : vector<1x256xf32> to vector<2048x256xf32>
    %add3A_11 = arith.addf %dot_general3A_7, %add3A : vector<2048x256xf32>
    %swap3A = arith.constant 0 : index
    %swap3A_12 = arith.constant 0 : index
    %swap3A_13 = arith.constant 0 : index
    %swap3A_14 = vector.load %arg8[%swap3A, %swap3A_12, %swap3A_13] : memref<1x2048x256xf32, #tpu.memory_space<vmem>>, vector<1x2048x256xf32>
    %swap3A_15 = vector.shape_cast %swap3A_14 : vector<1x2048x256xf32> to vector<2048x256xf32>
    %swap3A_16 = vector.shape_cast %add3A_11 : vector<2048x256xf32> to vector<1x2048x256xf32>
    tpu.vector_store %arg8[%swap3A, %swap3A_12, %swap3A_13], %swap3A_16 {strides = array<i32>} : memref<1x2048x256xf32, #tpu.memory_space<vmem>>, vector<1x2048x256xf32>,
    %get3A_17 = arith.constant 0 : index
    %get3A_18 = arith.constant 0 : index
    %get3A_19 = vector.load %arg6[%get3A_17, %get3A_18] : memref<256x256xf32, #tpu.memory_space<vmem>>, vector<256x256xf32>
    %dot_general3A_20 = arith.constant dense<0.000000e+00> : vector<2048x256xf32>
    %dot_general3A_21 = tpu.matmul %add3A_11, %get3A_19, %dot_general3A_20 {dimension_numbers = #tpu.dot_dimension_numbers<[1], [0], [0], [1], [0, 0, 1, 1], [], []>, precision = #tpu.contract_precision<fp32>, transpose_lhs_hint = false} : vector<2048x256xf32>, vector<256x256xf32>, vector<2048x256xf32> -> vector<2048x256xf32>
    %get3A_22 = arith.constant 0 : index
    %get3A_23 = arith.constant 0 : index
    %get3A_24 = vector.load %arg7[%get3A_22, %get3A_23] : memref<1x256xf32, #tpu.memory_space<vmem>>, vector<1x256xf32>
    %add3A_25 = vector.broadcast %get3A_24 : vector<1x256xf32> to vector<2048x256xf32>
    %add3A_26 = arith.addf %dot_general3A_21, %add3A_25 : vector<2048x256xf32>
    %swap3A_27 = arith.constant 0 : index
    %swap3A_28 = arith.constant 0 : index
    %swap3A_29 = arith.constant 0 : index
    %swap3A_30 = vector.load %arg9[%swap3A_27, %swap3A_28, %swap3A_29] : memref<1x2048x256xf32, #tpu.memory_space<vmem>>, vector<1x2048x256xf32>
    %swap3A_31 = vector.shape_cast %swap3A_30 : vector<1x2048x256xf32> to vector<2048x256xf32>
    %swap3A_32 = vector.shape_cast %add3A_26 : vector<2048x256xf32> to vector<1x2048x256xf32>
    tpu.vector_store %arg9[%swap3A_27, %swap3A_28, %swap3A_29], %swap3A_32 {strides = array<i32>} : memref<1x2048x256xf32, #tpu.memory_space<vmem>>, vector<1x2048x256xf32>,
    %get3A_33 = arith.constant 0 : index
    %get3A_34 = arith.constant 0 : index
    %get3A_35 = arith.constant 0 : index
    %get3A_36 = vector.load %arg2[%get3A_33, %get3A_34, %get3A_35] : memref<1x3x2048xf32, #tpu.memory_space<vmem>>, vector<1x3x2048xf32>
    %get3A_37 = vector.shape_cast %get3A_36 : vector<1x3x2048xf32> to vector<3x2048xf32>
    %slice3A = vector.extract_strided_slice %get3A_37 {offsets = [0, 0], sizes = [1, 2048], strides = [1, 1]} : vector<3x2048xf32> to vector<1x2048xf32>
    %mul3A = arith.constant 3.906250e-03 : f32
    %mul3A_38 = vector.broadcast %mul3A : f32 to vector<1x2048xf32>
    %mul3A_39 = arith.mulf %slice3A, %mul3A_38 : vector<1x2048xf32>
    %jit3A = arith.constant 0.000000e+00 : f32
    %jit3A_40 = arith.constant 1.000000e+00 : f32
    %max3A = vector.broadcast %jit3A : f32 to vector<1x2048xf32>
    %max3A_41 = arith.maximumf %max3A, %mul3A_39 : vector<1x2048xf32>
    %min3A = vector.broadcast %jit3A_40 : f32 to vector<1x2048xf32>
    %min3A_42 = arith.minimumf %min3A, %max3A_41 : vector<1x2048xf32>
    %mul3A_43 = arith.constant 1.270000e+02 : f32
    %mul3A_44 = vector.broadcast %mul3A_43 : f32 to vector<1x2048xf32>
    %mul3A_45 = arith.mulf %min3A_42, %mul3A_44 : vector<1x2048xf32>
    %convert_element_type3A = arith.fptosi %mul3A_45 : vector<1x2048xf32> to vector<1x2048xi32>
    %slice3A_46 = vector.extract_strided_slice %get3A_37 {offsets = [1, 0], sizes = [1, 2048], strides = [1, 1]} : vector<3x2048xf32> to vector<1x2048xf32>
    %mul3A_47 = arith.constant 3.906250e-03 : f32
    %mul3A_48 = vector.broadcast %mul3A_47 : f32 to vector<1x2048xf32>
    %mul3A_49 = arith.mulf %slice3A_46, %mul3A_48 : vector<1x2048xf32>
    %jit3A_50 = arith.constant 0.000000e+00 : f32
    %jit3A_51 = arith.constant 1.000000e+00 : f32
    %max3A_52 = vector.broadcast %jit3A_50 : f32 to vector<1x2048xf32>
    %max3A_53 = arith.maximumf %max3A_52, %mul3A_49 : vector<1x2048xf32>
    %min3A_54 = vector.broadcast %jit3A_51 : f32 to vector<1x2048xf32>
    %min3A_55 = arith.minimumf %min3A_54, %max3A_53 : vector<1x2048xf32>
    %mul3A_56 = arith.constant 1.270000e+02 : f32
    %mul3A_57 = vector.broadcast %mul3A_56 : f32 to vector<1x2048xf32>
    %mul3A_58 = arith.mulf %min3A_55, %mul3A_57 : vector<1x2048xf32>
    %convert_element_type3A_59 = arith.fptosi %mul3A_58 : vector<1x2048xf32> to vector<1x2048xi32>
    %slice3A_60 = vector.extract_strided_slice %get3A_37 {offsets = [2, 0], sizes = [1, 2048], strides = [1, 1]} : vector<3x2048xf32> to vector<1x2048xf32>
    %jit3A_61 = arith.constant 0.000000e+00 : f32
    %jit3A_62 = arith.constant 1.000000e+00 : f32
    %max3A_63 = vector.broadcast %jit3A_61 : f32 to vector<1x2048xf32>
    %max3A_64 = arith.maximumf %max3A_63, %slice3A_60 : vector<1x2048xf32>
    %min3A_65 = vector.broadcast %jit3A_62 : f32 to vector<1x2048xf32>
    %min3A_66 = arith.minimumf %min3A_65, %max3A_64 : vector<1x2048xf32>
    %mul3A_67 = arith.constant 1.990000e+02 : f32
    %mul3A_68 = vector.broadcast %mul3A_67 : f32 to vector<1x2048xf32>
    %mul3A_69 = arith.mulf %min3A_66, %mul3A_68 : vector<1x2048xf32>
    %convert_element_type3A_70 = arith.fptosi %mul3A_69 : vector<1x2048xf32> to vector<1x2048xi32>
    %get3A_71 = arith.constant 0 : index
    %get3A_72 = arith.constant 0 : index
    %get3A_73 = vector.load %arg3[%get3A_71, %get3A_72] : memref<32x4xi32, #tpu.memory_space<vmem>>, vector<32x1xi32>
    %add3A_74 = vector.broadcast %get3A_73 : vector<32x1xi32> to vector<32x2048xi32>
    %add3A_75 = vector.broadcast %convert_element_type3A : vector<1x2048xi32> to vector<32x2048xi32>
    %add3A_76 = arith.addi %add3A_74, %add3A_75 : vector<32x2048xi32>
    %get3A_77 = arith.constant 0 : index
    %get3A_78 = arith.constant 1 : index
    %get3A_79 = vector.load %arg3[%get3A_77, %get3A_78] : memref<32x4xi32, #tpu.memory_space<vmem>>, vector<32x1xi32>
    %add3A_80 = vector.broadcast %get3A_79 : vector<32x1xi32> to vector<32x2048xi32>
    %add3A_81 = vector.broadcast %convert_element_type3A_59 : vector<1x2048xi32> to vector<32x2048xi32>
    %add3A_82 = arith.addi %add3A_80, %add3A_81 : vector<32x2048xi32>
    %get3A_83 = arith.constant 0 : index
    %get3A_84 = arith.constant 2 : index
    %get3A_85 = vector.load %arg3[%get3A_83, %get3A_84] : memref<32x4xi32, #tpu.memory_space<vmem>>, vector<32x1xi32>
    %add3A_86 = vector.broadcast %get3A_85 : vector<32x1xi32> to vector<32x2048xi32>
    %add3A_87 = vector.broadcast %convert_element_type3A_70 : vector<1x2048xi32> to vector<32x2048xi32>
    %add3A_88 = arith.addi %add3A_86, %add3A_87 : vector<32x2048xi32>
    %ge3A = arith.constant 0 : i32
    %ge3A_89 = vector.broadcast %ge3A : i32 to vector<32x2048xi32>
    %ge3A_90 = arith.cmpi sge, %add3A_76, %ge3A_89 : vector<32x2048xi32>
    %lt3A = arith.constant 128 : i32
    %lt3A_91 = vector.broadcast %lt3A : i32 to vector<32x2048xi32>
    %lt3A_92 = arith.cmpi slt, %add3A_76, %lt3A_91 : vector<32x2048xi32>
    %and3A = arith.andi %ge3A_90, %lt3A_92 : vector<32x2048xi1>
    %ge3A_93 = arith.constant 0 : i32
    %ge3A_94 = vector.broadcast %ge3A_93 : i32 to vector<32x2048xi32>
    %ge3A_95 = arith.cmpi sge, %add3A_82, %ge3A_94 : vector<32x2048xi32>
    %and3A_96 = arith.andi %and3A, %ge3A_95 : vector<32x2048xi1>
    %lt3A_97 = arith.constant 128 : i32
    %lt3A_98 = vector.broadcast %lt3A_97 : i32 to vector<32x2048xi32>
    %lt3A_99 = arith.cmpi slt, %add3A_82, %lt3A_98 : vector<32x2048xi32>
    %and3A_100 = arith.andi %and3A_96, %lt3A_99 : vector<32x2048xi1>
    %ge3A_101 = arith.constant 0 : i32
    %ge3A_102 = vector.broadcast %ge3A_101 : i32 to vector<32x2048xi32>
    %ge3A_103 = arith.cmpi sge, %add3A_88, %ge3A_102 : vector<32x2048xi32>
    %and3A_104 = arith.andi %and3A_100, %ge3A_103 : vector<32x2048xi1>
    %lt3A_105 = arith.constant 200 : i32
    %lt3A_106 = vector.broadcast %lt3A_105 : i32 to vector<32x2048xi32>
    %lt3A_107 = arith.cmpi slt, %add3A_88, %lt3A_106 : vector<32x2048xi32>
    %and3A_108 = arith.andi %and3A_104, %lt3A_107 : vector<32x2048xi1>
    %get3A_109 = arith.constant 0 : index
    %get3A_110 = arith.constant 3 : index
    %get3A_111 = vector.load %arg3[%get3A_109, %get3A_110] : memref<32x4xi32, #tpu.memory_space<vmem>>, vector<32x1xi32>
    %gt3A = arith.constant 0 : i32
    %gt3A_112 = vector.broadcast %gt3A : i32 to vector<32x1xi32>
    %gt3A_113 = arith.cmpi sgt, %get3A_111, %gt3A_112 : vector<32x1xi32>
    %and3A_114 = vector.broadcast %gt3A_113 : vector<32x1xi1> to vector<32x2048xi1>
    %and3A_115 = arith.andi %and3A_108, %and3A_114 : vector<32x2048xi1>
    %mul3A_116 = arith.constant 25600 : i32
    %mul3A_117 = vector.broadcast %mul3A_116 : i32 to vector<32x2048xi32>
    %mul3A_118 = arith.muli %add3A_76, %mul3A_117 : vector<32x2048xi32>
    %mul3A_119 = arith.constant 200 : i32
    %mul3A_120 = vector.broadcast %mul3A_119 : i32 to vector<32x2048xi32>
    %mul3A_121 = arith.muli %add3A_82, %mul3A_120 : vector<32x2048xi32>
    %add3A_122 = arith.addi %mul3A_118, %mul3A_121 : vector<32x2048xi32>
    %add3A_123 = arith.addi %add3A_122, %add3A_88 : vector<32x2048xi32>
    %jit3A_124 = arith.constant -1 : i32
    %broadcast_in_dim3A = vector.broadcast %jit3A_124 : i32 to vector<32x2048xi32>
    %select_n3A = arith.select %and3A_115, %add3A_123, %broadcast_in_dim3A : vector<32x2048xi1>, vector<32x2048xi32>
    %swap3A_125 = arith.constant 0 : index
    %swap3A_126 = arith.constant 0 : index
    %swap3A_127 = arith.constant 0 : index
    %swap3A_128 = vector.load %arg10[%swap3A_125, %swap3A_126, %swap3A_127] : memref<1x32x2048xi32, #tpu.memory_space<vmem>>, vector<1x32x2048xi32>
    %swap3A_129 = vector.shape_cast %swap3A_128 : vector<1x32x2048xi32> to vector<32x2048xi32>
    %swap3A_130 = vector.shape_cast %select_n3A : vector<32x2048xi32> to vector<1x32x2048xi32>
    tpu.vector_store %arg10[%swap3A_125, %swap3A_126, %swap3A_127], %swap3A_130 {strides = array<i32>} : memref<1x32x2048xi32, #tpu.memory_space<vmem>>, vector<1x32x2048xi32>,
    return
  }
  func.func @transform_0(%arg0: i32) -> (i32, i32, i32) {
    %c0_i32 = arith.constant 0 : i32
    %c0_i32_0 = arith.constant 0 : i32
    %c0_i32_1 = arith.constant 0 : i32
    return %arg0, %c0_i32, %c0_i32_0 : i32, i32, i32
  }
  func.func @transform_1(%arg0: i32) -> (i32, i32, i32) {
    %c0_i32 = arith.constant 0 : i32
    %c0_i32_0 = arith.constant 0 : i32
    %c0_i32_1 = arith.constant 0 : i32
    return %arg0, %c0_i32, %c0_i32_0 : i32, i32, i32
  }
  func.func @transform_2(%arg0: i32) -> (i32, i32) {
    %c0_i32 = arith.constant 0 : i32
    %c0_i32_0 = arith.constant 0 : i32
    %c0_i32_1 = arith.constant 0 : i32
    return %c0_i32, %c0_i32_0 : i32, i32
  }
  func.func @transform_3(%arg0: i32) -> (i32, i32) {
    %c0_i32 = arith.constant 0 : i32
    %c0_i32_0 = arith.constant 0 : i32
    %c0_i32_1 = arith.constant 0 : i32
    return %c0_i32, %c0_i32_0 : i32, i32
  }
  func.func @transform_4(%arg0: i32) -> (i32, i32) {
    %c0_i32 = arith.constant 0 : i32
    %c0_i32_0 = arith.constant 0 : i32
    %c0_i32_1 = arith.constant 0 : i32
    return %c0_i32, %c0_i32_0 : i32, i32
  }
  func.func @transform_5(%arg0: i32) -> (i32, i32) {
    %c0_i32 = arith.constant 0 : i32
    %c0_i32_0 = arith.constant 0 : i32
    %c0_i32_1 = arith.constant 0 : i32
    return %c0_i32, %c0_i32_0 : i32, i32
  }
  func.func @transform_6(%arg0: i32) -> (i32, i32) {
    %c0_i32 = arith.constant 0 : i32
    %c0_i32_0 = arith.constant 0 : i32
    %c0_i32_1 = arith.constant 0 : i32
    return %c0_i32, %c0_i32_0 : i32, i32
  }
  func.func @transform_7(%arg0: i32) -> (i32, i32, i32) {
    %c0_i32 = arith.constant 0 : i32
    %c0_i32_0 = arith.constant 0 : i32
    %c0_i32_1 = arith.constant 0 : i32
    return %arg0, %c0_i32, %c0_i32_0 : i32, i32, i32
  }
  func.func @transform_8(%arg0: i32) -> (i32, i32, i32) {
    %c0_i32 = arith.constant 0 : i32
    %c0_i32_0 = arith.constant 0 : i32
    %c0_i32_1 = arith.constant 0 : i32
    return %arg0, %c0_i32, %c0_i32_0 : i32, i32, i32
  }
  func.func @transform_9(%arg0: i32) -> (i32, i32, i32) {
    %c0_i32 = arith.constant 0 : i32
    %c0_i32_0 = arith.constant 0 : i32
    %c0_i32_1 = arith.constant 0 : i32
    return %arg0, %c0_i32, %c0_i32_0 : i32, i32, i32
  }
}

module attributes {stable_mosaic.version = 14 : i64} {
  func.func @_c_body(%arg0: i32, %arg1: i32, %arg2: memref<1x2048x256xf32, #tpu.memory_space<vmem>>, %arg3: memref<1x1x2048xi32, #tpu.memory_space<vmem>>, %arg4: memref<32x3xf32, #tpu.memory_space<vmem>>, %arg5: memref<256x256xf32, #tpu.memory_space<vmem>>, %arg6: memref<1x256xf32, #tpu.memory_space<vmem>>, %arg7: memref<3x128xf32, #tpu.memory_space<vmem>>, %arg8: memref<1x128xf32, #tpu.memory_space<vmem>>, %arg9: memref<128x256xf32, #tpu.memory_space<vmem>>, %arg10: memref<1x256xf32, #tpu.memory_space<vmem>>, %arg11: memref<256x256xf32, #tpu.memory_space<vmem>>, %arg12: memref<1x256xf32, #tpu.memory_space<vmem>>, %arg13: memref<256x256xf32, #tpu.memory_space<vmem>>, %arg14: memref<1x256xf32, #tpu.memory_space<vmem>>, %arg15: memref<1x256x256xi32, #tpu.memory_space<vmem>>, %arg16: memref<64x256xf32, #tpu.memory_space<vmem>>) attributes {dimension_semantics = [#tpu.dimension_semantics<arbitrary>, #tpu.dimension_semantics<arbitrary>], iteration_bounds = array<i64: 2, 8>, scalar_prefetch = 0 : i64, scratch_operands = 0 : i64, tpu.core_type = #tpu.core_type<tc>, window_params = [{transform_indices = @transform_0, window_bounds = array<i64: 1, 2048, 256>}, {transform_indices = @transform_1, window_bounds = array<i64: 1, 1, 2048>}, {pipeline_mode = #tpu.pipeline_mode<synchronous>, transform_indices = @transform_2, window_bounds = array<i64: 32, 3>}, {pipeline_mode = #tpu.pipeline_mode<synchronous>, transform_indices = @transform_3, window_bounds = array<i64: 256, 256>}, {pipeline_mode = #tpu.pipeline_mode<synchronous>, transform_indices = @transform_4, window_bounds = array<i64: 1, 256>}, {pipeline_mode = #tpu.pipeline_mode<synchronous>, transform_indices = @transform_5, window_bounds = array<i64: 3, 128>}, {pipeline_mode = #tpu.pipeline_mode<synchronous>, transform_indices = @transform_6, window_bounds = array<i64: 1, 128>}, {pipeline_mode = #tpu.pipeline_mode<synchronous>, transform_indices = @transform_7, window_bounds = array<i64: 128, 256>}, {pipeline_mode = #tpu.pipeline_mode<synchronous>, transform_indices = @transform_8, window_bounds = array<i64: 1, 256>}, {pipeline_mode = #tpu.pipeline_mode<synchronous>, transform_indices = @transform_9, window_bounds = array<i64: 256, 256>}, {pipeline_mode = #tpu.pipeline_mode<synchronous>, transform_indices = @transform_10, window_bounds = array<i64: 1, 256>}, {pipeline_mode = #tpu.pipeline_mode<synchronous>, transform_indices = @transform_11, window_bounds = array<i64: 256, 256>}, {pipeline_mode = #tpu.pipeline_mode<synchronous>, transform_indices = @transform_12, window_bounds = array<i64: 1, 256>}, {transform_indices = @transform_13, window_bounds = array<i64: 1, 256, 256>}, {pipeline_mode = #tpu.pipeline_mode<synchronous>, transform_indices = @transform_14, window_bounds = array<i64: 64, 256>}]} {
    %get3A = arith.constant 0 : index
    %get3A_0 = arith.constant 0 : index
    %get3A_1 = arith.constant 0 : index
    %get3A_2 = vector.load %arg3[%get3A, %get3A_0, %get3A_1] : memref<1x1x2048xi32, #tpu.memory_space<vmem>>, vector<1x1x2048xi32>
    %get3A_3 = vector.shape_cast %get3A_2 : vector<1x1x2048xi32> to vector<1x2048xi32>
    %iota3A = tpu.iota {dimensions = array<i32: 0>} : vector<256x1xi32>
    %mul3A = arith.constant 256 : i32
    %mul3A_4 = arith.muli %arg1, %mul3A : i32
    %add3A = vector.broadcast %mul3A_4 : i32 to vector<256x1xi32>
    %add3A_5 = arith.addi %iota3A, %add3A : vector<256x1xi32>
    %eq3A = vector.broadcast %add3A_5 : vector<256x1xi32> to vector<256x2048xi32>
    %eq3A_6 = vector.broadcast %get3A_3 : vector<1x2048xi32> to vector<256x2048xi32>
    %eq3A_7 = arith.cmpi eq, %eq3A, %eq3A_6 : vector<256x2048xi32>
    %convert_element_type3A = arith.extui %eq3A_7 : vector<256x2048xi1> to vector<256x2048xi32>
    %convert_element_type3A_8 = arith.sitofp %convert_element_type3A : vector<256x2048xi32> to vector<256x2048xf32>
    %reduce_sum3A = arith.constant dense<0.000000e+00> : vector<256xf32>
    %reduce_sum3A_9 = vector.multi_reduction <add>, %convert_element_type3A_8, %reduce_sum3A [1] : vector<256x2048xf32> to vector<256xf32>
    %broadcast_in_dim3A = vector.shape_cast %reduce_sum3A_9 : vector<256xf32> to vector<256x1xf32>
    %max3A = arith.constant 1.000000e+00 : f32
    %max3A_10 = vector.broadcast %max3A : f32 to vector<256x1xf32>
    %max3A_11 = arith.maximumf %broadcast_in_dim3A, %max3A_10 : vector<256x1xf32>
    %get3A_12 = arith.constant 0 : index
    %get3A_13 = arith.constant 0 : index
    %get3A_14 = arith.constant 0 : index
    %get3A_15 = vector.load %arg2[%get3A_12, %get3A_13, %get3A_14] : memref<1x2048x256xf32, #tpu.memory_space<vmem>>, vector<1x2048x256xf32>
    %get3A_16 = vector.shape_cast %get3A_15 : vector<1x2048x256xf32> to vector<2048x256xf32>
    %dot_general3A = arith.constant dense<0.000000e+00> : vector<256x256xf32>
    %dot_general3A_17 = tpu.matmul %convert_element_type3A_8, %get3A_16, %dot_general3A {dimension_numbers = #tpu.dot_dimension_numbers<[1], [0], [0], [1], [0, 0, 1, 1], [], []>, precision = #tpu.contract_precision<fp32>, transpose_lhs_hint = false} : vector<256x2048xf32>, vector<2048x256xf32>, vector<256x256xf32> -> vector<256x256xf32>
    %div3A = arith.constant 1.000000e+00 : f32
    %div3A_18 = vector.broadcast %div3A : f32 to vector<256x1xf32>
    %div3A_19 = arith.divf %div3A_18, %max3A_11 : vector<256x1xf32>
    %mul3A_20 = vector.broadcast %div3A_19 : vector<256x1xf32> to vector<256x256xf32>
    %mul3A_21 = arith.mulf %dot_general3A_17, %mul3A_20 : vector<256x256xf32>
    %get3A_22 = arith.constant 0 : index
    %get3A_23 = arith.constant 0 : index
    %get3A_24 = vector.load %arg5[%get3A_22, %get3A_23] : memref<256x256xf32, #tpu.memory_space<vmem>>, vector<256x256xf32>
    %dot_general3A_25 = arith.constant dense<0.000000e+00> : vector<256x256xf32>
    %dot_general3A_26 = tpu.matmul %mul3A_21, %get3A_24, %dot_general3A_25 {dimension_numbers = #tpu.dot_dimension_numbers<[1], [0], [0], [1], [0, 0, 1, 1], [], []>, precision = #tpu.contract_precision<fp32>, transpose_lhs_hint = false} : vector<256x256xf32>, vector<256x256xf32>, vector<256x256xf32> -> vector<256x256xf32>
    %get3A_27 = arith.constant 0 : index
    %get3A_28 = arith.constant 0 : index
    %get3A_29 = vector.load %arg6[%get3A_27, %get3A_28] : memref<1x256xf32, #tpu.memory_space<vmem>>, vector<1x256xf32>
    %add3A_30 = vector.broadcast %get3A_29 : vector<1x256xf32> to vector<256x256xf32>
    %add3A_31 = arith.addf %dot_general3A_26, %add3A_30 : vector<256x256xf32>
    %max3A_32 = arith.constant 0.000000e+00 : f32
    %max3A_33 = vector.broadcast %max3A_32 : f32 to vector<256x256xf32>
    %max3A_34 = arith.maximumf %add3A_31, %max3A_33 : vector<256x256xf32>
    %get3A_35 = arith.constant 0 : index
    %get3A_36 = arith.constant 0 : index
    %get3A_37 = vector.load %arg11[%get3A_35, %get3A_36] : memref<256x256xf32, #tpu.memory_space<vmem>>, vector<256x256xf32>
    %dot_general3A_38 = arith.constant dense<0.000000e+00> : vector<256x256xf32>
    %dot_general3A_39 = tpu.matmul %max3A_34, %get3A_37, %dot_general3A_38 {dimension_numbers = #tpu.dot_dimension_numbers<[1], [0], [0], [1], [0, 0, 1, 1], [], []>, precision = #tpu.contract_precision<fp32>, transpose_lhs_hint = false} : vector<256x256xf32>, vector<256x256xf32>, vector<256x256xf32> -> vector<256x256xf32>
    %get3A_40 = arith.constant 0 : index
    %get3A_41 = arith.constant 0 : index
    %get3A_42 = vector.load %arg13[%get3A_40, %get3A_41] : memref<256x256xf32, #tpu.memory_space<vmem>>, vector<256x256xf32>
    %dot_general3A_43 = arith.constant dense<0.000000e+00> : vector<256x256xf32>
    %dot_general3A_44 = tpu.matmul %max3A_34, %get3A_42, %dot_general3A_43 {dimension_numbers = #tpu.dot_dimension_numbers<[1], [0], [0], [1], [0, 0, 1, 1], [], []>, precision = #tpu.contract_precision<fp32>, transpose_lhs_hint = false} : vector<256x256xf32>, vector<256x256xf32>, vector<256x256xf32> -> vector<256x256xf32>
    %slice3A = vector.extract_strided_slice %dot_general3A_39 {offsets = [0, 0], sizes = [256, 128], strides = [1, 1]} : vector<256x256xf32> to vector<256x128xf32>
    %convert_element_type3A_45 = arith.truncf %slice3A : vector<256x128xf32> to vector<256x128xbf16>
    %convert_element_type3A_46 = arith.extf %convert_element_type3A_45 : vector<256x128xbf16> to vector<256x128xf32>
    %bitcast_convert_type3A = tpu.bitcast %convert_element_type3A_46 : vector<256x128xf32> -> vector<256x128xi32>
    %slice3A_47 = vector.extract_strided_slice %dot_general3A_39 {offsets = [0, 128], sizes = [256, 128], strides = [1, 1]} : vector<256x256xf32> to vector<256x128xf32>
    %convert_element_type3A_48 = arith.truncf %slice3A_47 : vector<256x128xf32> to vector<256x128xbf16>
    %convert_element_type3A_49 = arith.extf %convert_element_type3A_48 : vector<256x128xbf16> to vector<256x128xf32>
    %bitcast_convert_type3A_50 = tpu.bitcast %convert_element_type3A_49 : vector<256x128xf32> -> vector<256x128xi32>
    %shift_right_arithmetic3A = arith.constant 16 : i32
    %shift_right_arithmetic3A_51 = vector.broadcast %shift_right_arithmetic3A : i32 to vector<256x128xi32>
    %shift_right_arithmetic3A_52 = arith.shrsi %bitcast_convert_type3A, %shift_right_arithmetic3A_51 : vector<256x128xi32>
    %and3A = arith.constant 65535 : i32
    %and3A_53 = vector.broadcast %and3A : i32 to vector<256x128xi32>
    %and3A_54 = arith.andi %shift_right_arithmetic3A_52, %and3A_53 : vector<256x128xi32>
    %or3A = arith.ori %bitcast_convert_type3A_50, %and3A_54 : vector<256x128xi32>
    %slice3A_55 = vector.extract_strided_slice %dot_general3A_44 {offsets = [0, 0], sizes = [256, 128], strides = [1, 1]} : vector<256x256xf32> to vector<256x128xf32>
    %convert_element_type3A_56 = arith.truncf %slice3A_55 : vector<256x128xf32> to vector<256x128xbf16>
    %convert_element_type3A_57 = arith.extf %convert_element_type3A_56 : vector<256x128xbf16> to vector<256x128xf32>
    %bitcast_convert_type3A_58 = tpu.bitcast %convert_element_type3A_57 : vector<256x128xf32> -> vector<256x128xi32>
    %slice3A_59 = vector.extract_strided_slice %dot_general3A_44 {offsets = [0, 128], sizes = [256, 128], strides = [1, 1]} : vector<256x256xf32> to vector<256x128xf32>
    %convert_element_type3A_60 = arith.truncf %slice3A_59 : vector<256x128xf32> to vector<256x128xbf16>
    %convert_element_type3A_61 = arith.extf %convert_element_type3A_60 : vector<256x128xbf16> to vector<256x128xf32>
    %bitcast_convert_type3A_62 = tpu.bitcast %convert_element_type3A_61 : vector<256x128xf32> -> vector<256x128xi32>
    %shift_right_arithmetic3A_63 = arith.constant 16 : i32
    %shift_right_arithmetic3A_64 = vector.broadcast %shift_right_arithmetic3A_63 : i32 to vector<256x128xi32>
    %shift_right_arithmetic3A_65 = arith.shrsi %bitcast_convert_type3A_58, %shift_right_arithmetic3A_64 : vector<256x128xi32>
    %and3A_66 = arith.constant 65535 : i32
    %and3A_67 = vector.broadcast %and3A_66 : i32 to vector<256x128xi32>
    %and3A_68 = arith.andi %shift_right_arithmetic3A_65, %and3A_67 : vector<256x128xi32>
    %or3A_69 = arith.ori %bitcast_convert_type3A_62, %and3A_68 : vector<256x128xi32>
    %concatenate3A = tpu.concatenate %or3A, %or3A_69 in 1 : vector<256x128xi32>, vector<256x128xi32> -> vector<256x256xi32>
    %swap3A = arith.constant 0 : index
    %swap3A_70 = arith.constant 0 : index
    %swap3A_71 = arith.constant 0 : index
    %swap3A_72 = vector.load %arg15[%swap3A, %swap3A_70, %swap3A_71] : memref<1x256x256xi32, #tpu.memory_space<vmem>>, vector<1x256x256xi32>
    %swap3A_73 = vector.shape_cast %swap3A_72 : vector<1x256x256xi32> to vector<256x256xi32>
    %swap3A_74 = vector.shape_cast %concatenate3A : vector<256x256xi32> to vector<1x256x256xi32>
    tpu.vector_store %arg15[%swap3A, %swap3A_70, %swap3A_71], %swap3A_74 {strides = array<i32>} : memref<1x256x256xi32, #tpu.memory_space<vmem>>, vector<1x256x256xi32>,
    %get3A_75 = arith.constant 0 : index
    %get3A_76 = arith.constant 0 : index
    %get3A_77 = vector.load %arg4[%get3A_75, %get3A_76] : memref<32x3xf32, #tpu.memory_space<vmem>>, vector<32x3xf32>
    %get3A_78 = arith.constant 0 : index
    %get3A_79 = arith.constant 0 : index
    %get3A_80 = vector.load %arg7[%get3A_78, %get3A_79] : memref<3x128xf32, #tpu.memory_space<vmem>>, vector<3x128xf32>
    %dot_general3A_81 = arith.constant dense<0.000000e+00> : vector<32x128xf32>
    %dot_general3A_82 = tpu.matmul %get3A_77, %get3A_80, %dot_general3A_81 {dimension_numbers = #tpu.dot_dimension_numbers<[1], [0], [0], [1], [0, 0, 1, 1], [], []>, precision = #tpu.contract_precision<fp32>, transpose_lhs_hint = false} : vector<32x3xf32>, vector<3x128xf32>, vector<32x128xf32> -> vector<32x128xf32>
    %get3A_83 = arith.constant 0 : index
    %get3A_84 = arith.constant 0 : index
    %get3A_85 = vector.load %arg8[%get3A_83, %get3A_84] : memref<1x128xf32, #tpu.memory_space<vmem>>, vector<1x128xf32>
    %add3A_86 = vector.broadcast %get3A_85 : vector<1x128xf32> to vector<32x128xf32>
    %add3A_87 = arith.addf %dot_general3A_82, %add3A_86 : vector<32x128xf32>
    %max3A_88 = arith.constant 0.000000e+00 : f32
    %max3A_89 = vector.broadcast %max3A_88 : f32 to vector<32x128xf32>
    %max3A_90 = arith.maximumf %add3A_87, %max3A_89 : vector<32x128xf32>
    %get3A_91 = arith.constant 0 : index
    %get3A_92 = arith.constant 0 : index
    %get3A_93 = vector.load %arg9[%get3A_91, %get3A_92] : memref<128x256xf32, #tpu.memory_space<vmem>>, vector<128x256xf32>
    %dot_general3A_94 = arith.constant dense<0.000000e+00> : vector<32x256xf32>
    %dot_general3A_95 = tpu.matmul %max3A_90, %get3A_93, %dot_general3A_94 {dimension_numbers = #tpu.dot_dimension_numbers<[1], [0], [0], [1], [0, 0, 1, 1], [], []>, precision = #tpu.contract_precision<fp32>, transpose_lhs_hint = false} : vector<32x128xf32>, vector<128x256xf32>, vector<32x256xf32> -> vector<32x256xf32>
    %get3A_96 = arith.constant 0 : index
    %get3A_97 = arith.constant 0 : index
    %get3A_98 = vector.load %arg10[%get3A_96, %get3A_97] : memref<1x256xf32, #tpu.memory_space<vmem>>, vector<1x256xf32>
    %add3A_99 = vector.broadcast %get3A_98 : vector<1x256xf32> to vector<32x256xf32>
    %add3A_100 = arith.addf %dot_general3A_95, %add3A_99 : vector<32x256xf32>
    %get3A_101 = arith.constant 0 : index
    %get3A_102 = arith.constant 0 : index
    %get3A_103 = vector.load %arg11[%get3A_101, %get3A_102] : memref<256x256xf32, #tpu.memory_space<vmem>>, vector<256x256xf32>
    %dot_general3A_104 = arith.constant dense<0.000000e+00> : vector<32x256xf32>
    %dot_general3A_105 = tpu.matmul %add3A_100, %get3A_103, %dot_general3A_104 {dimension_numbers = #tpu.dot_dimension_numbers<[1], [0], [0], [1], [0, 0, 1, 1], [], []>, precision = #tpu.contract_precision<fp32>, transpose_lhs_hint = false} : vector<32x256xf32>, vector<256x256xf32>, vector<32x256xf32> -> vector<32x256xf32>
    %get3A_106 = arith.constant 0 : index
    %get3A_107 = arith.constant 0 : index
    %get3A_108 = vector.load %arg12[%get3A_106, %get3A_107] : memref<1x256xf32, #tpu.memory_space<vmem>>, vector<1x256xf32>
    %add3A_109 = vector.broadcast %get3A_108 : vector<1x256xf32> to vector<32x256xf32>
    %add3A_110 = arith.addf %dot_general3A_105, %add3A_109 : vector<32x256xf32>
    %get3A_111 = arith.constant 0 : index
    %get3A_112 = arith.constant 0 : index
    %get3A_113 = vector.load %arg13[%get3A_111, %get3A_112] : memref<256x256xf32, #tpu.memory_space<vmem>>, vector<256x256xf32>
    %dot_general3A_114 = arith.constant dense<0.000000e+00> : vector<32x256xf32>
    %dot_general3A_115 = tpu.matmul %add3A_100, %get3A_113, %dot_general3A_114 {dimension_numbers = #tpu.dot_dimension_numbers<[1], [0], [0], [1], [0, 0, 1, 1], [], []>, precision = #tpu.contract_precision<fp32>, transpose_lhs_hint = false} : vector<32x256xf32>, vector<256x256xf32>, vector<32x256xf32> -> vector<32x256xf32>
    %get3A_116 = arith.constant 0 : index
    %get3A_117 = arith.constant 0 : index
    %get3A_118 = vector.load %arg14[%get3A_116, %get3A_117] : memref<1x256xf32, #tpu.memory_space<vmem>>, vector<1x256xf32>
    %add3A_119 = vector.broadcast %get3A_118 : vector<1x256xf32> to vector<32x256xf32>
    %add3A_120 = arith.addf %dot_general3A_115, %add3A_119 : vector<32x256xf32>
    %concatenate3A_121 = tpu.concatenate %add3A_110, %add3A_120 in 0 : vector<32x256xf32>, vector<32x256xf32> -> vector<64x256xf32>
    %swap3A_122 = arith.constant 0 : index
    %swap3A_123 = arith.constant 0 : index
    %swap3A_124 = vector.load %arg16[%swap3A_122, %swap3A_123] : memref<64x256xf32, #tpu.memory_space<vmem>>, vector<64x256xf32>
    tpu.vector_store %arg16[%swap3A_122, %swap3A_123], %concatenate3A_121 {strides = array<i32>} : memref<64x256xf32, #tpu.memory_space<vmem>>, vector<64x256xf32>,
    return
  }
  func.func @transform_0(%arg0: i32, %arg1: i32) -> (i32, i32, i32) {
    %c0_i32 = arith.constant 0 : i32
    %c0_i32_0 = arith.constant 0 : i32
    %c0_i32_1 = arith.constant 0 : i32
    return %arg0, %c0_i32, %c0_i32_0 : i32, i32, i32
  }
  func.func @transform_1(%arg0: i32, %arg1: i32) -> (i32, i32, i32) {
    %c0_i32 = arith.constant 0 : i32
    %c0_i32_0 = arith.constant 0 : i32
    %c0_i32_1 = arith.constant 0 : i32
    return %arg0, %c0_i32, %c0_i32_0 : i32, i32, i32
  }
  func.func @transform_2(%arg0: i32, %arg1: i32) -> (i32, i32) {
    %c0_i32 = arith.constant 0 : i32
    %c0_i32_0 = arith.constant 0 : i32
    %c0_i32_1 = arith.constant 0 : i32
    return %c0_i32, %c0_i32_0 : i32, i32
  }
  func.func @transform_3(%arg0: i32, %arg1: i32) -> (i32, i32) {
    %c0_i32 = arith.constant 0 : i32
    %c0_i32_0 = arith.constant 0 : i32
    %c0_i32_1 = arith.constant 0 : i32
    return %c0_i32, %c0_i32_0 : i32, i32
  }
  func.func @transform_4(%arg0: i32, %arg1: i32) -> (i32, i32) {
    %c0_i32 = arith.constant 0 : i32
    %c0_i32_0 = arith.constant 0 : i32
    %c0_i32_1 = arith.constant 0 : i32
    return %c0_i32, %c0_i32_0 : i32, i32
  }
  func.func @transform_5(%arg0: i32, %arg1: i32) -> (i32, i32) {
    %c0_i32 = arith.constant 0 : i32
    %c0_i32_0 = arith.constant 0 : i32
    %c0_i32_1 = arith.constant 0 : i32
    return %c0_i32, %c0_i32_0 : i32, i32
  }
  func.func @transform_6(%arg0: i32, %arg1: i32) -> (i32, i32) {
    %c0_i32 = arith.constant 0 : i32
    %c0_i32_0 = arith.constant 0 : i32
    %c0_i32_1 = arith.constant 0 : i32
    return %c0_i32, %c0_i32_0 : i32, i32
  }
  func.func @transform_7(%arg0: i32, %arg1: i32) -> (i32, i32) {
    %c0_i32 = arith.constant 0 : i32
    %c0_i32_0 = arith.constant 0 : i32
    %c0_i32_1 = arith.constant 0 : i32
    return %c0_i32, %c0_i32_0 : i32, i32
  }
  func.func @transform_8(%arg0: i32, %arg1: i32) -> (i32, i32) {
    %c0_i32 = arith.constant 0 : i32
    %c0_i32_0 = arith.constant 0 : i32
    %c0_i32_1 = arith.constant 0 : i32
    return %c0_i32, %c0_i32_0 : i32, i32
  }
  func.func @transform_9(%arg0: i32, %arg1: i32) -> (i32, i32) {
    %c0_i32 = arith.constant 0 : i32
    %c0_i32_0 = arith.constant 0 : i32
    %c0_i32_1 = arith.constant 0 : i32
    return %c0_i32, %c0_i32_0 : i32, i32
  }
  func.func @transform_10(%arg0: i32, %arg1: i32) -> (i32, i32) {
    %c0_i32 = arith.constant 0 : i32
    %c0_i32_0 = arith.constant 0 : i32
    %c0_i32_1 = arith.constant 0 : i32
    return %c0_i32, %c0_i32_0 : i32, i32
  }
  func.func @transform_11(%arg0: i32, %arg1: i32) -> (i32, i32) {
    %c0_i32 = arith.constant 0 : i32
    %c0_i32_0 = arith.constant 0 : i32
    %c0_i32_1 = arith.constant 0 : i32
    return %c0_i32, %c0_i32_0 : i32, i32
  }
  func.func @transform_12(%arg0: i32, %arg1: i32) -> (i32, i32) {
    %c0_i32 = arith.constant 0 : i32
    %c0_i32_0 = arith.constant 0 : i32
    %c0_i32_1 = arith.constant 0 : i32
    return %c0_i32, %c0_i32_0 : i32, i32
  }
  func.func @transform_13(%arg0: i32, %arg1: i32) -> (i32, i32, i32) {
    %c0_i32 = arith.constant 0 : i32
    %c0_i32_0 = arith.constant 0 : i32
    return %arg0, %arg1, %c0_i32 : i32, i32, i32
  }
  func.func @transform_14(%arg0: i32, %arg1: i32) -> (i32, i32) {
    %c0_i32 = arith.constant 0 : i32
    %c0_i32_0 = arith.constant 0 : i32
    %c0_i32_1 = arith.constant 0 : i32
    return %c0_i32, %c0_i32_0 : i32, i32
  }
}

module attributes {stable_mosaic.version = 14 : i64} {
  func.func @_e_body(%arg0: i32, %arg1: i32, %arg2: memref<1x128x256xf32, #tpu.memory_space<vmem>>, %arg3: memref<1x128x256xf32, #tpu.memory_space<vmem>>, %arg4: memref<1x32x128xi32, #tpu.memory_space<vmem>>, %arg5: memref<1x32x128xi32, #tpu.memory_space<vmem>>, %arg6: memref<1x32x128x256xi32, #tpu.memory_space<vmem>>, %arg7: memref<64x256xf32, #tpu.memory_space<vmem>>, %arg8: memref<256x4xf32, #tpu.memory_space<vmem>>, %arg9: memref<4x256xf32, #tpu.memory_space<vmem>>, %arg10: memref<256x256xf32, #tpu.memory_space<vmem>>, %arg11: memref<1x256xf32, #tpu.memory_space<vmem>>, %arg12: memref<1x256xf32, #tpu.memory_space<vmem>>, %arg13: memref<1x256xf32, #tpu.memory_space<vmem>>, %arg14: memref<1x128x256xf32, #tpu.memory_space<vmem>>) attributes {dimension_semantics = [#tpu.dimension_semantics<arbitrary>, #tpu.dimension_semantics<arbitrary>], iteration_bounds = array<i64: 2, 16>, scalar_prefetch = 0 : i64, scratch_operands = 0 : i64, tpu.core_type = #tpu.core_type<tc>, window_params = [{transform_indices = @transform_0, window_bounds = array<i64: 1, 128, 256>}, {transform_indices = @transform_1, window_bounds = array<i64: 1, 128, 256>}, {transform_indices = @transform_2, window_bounds = array<i64: 1, 32, 128>}, {transform_indices = @transform_3, window_bounds = array<i64: 1, 32, 128>}, {transform_indices = @transform_4, window_bounds = array<i64: 1, 32, 128, 256>}, {pipeline_mode = #tpu.pipeline_mode<synchronous>, transform_indices = @transform_5, window_bounds = array<i64: 64, 256>}, {pipeline_mode = #tpu.pipeline_mode<synchronous>, transform_indices = @transform_6, window_bounds = array<i64: 256, 4>}, {pipeline_mode = #tpu.pipeline_mode<synchronous>, transform_indices = @transform_7, window_bounds = array<i64: 4, 256>}, {pipeline_mode = #tpu.pipeline_mode<synchronous>, transform_indices = @transform_8, window_bounds = array<i64: 256, 256>}, {pipeline_mode = #tpu.pipeline_mode<synchronous>, transform_indices = @transform_9, window_bounds = array<i64: 1, 256>}, {pipeline_mode = #tpu.pipeline_mode<synchronous>, transform_indices = @transform_10, window_bounds = array<i64: 1, 256>}, {pipeline_mode = #tpu.pipeline_mode<synchronous>, transform_indices = @transform_11, window_bounds = array<i64: 1, 256>}, {transform_indices = @transform_12, window_bounds = array<i64: 1, 128, 256>}]} {
    %get3A = arith.constant 0 : index
    %get3A_0 = arith.constant 0 : index
    %get3A_1 = arith.constant 0 : index
    %get3A_2 = vector.load %arg2[%get3A, %get3A_0, %get3A_1] : memref<1x128x256xf32, #tpu.memory_space<vmem>>, vector<1x128x256xf32>
    %get3A_3 = vector.shape_cast %get3A_2 : vector<1x128x256xf32> to vector<128x256xf32>
    %get3A_4 = arith.constant 0 : index
    %get3A_5 = arith.constant 0 : index
    %get3A_6 = arith.constant 0 : index
    %get3A_7 = vector.load %arg4[%get3A_4, %get3A_5, %get3A_6] : memref<1x32x128xi32, #tpu.memory_space<vmem>>, vector<1x32x128xi32>
    %get3A_8 = vector.shape_cast %get3A_7 : vector<1x32x128xi32> to vector<32x128xi32>
    %ge3A = arith.constant 0 : i32
    %ge3A_9 = vector.broadcast %ge3A : i32 to vector<32x128xi32>
    %ge3A_10 = arith.cmpi sge, %get3A_8, %ge3A_9 : vector<32x128xi32>
    %get3A_11 = arith.constant 0 : index
    %get3A_12 = arith.constant 0 : index
    %get3A_13 = arith.constant 0 : index
    %get3A_14 = vector.load %arg5[%get3A_11, %get3A_12, %get3A_13] : memref<1x32x128xi32, #tpu.memory_space<vmem>>, vector<1x32x128xi32>
    %get3A_15 = vector.shape_cast %get3A_14 : vector<1x32x128xi32> to vector<32x128xi32>
    %ge3A_16 = arith.constant 0 : i32
    %ge3A_17 = vector.broadcast %ge3A_16 : i32 to vector<32x128xi32>
    %ge3A_18 = arith.cmpi sge, %get3A_15, %ge3A_17 : vector<32x128xi32>
    %and3A = arith.andi %ge3A_10, %ge3A_18 : vector<32x128xi1>
    %jit3A = arith.constant 0.000000e+00 : f32
    %jit3A_19 = arith.constant -1.000000e+09 : f32
    %broadcast_in_dim3A = vector.broadcast %jit3A : f32 to vector<32x128xf32>
    %broadcast_in_dim3A_20 = vector.broadcast %jit3A_19 : f32 to vector<32x128xf32>
    %select_n3A = arith.select %and3A, %broadcast_in_dim3A, %broadcast_in_dim3A_20 : vector<32x128xi1>, vector<32x128xf32>
    %get3A_21 = arith.constant 0 : index
    %get3A_22 = arith.constant 0 : index
    %get3A_23 = vector.load %arg7[%get3A_21, %get3A_22] : memref<64x256xf32, #tpu.memory_space<vmem>>, vector<32x256xf32>
    %get3A_24 = arith.constant 32 : index
    %get3A_25 = arith.constant 0 : index
    %get3A_26 = vector.load %arg7[%get3A_24, %get3A_25] : memref<64x256xf32, #tpu.memory_space<vmem>>, vector<32x256xf32>
    %iota3A = tpu.iota {dimensions = array<i32: 0>} : vector<32x1xi32>
    %lt3A = arith.constant 27 : i32
    %lt3A_27 = vector.broadcast %lt3A : i32 to vector<32x1xi32>
    %lt3A_28 = arith.cmpi slt, %iota3A, %lt3A_27 : vector<32x1xi32>
    %convert_element_type3A = arith.extui %lt3A_28 : vector<32x1xi1> to vector<32x1xi32>
    %get3A_29 = arith.constant 0 : index
    %get3A_30 = arith.constant 0 : index
    %get3A_31 = arith.constant 0 : index
    %get3A_32 = arith.constant 0 : index
    %get3A_33 = vector.load %arg6[%get3A_29, %get3A_30, %get3A_31, %get3A_32] : memref<1x32x128x256xi32, #tpu.memory_space<vmem>>, vector<1x32x128x256xi32>
    %get3A_34 = vector.shape_cast %get3A_33 : vector<1x32x128x256xi32> to vector<32x128x256xi32>
    %broadcast_in_dim3A_35 = vector.shape_cast %convert_element_type3A : vector<32x1xi32> to vector<32x1x1xi32>
    %mul3A = vector.broadcast %broadcast_in_dim3A_35 : vector<32x1x1xi32> to vector<32x128x256xi32>
    %mul3A_36 = arith.muli %get3A_34, %mul3A : vector<32x128x256xi32>
    %slice3A = vector.extract_strided_slice %mul3A_36 {offsets = [0, 0, 0], sizes = [32, 128, 128], strides = [1, 1, 1]} : vector<32x128x256xi32> to vector<32x128x128xi32>
    %slice3A_37 = vector.extract_strided_slice %mul3A_36 {offsets = [0, 0, 128], sizes = [32, 128, 128], strides = [1, 1, 1]} : vector<32x128x256xi32> to vector<32x128x128xi32>
    %shift_left3A = arith.constant 16 : i32
    %shift_left3A_38 = vector.broadcast %shift_left3A : i32 to vector<32x128x128xi32>
    %shift_left3A_39 = arith.shli %slice3A, %shift_left3A_38 : vector<32x128x128xi32>
    %bitcast_convert_type3A = tpu.bitcast %shift_left3A_39 : vector<32x128x128xi32> -> vector<32x128x128xf32>
    %slice3A_40 = vector.extract_strided_slice %get3A_23 {offsets = [0, 0], sizes = [32, 128], strides = [1, 1]} : vector<32x256xf32> to vector<32x128xf32>
    %broadcast_in_dim3A_41 = vector.shape_cast %slice3A_40 : vector<32x128xf32> to vector<32x1x128xf32>
    %add3A = vector.broadcast %broadcast_in_dim3A_41 : vector<32x1x128xf32> to vector<32x128x128xf32>
    %add3A_42 = arith.addf %bitcast_convert_type3A, %add3A : vector<32x128x128xf32>
    %and3A_43 = arith.constant -65536 : i32
    %and3A_44 = vector.broadcast %and3A_43 : i32 to vector<32x128x128xi32>
    %and3A_45 = arith.andi %slice3A, %and3A_44 : vector<32x128x128xi32>
    %bitcast_convert_type3A_46 = tpu.bitcast %and3A_45 : vector<32x128x128xi32> -> vector<32x128x128xf32>
    %slice3A_47 = vector.extract_strided_slice %get3A_23 {offsets = [0, 128], sizes = [32, 128], strides = [1, 1]} : vector<32x256xf32> to vector<32x128xf32>
    %broadcast_in_dim3A_48 = vector.shape_cast %slice3A_47 : vector<32x128xf32> to vector<32x1x128xf32>
    %add3A_49 = vector.broadcast %broadcast_in_dim3A_48 : vector<32x1x128xf32> to vector<32x128x128xf32>
    %add3A_50 = arith.addf %bitcast_convert_type3A_46, %add3A_49 : vector<32x128x128xf32>
    %slice3A_51 = vector.extract_strided_slice %get3A_3 {offsets = [0, 0], sizes = [128, 128], strides = [1, 1]} : vector<128x256xf32> to vector<128x128xf32>
    %broadcast_in_dim3A_52 = vector.shape_cast %slice3A_51 : vector<128x128xf32> to vector<1x128x128xf32>
    %mul3A_53 = vector.broadcast %broadcast_in_dim3A_52 : vector<1x128x128xf32> to vector<32x128x128xf32>
    %mul3A_54 = arith.mulf %mul3A_53, %add3A_42 : vector<32x128x128xf32>
    %slice3A_55 = vector.extract_strided_slice %get3A_3 {offsets = [0, 128], sizes = [128, 128], strides = [1, 1]} : vector<128x256xf32> to vector<128x128xf32>
    %broadcast_in_dim3A_56 = vector.shape_cast %slice3A_55 : vector<128x128xf32> to vector<1x128x128xf32>
    %mul3A_57 = vector.broadcast %broadcast_in_dim3A_56 : vector<1x128x128xf32> to vector<32x128x128xf32>
    %mul3A_58 = arith.mulf %mul3A_57, %add3A_50 : vector<32x128x128xf32>
    %reshape3A = vector.shape_cast %mul3A_54 : vector<32x128x128xf32> to vector<4096x128xf32>
    %get3A_59 = arith.constant 0 : index
    %get3A_60 = arith.constant 0 : index
    %get3A_61 = vector.load %arg8[%get3A_59, %get3A_60] : memref<256x4xf32, #tpu.memory_space<vmem>>, vector<128x4xf32>
    %dot_general3A = arith.constant dense<0.000000e+00> : vector<4096x4xf32>
    %dot_general3A_62 = tpu.matmul %reshape3A, %get3A_61, %dot_general3A {dimension_numbers = #tpu.dot_dimension_numbers<[1], [0], [0], [1], [0, 0, 1, 1], [], []>, precision = #tpu.contract_precision<fp32>, transpose_lhs_hint = false} : vector<4096x128xf32>, vector<128x4xf32>, vector<4096x4xf32> -> vector<4096x4xf32>
    %reshape3A_63 = vector.shape_cast %mul3A_58 : vector<32x128x128xf32> to vector<4096x128xf32>
    %get3A_64 = arith.constant 128 : index
    %get3A_65 = arith.constant 0 : index
    %get3A_66 = vector.load %arg8[%get3A_64, %get3A_65] : memref<256x4xf32, #tpu.memory_space<vmem>>, vector<128x4xf32>
    %dot_general3A_67 = arith.constant dense<0.000000e+00> : vector<4096x4xf32>
    %dot_general3A_68 = tpu.matmul %reshape3A_63, %get3A_66, %dot_general3A_67 {dimension_numbers = #tpu.dot_dimension_numbers<[1], [0], [0], [1], [0, 0, 1, 1], [], []>, precision = #tpu.contract_precision<fp32>, transpose_lhs_hint = false} : vector<4096x128xf32>, vector<128x4xf32>, vector<4096x4xf32> -> vector<4096x4xf32>
    %add3A_69 = arith.addf %dot_general3A_62, %dot_general3A_68 : vector<4096x4xf32>
    %reshape3A_70 = vector.shape_cast %add3A_69 : vector<4096x4xf32> to vector<32x128x4xf32>
    %mul3A_71 = arith.constant 1.250000e-01 : f32
    %mul3A_72 = vector.broadcast %mul3A_71 : f32 to vector<32x128x4xf32>
    %mul3A_73 = arith.mulf %reshape3A_70, %mul3A_72 : vector<32x128x4xf32>
    %broadcast_in_dim3A_74 = vector.shape_cast %select_n3A : vector<32x128xf32> to vector<32x128x1xf32>
    %add3A_75 = vector.broadcast %broadcast_in_dim3A_74 : vector<32x128x1xf32> to vector<32x128x4xf32>
    %add3A_76 = arith.addf %mul3A_73, %add3A_75 : vector<32x128x4xf32>
    %reduce_max3A = arith.constant dense<0xFF800000> : vector<128x4xf32>
    %reduce_max3A_77 = vector.multi_reduction <maximumf>, %add3A_76, %reduce_max3A [0] : vector<32x128x4xf32> to vector<128x4xf32>
    %broadcast_in_dim3A_78 = vector.shape_cast %reduce_max3A_77 : vector<128x4xf32> to vector<1x128x4xf32>
    %sub3A = vector.broadcast %broadcast_in_dim3A_78 : vector<1x128x4xf32> to vector<32x128x4xf32>
    %sub3A_79 = arith.subf %add3A_76, %sub3A : vector<32x128x4xf32>
    %exp3A = math.exp %sub3A_79 : vector<32x128x4xf32>
    %reduce_sum3A = arith.constant dense<0.000000e+00> : vector<128x4xf32>
    %reduce_sum3A_80 = vector.multi_reduction <add>, %exp3A, %reduce_sum3A [0] : vector<32x128x4xf32> to vector<128x4xf32>
    %broadcast_in_dim3A_81 = vector.shape_cast %reduce_sum3A_80 : vector<128x4xf32> to vector<1x128x4xf32>
    %div3A = vector.broadcast %broadcast_in_dim3A_81 : vector<1x128x4xf32> to vector<32x128x4xf32>
    %div3A_82 = arith.divf %exp3A, %div3A : vector<32x128x4xf32>
    %reshape3A_83 = vector.shape_cast %div3A_82 : vector<32x128x4xf32> to vector<4096x4xf32>
    %get3A_84 = arith.constant 0 : index
    %get3A_85 = arith.constant 0 : index
    %get3A_86 = vector.load %arg9[%get3A_84, %get3A_85] : memref<4x256xf32, #tpu.memory_space<vmem>>, vector<4x128xf32>
    %dot_general3A_87 = arith.constant dense<0.000000e+00> : vector<4096x128xf32>
    %dot_general3A_88 = tpu.matmul %reshape3A_83, %get3A_86, %dot_general3A_87 {dimension_numbers = #tpu.dot_dimension_numbers<[1], [0], [0], [1], [0, 0, 1, 1], [], []>, precision = #tpu.contract_precision<fp32>, transpose_lhs_hint = false} : vector<4096x4xf32>, vector<4x128xf32>, vector<4096x128xf32> -> vector<4096x128xf32>
    %reshape3A_89 = vector.shape_cast %dot_general3A_88 : vector<4096x128xf32> to vector<32x128x128xf32>
    %get3A_90 = arith.constant 0 : index
    %get3A_91 = arith.constant 128 : index
    %get3A_92 = vector.load %arg9[%get3A_90, %get3A_91] : memref<4x256xf32, #tpu.memory_space<vmem>>, vector<4x128xf32>
    %dot_general3A_93 = arith.constant dense<0.000000e+00> : vector<4096x128xf32>
    %dot_general3A_94 = tpu.matmul %reshape3A_83, %get3A_92, %dot_general3A_93 {dimension_numbers = #tpu.dot_dimension_numbers<[1], [0], [0], [1], [0, 0, 1, 1], [], []>, precision = #tpu.contract_precision<fp32>, transpose_lhs_hint = false} : vector<4096x4xf32>, vector<4x128xf32>, vector<4096x128xf32> -> vector<4096x128xf32>
    %reshape3A_95 = vector.shape_cast %dot_general3A_94 : vector<4096x128xf32> to vector<32x128x128xf32>
    %shift_left3A_96 = arith.constant 16 : i32
    %shift_left3A_97 = vector.broadcast %shift_left3A_96 : i32 to vector<32x128x128xi32>
    %shift_left3A_98 = arith.shli %slice3A_37, %shift_left3A_97 : vector<32x128x128xi32>
    %bitcast_convert_type3A_99 = tpu.bitcast %shift_left3A_98 : vector<32x128x128xi32> -> vector<32x128x128xf32>
    %slice3A_100 = vector.extract_strided_slice %get3A_26 {offsets = [0, 0], sizes = [32, 128], strides = [1, 1]} : vector<32x256xf32> to vector<32x128xf32>
    %broadcast_in_dim3A_101 = vector.shape_cast %slice3A_100 : vector<32x128xf32> to vector<32x1x128xf32>
    %add3A_102 = vector.broadcast %broadcast_in_dim3A_101 : vector<32x1x128xf32> to vector<32x128x128xf32>
    %add3A_103 = arith.addf %bitcast_convert_type3A_99, %add3A_102 : vector<32x128x128xf32>
    %mul3A_104 = arith.mulf %reshape3A_89, %add3A_103 : vector<32x128x128xf32>
    %reduce_sum3A_105 = arith.constant dense<0.000000e+00> : vector<128x128xf32>
    %reduce_sum3A_106 = vector.multi_reduction <add>, %mul3A_104, %reduce_sum3A_105 [0] : vector<32x128x128xf32> to vector<128x128xf32>
    %and3A_107 = arith.constant -65536 : i32
    %and3A_108 = vector.broadcast %and3A_107 : i32 to vector<32x128x128xi32>
    %and3A_109 = arith.andi %slice3A_37, %and3A_108 : vector<32x128x128xi32>
    %bitcast_convert_type3A_110 = tpu.bitcast %and3A_109 : vector<32x128x128xi32> -> vector<32x128x128xf32>
    %slice3A_111 = vector.extract_strided_slice %get3A_26 {offsets = [0, 128], sizes = [32, 128], strides = [1, 1]} : vector<32x256xf32> to vector<32x128xf32>
    %broadcast_in_dim3A_112 = vector.shape_cast %slice3A_111 : vector<32x128xf32> to vector<32x1x128xf32>
    %add3A_113 = vector.broadcast %broadcast_in_dim3A_112 : vector<32x1x128xf32> to vector<32x128x128xf32>
    %add3A_114 = arith.addf %bitcast_convert_type3A_110, %add3A_113 : vector<32x128x128xf32>
    %mul3A_115 = arith.mulf %reshape3A_95, %add3A_114 : vector<32x128x128xf32>
    %reduce_sum3A_116 = arith.constant dense<0.000000e+00> : vector<128x128xf32>
    %reduce_sum3A_117 = vector.multi_reduction <add>, %mul3A_115, %reduce_sum3A_116 [0] : vector<32x128x128xf32> to vector<128x128xf32>
    %get3A_118 = arith.constant 0 : index
    %get3A_119 = arith.constant 0 : index
    %get3A_120 = vector.load %arg10[%get3A_118, %get3A_119] : memref<256x256xf32, #tpu.memory_space<vmem>>, vector<128x256xf32>
    %dot_general3A_121 = arith.constant dense<0.000000e+00> : vector<128x256xf32>
    %dot_general3A_122 = tpu.matmul %reduce_sum3A_106, %get3A_120, %dot_general3A_121 {dimension_numbers = #tpu.dot_dimension_numbers<[1], [0], [0], [1], [0, 0, 1, 1], [], []>, precision = #tpu.contract_precision<fp32>, transpose_lhs_hint = false} : vector<128x128xf32>, vector<128x256xf32>, vector<128x256xf32> -> vector<128x256xf32>
    %get3A_123 = arith.constant 128 : index
    %get3A_124 = arith.constant 0 : index
    %get3A_125 = vector.load %arg10[%get3A_123, %get3A_124] : memref<256x256xf32, #tpu.memory_space<vmem>>, vector<128x256xf32>
    %dot_general3A_126 = arith.constant dense<0.000000e+00> : vector<128x256xf32>
    %dot_general3A_127 = tpu.matmul %reduce_sum3A_117, %get3A_125, %dot_general3A_126 {dimension_numbers = #tpu.dot_dimension_numbers<[1], [0], [0], [1], [0, 0, 1, 1], [], []>, precision = #tpu.contract_precision<fp32>, transpose_lhs_hint = false} : vector<128x128xf32>, vector<128x256xf32>, vector<128x256xf32> -> vector<128x256xf32>
    %add3A_128 = arith.addf %dot_general3A_122, %dot_general3A_127 : vector<128x256xf32>
    %get3A_129 = arith.constant 0 : index
    %get3A_130 = arith.constant 0 : index
    %get3A_131 = vector.load %arg11[%get3A_129, %get3A_130] : memref<1x256xf32, #tpu.memory_space<vmem>>, vector<1x256xf32>
    %add3A_132 = vector.broadcast %get3A_131 : vector<1x256xf32> to vector<128x256xf32>
    %add3A_133 = arith.addf %add3A_128, %add3A_132 : vector<128x256xf32>
    %get3A_134 = arith.constant 0 : index
    %get3A_135 = arith.constant 0 : index
    %get3A_136 = arith.constant 0 : index
    %get3A_137 = vector.load %arg3[%get3A_134, %get3A_135, %get3A_136] : memref<1x128x256xf32, #tpu.memory_space<vmem>>, vector<1x128x256xf32>
    %get3A_138 = vector.shape_cast %get3A_137 : vector<1x128x256xf32> to vector<128x256xf32>
    %add3A_139 = arith.addf %get3A_138, %add3A_133 : vector<128x256xf32>
    %reduce_sum3A_140 = arith.constant dense<0.000000e+00> : vector<128xf32>
    %reduce_sum3A_141 = vector.multi_reduction <add>, %add3A_139, %reduce_sum3A_140 [1] : vector<128x256xf32> to vector<128xf32>
    %broadcast_in_dim3A_142 = vector.shape_cast %reduce_sum3A_141 : vector<128xf32> to vector<128x1xf32>
    %div3A_143 = arith.constant 2.560000e+02 : f32
    %div3A_144 = vector.broadcast %div3A_143 : f32 to vector<128x1xf32>
    %div3A_145 = arith.divf %broadcast_in_dim3A_142, %div3A_144 : vector<128x1xf32>
    %sub3A_146 = vector.broadcast %div3A_145 : vector<128x1xf32> to vector<128x256xf32>
    %sub3A_147 = arith.subf %add3A_139, %sub3A_146 : vector<128x256xf32>
    %integer_pow3A = arith.mulf %sub3A_147, %sub3A_147 : vector<128x256xf32>
    %reduce_sum3A_148 = arith.constant dense<0.000000e+00> : vector<128xf32>
    %reduce_sum3A_149 = vector.multi_reduction <add>, %integer_pow3A, %reduce_sum3A_148 [1] : vector<128x256xf32> to vector<128xf32>
    %broadcast_in_dim3A_150 = vector.shape_cast %reduce_sum3A_149 : vector<128xf32> to vector<128x1xf32>
    %div3A_151 = arith.constant 2.560000e+02 : f32
    %div3A_152 = vector.broadcast %div3A_151 : f32 to vector<128x1xf32>
    %div3A_153 = arith.divf %broadcast_in_dim3A_150, %div3A_152 : vector<128x1xf32>
    %sub3A_154 = vector.broadcast %div3A_145 : vector<128x1xf32> to vector<128x256xf32>
    %sub3A_155 = arith.subf %add3A_139, %sub3A_154 : vector<128x256xf32>
    %add3A_156 = arith.constant 9.99999974E-6 : f32
    %add3A_157 = vector.broadcast %add3A_156 : f32 to vector<128x1xf32>
    %add3A_158 = arith.addf %div3A_153, %add3A_157 : vector<128x1xf32>
    %rsqrt3A = math.rsqrt %add3A_158 : vector<128x1xf32>
    %mul3A_159 = vector.broadcast %rsqrt3A : vector<128x1xf32> to vector<128x256xf32>
    %mul3A_160 = arith.mulf %sub3A_155, %mul3A_159 : vector<128x256xf32>
    %get3A_161 = arith.constant 0 : index
    %get3A_162 = arith.constant 0 : index
    %get3A_163 = vector.load %arg12[%get3A_161, %get3A_162] : memref<1x256xf32, #tpu.memory_space<vmem>>, vector<1x256xf32>
    %mul3A_164 = vector.broadcast %get3A_163 : vector<1x256xf32> to vector<128x256xf32>
    %mul3A_165 = arith.mulf %mul3A_160, %mul3A_164 : vector<128x256xf32>
    %get3A_166 = arith.constant 0 : index
    %get3A_167 = arith.constant 0 : index
    %get3A_168 = vector.load %arg13[%get3A_166, %get3A_167] : memref<1x256xf32, #tpu.memory_space<vmem>>, vector<1x256xf32>
    %add3A_169 = vector.broadcast %get3A_168 : vector<1x256xf32> to vector<128x256xf32>
    %add3A_170 = arith.addf %mul3A_165, %add3A_169 : vector<128x256xf32>
    %swap3A = arith.constant 0 : index
    %swap3A_171 = arith.constant 0 : index
    %swap3A_172 = arith.constant 0 : index
    %swap3A_173 = vector.load %arg14[%swap3A, %swap3A_171, %swap3A_172] : memref<1x128x256xf32, #tpu.memory_space<vmem>>, vector<1x128x256xf32>
    %swap3A_174 = vector.shape_cast %swap3A_173 : vector<1x128x256xf32> to vector<128x256xf32>
    %swap3A_175 = vector.shape_cast %add3A_170 : vector<128x256xf32> to vector<1x128x256xf32>
    tpu.vector_store %arg14[%swap3A, %swap3A_171, %swap3A_172], %swap3A_175 {strides = array<i32>} : memref<1x128x256xf32, #tpu.memory_space<vmem>>, vector<1x128x256xf32>,
    return
  }
  func.func @transform_0(%arg0: i32, %arg1: i32) -> (i32, i32, i32) {
    %c0_i32 = arith.constant 0 : i32
    %c0_i32_0 = arith.constant 0 : i32
    return %arg0, %arg1, %c0_i32 : i32, i32, i32
  }
  func.func @transform_1(%arg0: i32, %arg1: i32) -> (i32, i32, i32) {
    %c0_i32 = arith.constant 0 : i32
    %c0_i32_0 = arith.constant 0 : i32
    return %arg0, %arg1, %c0_i32 : i32, i32, i32
  }
  func.func @transform_2(%arg0: i32, %arg1: i32) -> (i32, i32, i32) {
    %c0_i32 = arith.constant 0 : i32
    %c0_i32_0 = arith.constant 0 : i32
    return %arg0, %c0_i32, %arg1 : i32, i32, i32
  }
  func.func @transform_3(%arg0: i32, %arg1: i32) -> (i32, i32, i32) {
    %c0_i32 = arith.constant 0 : i32
    %c0_i32_0 = arith.constant 0 : i32
    return %arg0, %c0_i32, %arg1 : i32, i32, i32
  }
  func.func @transform_4(%arg0: i32, %arg1: i32) -> (i32, i32, i32, i32) {
    %c0_i32 = arith.constant 0 : i32
    %c0_i32_0 = arith.constant 0 : i32
    %c0_i32_1 = arith.constant 0 : i32
    return %arg0, %c0_i32, %arg1, %c0_i32_0 : i32, i32, i32, i32
  }
  func.func @transform_5(%arg0: i32, %arg1: i32) -> (i32, i32) {
    %c0_i32 = arith.constant 0 : i32
    %c0_i32_0 = arith.constant 0 : i32
    %c0_i32_1 = arith.constant 0 : i32
    return %c0_i32, %c0_i32_0 : i32, i32
  }
  func.func @transform_6(%arg0: i32, %arg1: i32) -> (i32, i32) {
    %c0_i32 = arith.constant 0 : i32
    %c0_i32_0 = arith.constant 0 : i32
    %c0_i32_1 = arith.constant 0 : i32
    return %c0_i32, %c0_i32_0 : i32, i32
  }
  func.func @transform_7(%arg0: i32, %arg1: i32) -> (i32, i32) {
    %c0_i32 = arith.constant 0 : i32
    %c0_i32_0 = arith.constant 0 : i32
    %c0_i32_1 = arith.constant 0 : i32
    return %c0_i32, %c0_i32_0 : i32, i32
  }
  func.func @transform_8(%arg0: i32, %arg1: i32) -> (i32, i32) {
    %c0_i32 = arith.constant 0 : i32
    %c0_i32_0 = arith.constant 0 : i32
    %c0_i32_1 = arith.constant 0 : i32
    return %c0_i32, %c0_i32_0 : i32, i32
  }
  func.func @transform_9(%arg0: i32, %arg1: i32) -> (i32, i32) {
    %c0_i32 = arith.constant 0 : i32
    %c0_i32_0 = arith.constant 0 : i32
    %c0_i32_1 = arith.constant 0 : i32
    return %c0_i32, %c0_i32_0 : i32, i32
  }
  func.func @transform_10(%arg0: i32, %arg1: i32) -> (i32, i32) {
    %c0_i32 = arith.constant 0 : i32
    %c0_i32_0 = arith.constant 0 : i32
    %c0_i32_1 = arith.constant 0 : i32
    return %c0_i32, %c0_i32_0 : i32, i32
  }
  func.func @transform_11(%arg0: i32, %arg1: i32) -> (i32, i32) {
    %c0_i32 = arith.constant 0 : i32
    %c0_i32_0 = arith.constant 0 : i32
    %c0_i32_1 = arith.constant 0 : i32
    return %c0_i32, %c0_i32_0 : i32, i32
  }
  func.func @transform_12(%arg0: i32, %arg1: i32) -> (i32, i32, i32) {
    %c0_i32 = arith.constant 0 : i32
    %c0_i32_0 = arith.constant 0 : i32
    return %arg0, %arg1, %c0_i32 : i32, i32, i32
  }
}

</mosaic_0001>

<sc_bundles>
// kernel: kernel.11.cloned.1.call-start
scs
__scs_entry_jumppad:
0x0: {  	(pc) =	sbr.rel $0x88, $3  }
0x1: {  	(tag) =	ssettag $0x0;
	lr =	simm.s32 $0x1  }
0x2: {  	[smem:$0x3F8D] =	sst lr;
	_ =	strace $0xD0000000  }
0x3: {  	_ = 	snop  }
0x4: {  	_ = 	snop  }
0x5: {  	_ = 	snop  }
0x6: {  	_ = 	snop  }
0x7: {  	_ = 	snop  }
__scs_overlays_trampoline_lowered:
0x8: {  	[smem:$0x3F9C] =	sst s0  }
0x9: {  	[smem:$0x3F9D] =	sst s1  }
0xa: {  	[smem:$0x3F9E] =	sst s2  }
0xb: {  	[smem:$0x3F9F] =	sst s3  }
0xc: {  	[smem:$0x3FA0] =	sst s4  }
0xd: {  	[smem:$0x3FA1] =	sst s5  }
0xe: {  	[smem:$0x3FA2] =	sst s6  }
0xf: {  	[smem:$0x3FA3] =	sst s7  }
0x10: {  	[smem:$0x3FA4] =	sst s8  }
0x11: {  	[smem:$0x3FA5] =	sst s9;
	s0 =	simm.s32 @!p0 $0x0  }
0x12: {  	s1 =	sld [smem:$0x3F8B];
	s0 =	simm.s32 @p0 $0x1  }
0x13: {  	[smem:$0x3FA6] =	sst s0;
	s0 =	simm.s32 @!p1 $0x0  }
0x14: {  	s2 =	sld [smem:$0x3F8A];
	s0 =	simm.s32 @p1 $0x1  }
0x15: {  	[smem:$0x3FA7] =	sst s0;
	s0 =	simm.s32 @!p2 $0x0  }
0x16: {  	s3 =	sld [smem:$0x3FDB];
	s0 =	simm.s32 @p2 $0x1  }
0x17: {  	s4 =	simm.s32 $0x1BF5;
	[smem:$0x3FA9] =	sst s0  }
0x18: {  	s0 =	sld [smem:$0x3F8C];
	_ =	swait.ge [sflag:s4], $0x0  }
0x19: {  	s7 =	sld [smem:$0x3F8D]  }
0x1a: {  	s8 =	sadd.s32 $0xFFFFE003, lr  }
0x1b: {  	s9 =	sadd.s32 $0xFFFFFEF7, lr;
	s5 =	simm.s32 $0xFFFFFFFF;
	p2 =	slt.u32 s8, $0xFFFFF086  }
0x1c: {  	p1 =	slt.u32 s9, $0xF7A;
	s5 =	simm.s32 @!p2 $0x0  }
0x1d: {  	s5 =	simm.s32 @p1 $0x1;
	p0 =	seq.s32 s7, s2  }
0x1e: {  	s7 =	smul.u32 @!p0 $0xF7A, s2;
	p2 =	seq.s32 @!p0 s5, $0x0  }
0x1f: {  	s9 =	smul.u32 $0xF7A, s1;
	s8 =	simm.s32 @!p0 $0x1BF5;
	p2 =	por !p2, p0  }
0x20: {  	[sflag:s8] =	ssyncset.s32 @!p0 $0xFFFFF086;
	s6 =	sadd.s32 @!p0 s3, s7;
	s7 =	simm.s32 @!p0 $0x108  }
0x21: {  	s3 =	sadd.s32 s3, s9;
	s6 =	sadd.s32 @!p0 $0x88, s6;
	s7 =	simm.s32 @p2 $0x1082  }
0x22: {  	[simem:s7], [sflag:s8] =	dma.local @!p0 [hbm:s6], $0xF7A  }
0x23: {  	s9 =	sor.u32 $0xD0000000, s2;
	s6 =	simm.s32 $0x108;
	_ =	swait.ge @!p0 [sflag:s8], $0x0  }
0x24: {  	s3 =	sadd.s32 $0x88, s3;
	s6 =	simm.s32 @!p1 $0x1082;
	[sflag:s4] =	ssyncset.s32 $0xFFFFF086  }
0x25: {  	[simem:s6], [sflag:s4] =	dma.local [hbm:s3], $0xF7A  }
0x26: {  	[smem:$0x3F8D] =	sst s1;
	(tag) =	ssettag s2;
	_ =	strace s9  }
0x27: {  	s1 =	sld [smem:$0x3F9D]  }
0x28: {  	s2 =	sld [smem:$0x3F9E]  }
0x29: {  	s4 =	sld [smem:$0x3FA0]  }
0x2a: {  	p0 =	seq.s32 s5, $0x0;
	s5 =	sld [smem:$0x3FA1]  }
0x2b: {  	s6 =	sld [smem:$0x3FA2]  }
0x2c: {  	s7 =	sld [smem:$0x3FA3]  }
0x2d: {  	s3 =	simm.s32 $0x108;
	s8 =	sld [smem:$0x3FA4]  }
0x2e: {  	s3 =	simm.s32 @!p0 $0x1082;
	s9 =	sld [smem:$0x3FA5]  }
0x2f: {  	lr =	sadd.s32 s0, s3;
	s0 =	sld [smem:$0x3F9C]  }
0x30: {  	s3 =	sld [smem:$0x3F9F]  }
0x31: {  	[smem:$0x3FA8] =	sst s10  }
0x32: {  	s10 =	sld [smem:$0x3FA6];
	_ =	sdelay $0x3  }
0x33: {  	p0 =	seq.s32 s10, $0x1;
	s10 =	sld [smem:$0x3FA8];
	_ =	sdelay $0x3  }
0x34: {  	[smem:$0x3FA8] =	sst s10  }
0x35: {  	s10 =	sld [smem:$0x3FA7];
	_ =	sdelay $0x3  }
0x36: {  	p1 =	seq.s32 s10, $0x1;
	s10 =	sld [smem:$0x3FA8];
	_ =	sdelay $0x3  }
0x37: {  	[smem:$0x3FA8] =	sst s10  }
0x38: {  	s10 =	sld [smem:$0x3FA9]  }
0x39: {  	_ = 	snop;
	(pc) =	sbr.ind lr, $3  }
0x3a: {  	_ = 	snop  }
0x3b: {  	_ = 	snop  }
0x3c: {  	p2 =	seq.s32 s10, $0x1;
	s10 =	sld [smem:$0x3FA8]  }
0x3d: {  	_ =	shalt  }
0x3e: {  	_ =	shalt  }
0x3f: {  	_ =	shalt  }
0x40: {  	_ =	shalt  }
0x41: {  	_ =	shalt  }
0x42: {  	_ =	shalt  }
0x43: {  	_ =	shalt  }
0x44: {  	_ =	shalt  }
0x45: {  	_ =	shalt  }
0x46: {  	_ =	shalt  }
0x47: {  	_ =	shalt  }
0x48: {  	_ =	shalt  }
0x49: {  	_ =	shalt  }
0x4a: {  	_ =	shalt  }
0x4b: {  	_ =	shalt  }
0x4c: {  	_ =	shalt  }
0x4d: {  	_ =	shalt  }
0x4e: {  	_ =	shalt  }
0x4f: {  	_ =	shalt  }
0x50: {  	_ =	shalt  }
0x51: {  	_ =	shalt  }
0x52: {  	_ =	shalt  }
0x53: {  	_ =	shalt  }
0x54: {  	_ =	shalt  }
0x55: {  	_ =	shalt  }
0x56: {  	_ =	shalt  }
0x57: {  	_ =	shalt  }
0x58: {  	_ =	shalt  }
0x59: {  	_ =	shalt  }
0x5a: {  	_ =	shalt  }
0x5b: {  	_ =	shalt  }
0x5c: {  	_ =	shalt  }
0x5d: {  	_ =	shalt  }
0x5e: {  	_ =	shalt  }
0x5f: {  	_ =	shalt  }
0x60: {  	_ =	shalt  }
0x61: {  	_ =	shalt  }
0x62: {  	_ =	shalt  }
0x63: {  	_ =	shalt  }
0x64: {  	_ =	shalt  }
0x65: {  	_ =	shalt  }
0x66: {  	_ =	shalt  }
0x67: {  	_ =	shalt  }
0x68: {  	_ =	shalt  }
0x69: {  	_ =	shalt  }
0x6a: {  	_ =	shalt  }
0x6b: {  	_ =	shalt  }
0x6c: {  	_ =	shalt  }
0x6d: {  	_ =	shalt  }
0x6e: {  	_ =	shalt  }
0x6f: {  	_ =	shalt  }
0x70: {  	_ =	shalt  }
0x71: {  	_ =	shalt  }
0x72: {  	_ =	shalt  }
0x73: {  	_ =	shalt  }
0x74: {  	_ =	shalt  }
0x75: {  	_ =	shalt  }
0x76: {  	_ =	shalt  }
0x77: {  	_ =	shalt  }
0x78: {  	_ =	shalt  }
0x79: {  	_ =	shalt  }
0x7a: {  	_ =	shalt  }
0x7b: {  	_ =	shalt  }
0x7c: {  	_ =	shalt  }
0x7d: {  	_ =	shalt  }
0x7e: {  	_ =	shalt  }
0x7f: {  	_ =	shalt  }
0x80: {  	_ =	shalt  }
0x81: {  	_ =	shalt  }
0x82: {  	_ =	shalt  }
0x83: {  	_ =	shalt  }
0x84: {  	_ =	shalt  }
0x85: {  	_ =	shalt  }
0x86: {  	_ =	shalt  }
0x87: {  	_ =	shalt  }
.Lfunc_end0:
.L_simem_size_0:
called_computation.1_lowered:
.L_overlay_start_0:
0x88: {  	s2 =	sld [smem:$0x3FD9]  }
0x89: {  	s3 =	sld [smem:$0x3FFE];
	_ =	sdelay $0x1  }
0x8a: {  	s1 =	srdreg.scid  }
0x8b: {  	s0 =	sand.u32 $0x1, s1  }
0x8c: {  	s16 =	sshll.u32 s0, $0xA;
	s2 =	sadd.s32 s3, s2  }
0x8d: {  	s2 =	sadd.s32 s2, s16  }
0x8e: {  	[smem:$0x3FB4] =	sst s2  }
0x8f: {  	_ = 	snop  }
0x90: {  	(tm) =	ssettm $0x1  }
0x91: {  	s17 =	sld [smem:$0x3FFB];
	_ =	sdelay $0x3  }
0x92: {  	_ =	strace s17  }
0x93: {  	s2 =	sld [smem:$0x3FFC];
	_ =	sdelay $0x3  }
0x94: {  	_ =	strace s2  }
0x95: {  	s2 =	sld [smem:$0x3FFD];
	_ =	sdelay $0x3  }
0x96: {  	_ =	strace s2  }
0x97: {  	_ =	strace $0x8FFFFFFF  }
0x98: {  	s18 =	sld [smem:$0x3FDB];
	_ =	sdelay $0x1  }
0x99: {  	s19 =	simm.s32 $_scs_section_size  }
0x9a: {  	s4 =	simm.s32 $_size__tile_overlayer_lowered;
	s5 =	simm.s32 $_tile_overlayer_lowered  }
0x9b: {  	s22 =	simm.s32 $0x1BFF;
	s21 =	sshll.u32 s5, $0x1;
	s2 =	sadd.s32 s19, s18  }
0x9c: {  	s6 =	simm.s32 $0x0;
	s20 =	sshll.u32 s4, $0x1;
	s4 =	sadd.s32 s21, s2  }
0x9d: {  	[timem:s6], [sflag:s22] =	dma.local [hbm:s4], s20  }
0x9e: {  	_ =	swait.ge [sflag:s22], s20  }
0x9f: {  	s3 =	ssub.s32 $0x0, s20;
	[sflag:s22] =	ssyncset.done $0x0  }
0xa0: {  	[sflag:s22] =	ssyncadd.s32 s3;
	_ =	sdelay $0x1  }
0xa1: {  	s23 =	simm.s32 $0x1B8B  }
0xa2: {  	_ =	swait.ge [sflag:s23], $0x1  }
0xa3: {  	[sflag:s23] =	ssyncset.done $0x0  }
0xa4: {  	s25 =	simm.s32 $0x1B8E;
	s24 =	sld [smem:$0x3FFE];
	[sflag:s23] =	ssyncadd.s32 $0xFFFFFFFF  }
0xa5: {  	s26 =	simm.s32 $execute0_lowered;
	[smem:$0x3FD2] =	sst s25  }
0xa6: {  	s4 =	sshll.u32 s26, $0x1;
	_ =	strace $0x80000049;
	[dreg:$0x1] =	wrdreg $0xFFFFFFFF  }
0xa7: {  	s28 =	simm.s32 $_size_execute0_lowered;
	s2 =	sadd.s32 s2, s4;
	[dreg:$0x0] =	wrdreg $0x0  }
0xa8: {  	s4 =	sshll.u32 s28, $0x1;
	[dreg:$0x2] =	wrdreg s2  }
0xa9: {  	[dreg:$0x3] =	wrdreg s4  }
0xaa: {  	[dreg:$0x4] =	wrdreg $0xC0  }
0xab: {  	_ =	task [dreg:s6], $0x5FFFF  }
0xac: {  	[dreg:$0x1] =	wrdreg $0xFFFFFFFF  }
0xad: {  	[dreg:$0x0] =	wrdreg $0x60  }
0xae: {  	[dreg:$0x2] =	wrdreg s24  }
0xaf: {  	[dreg:$0x3] =	wrdreg $0x9  }
0xb0: {  	_ =	task.clear_ibuf [dreg:s6], $0x4FFFF;
	_ =	strace $0x90000049  }
0xb1: {  	s29 =	simm.s32 $0x9;
	_ =	strace $0x8000004B  }
0xb2: {  	_ =	swait.ge [sflag:s29], $0x1  }
0xb3: {  	[sflag:s29] =	ssyncadd.s32 $0xFFFFFFFF  }
0xb4: {  	_ =	strace $0x9000004B  }
0xb5: {  	_ =	sfence  }
0xb6: {  	s30 =	sld [smem:$0x0];
	_ =	sdelay $0x2  }
0xb7: {  	s31 =	sshll.u32 s1, $0xD;
	s1 =	sshrl.u32 s1, $0x2  }
0xb8: {  	s3 =	sand.u32 $0x4000, s31;
	s1 =	sadd.s32 s1, s30  }
0xb9: {  	s0 =	sor.u32 s3, s0;
	s1 =	sshll.u32 s1, $0x11  }
0xba: {  	s0 =	sor.u32 s1, s0  }
0xbb: {  	s0 =	sadd.s32 $0x8F2B, s0  }
0xbc: {  	[sflag:s0] =	ssyncadd.remote.s32 $0x1  }
0xbd: {  	_ =	sfence.sel $0xFFFF  }
0xbe: {  	[dreg:$0x0] =	wrdreg $0xFFFFFFFF;
	(pc) =	sbr.abs _section_cstart, $3  }
0xbf: {  	[dreg:$0x1] =	wrdreg $0xFFFFFFFF  }
0xc0: {  	_ =	task.clear_ibuf [dreg:s6], $0x2FFFF;
	_ =	strace $0x9FFFFFFF  }
0xc1: {  	(tm) =	ssettm $0x7FFFFFFF  }
tec
execute0_lowered:
.L_overlay_start_1:
0x0: {  	(tag) =	ssettag $0x1  }
0x1: {  	s4 =	rddreg [dreg:$0x0]  }
0x2: {  	s0 =	rddreg [dreg:$0x1];
	s1 =	simm.s32 $0x0;
	s6 =	srdreg.scid  }
0x3: {  	s2 =	stileid.u32;
	s13 =	simm.s32 $0x0;
	[smem:$0x7FF] =	sst s1  }
0x4: {  	s5 =	sadd.s32 $0x29800, s4;
	s3 =	sadd.s32 $0x2D800, s4;
	s6 =	sand.u32 $0x1, s6  }
0x5: {  	s7 =	sshll.u32 s2, $0x7;
	s30 =	sshll.u32 s2, $0x4;
	_ =	strace $0x8000004A  }
0x6: {  	s8 =	sshll.u32 s6, $0xB;
	s9 =	sshll.u32 s6, $0x10;
	s28 =	ssub.s32 $0x2, s6  }
0x7: {  	s12 =	smul.u32 $0x320000, s6;
	s6 =	sshll.u32 s6, $0xD;
	s8 =	sor.u32 s7, s8  }
0x8: {  	s7 =	sor.u32 s7, s9;
	s10 =	sshrl.u32 s28, $0x1;
	s31 =	sadd.s32 s6, s5  }
0x9: {  	s8 =	sshrl.u32 s8, $0x3;
	s7 =	sshrl.u32 s7, $0x3;
	s9 =	ssub.s32 s28, s10  }
0xa: {  	s10 =	simm.s32 $0x1000;
	v0 =	vmov s12;
	s12 =	simm.s32 $0x1080;
	s8 =	sadd.s32 s8, s4  }
0xb: {  	s11 =	sadd.s32 s7, s4;
	s29 =	sadd.s32 s7, s5;
	s6 =	smax.u32 s9, $0x1  }
0xc: {  	s7 =	sadd.s32 s30, s31;
	s9 =	simm.s32 $0x1;
	s4 =	sadd.s32 $0xD00, s29  }
0xd: {  	s5 =	sadd.s32 $0xF5800, s8;
	s8 =	sadd.s32 $0xF5A00, s11;
	s11 =	simm.s32 $0x80  }
.LBB2_1:
0xe: {  	s14 =	simm.s32 $0x1100;
	s15 =	sadd.s32 $0x0, s7  }
0xf: {  	[tilespmem:s14], [sflag:$0x1] =	stream.linear.gather [hbm4b:s15+s1], $0x80, $0x38;
	[tilespmem:$0x2100] =	vst v63  }
0x10: {  	_ =	swait.ge [sflag:s9], $0x80  }
0x11: {  	s15 =	simm.s32 $0x100;
	[sflag:s9] =	ssyncset.done $0x0  }
.LBB2_2:
0x12: {  	s16 =	sadd.s32 s15, s7  }
0x13: {  	[sflag:s9] =	ssyncadd.s32 $0xFFFFFF80;
	s14 =	sadd.s32 $0x80, s14;
	p0 =	sne.s32 s15, $0x1A00  }
0x14: {  	[tilespmem:s14], [sflag:$0x1] =	stream.linear.gather [hbm4b:s16+s1], $0x80, $0x38;
	[tilespmem:$0x2100] =	vst v63  }
.Ltmp0:
0x15: {  	_ = 	snop;
	(pc) =	sbr.rel @p0 .LBB2_2-.Ltmp0, $4  }
0x16: {  	_ = 	snop  }
0x17: {  	s15 =	sadd.s32 $0x100, s15  }
0x18: {  	_ =	swait.ge [sflag:s9], $0x80  }
0x19: {  	[sflag:s9] =	ssyncset.done $0x0  }
0x1a: {  	[sflag:s9] =	ssyncadd.s32 $0xFFFFFF80;
	s14 =	simm.s32 $0x0  }
0x1b: {  	[tilespmem:s10], [sflag:$0x1] =	stream.linear.gather [hbm4b:s4+s14], $0x80, $0x38;
	[tilespmem:$0x2100] =	vst v63  }
0x1c: {  	_ =	swait.ge [sflag:s9], $0x80  }
0x1d: {  	[sflag:s9] =	ssyncset.done $0x0  }
0x1e: {  	[sflag:s9] =	ssyncadd.s32 $0xFFFFFF80  }
0x1f: {  	v1 =	vld [tilespmem:$0x1000]  }
0x20: {  	v2 =	vld [tilespmem:$0x1010]  }
0x21: {  	v3 =	vld [tilespmem:$0x1020]  }
0x22: {  	v4 =	vld [tilespmem:$0x1030]  }
0x23: {  	v5 =	vld [tilespmem:$0x1040]  }
0x24: {  	v6 =	vld [tilespmem:$0x1050];
	v1 =	vadd.s32 v0, v1  }
0x25: {  	[tilespmem:$0x1000] =	vst v1;
	v1 =	vadd.s32 v0, v2;
	v2 =	vld [tilespmem:$0x1060]  }
0x26: {  	[tilespmem:$0x1010] =	vst v1;
	v1 =	vadd.s32 v0, v3;
	v3 =	vld [tilespmem:$0x1070]  }
0x27: {  	[tilespmem:$0x1020] =	vst v1;
	v1 =	vadd.s32 v0, v4  }
0x28: {  	[tilespmem:$0x1030] =	vst v1;
	v1 =	vadd.s32 v0, v5  }
0x29: {  	[tilespmem:$0x1040] =	vst v1;
	v1 =	vadd.s32 v0, v6  }
0x2a: {  	[tilespmem:$0x1050] =	vst v1;
	v1 =	vadd.s32 v0, v2  }
0x2b: {  	[tilespmem:$0x1060] =	vst v1;
	v1 =	vadd.s32 v0, v3  }
0x2c: {  	s14 =	simm.s32 $0x0;
	[tilespmem:$0x1070] =	vst v1  }
0x2d: {  	s15 =	simm.s32 $0x40;
	v1 =	vld [tilespmem:s14+$0x1100]  }
.LBB2_4:
0x2e: {  	_ =	sdelay $0x1  }
0x2f: {  	p0 =	sne.s32 s15, $0x35C0  }
.Ltmp1:
0x30: {  	_ = 	snop;
	(pc) =	sbr.rel @p0 .LBB2_4-.Ltmp1, $4  }
0x31: {  	vm0 =	vgt.s32 v1, $0x0  }
0x32: {  	v2 =	vnsel vm0, $0x0, v1  }
0x33: {  	s16 =	sshra.s32 s15, $0x2;
	v2 =	vadd.s32 v0, v2  }
0x34: {  	s15 =	sadd.s32 $0x40, s15;
	v1 =	vld [tilespmem:s16+$0x1100];
	[tilespmem:s14+$0x0] =	vst v2;
	s14 =	smov.u32 s16  }
0x35: {  	_ =	sdelay $0x3  }
0x36: {  	vm0 =	vgt.s32 v1, $0x0  }
0x37: {  	v1 =	vnsel vm0, $0x0, v1  }
0x38: {  	v1 =	vadd.s32 v0, v1  }
0x39: {  	[tilespmem:s14+$0x0] =	vst v1  }
0x3a: {  	[tilespmem:s12], [sflag:$0x1] =	stream.indirect.gather [hbm4b:s3+s11], $0x1, s10, s11, $0xb8;
	[tilespmem:$0x2100] =	vst v63  }
0x3b: {  	_ =	swait.ge [sflag:s9], $0x80  }
0x3c: {  	[sflag:s9] =	ssyncset.done $0x0  }
0x3d: {  	s30 =	simm.s32 $0x0;
	[sflag:s9] =	ssyncadd.s32 $0xFFFFFF80  }
0x3e: {  	[hbm4b:s5+s30] =	stream.linear.scatter [tilespmem:s12], [sflag:$0x1], $0x80, $0x38;
	[tilespmem:$0x2100] =	vst v63  }
0x3f: {  	_ =	swait.ge [sflag:s9], $0x80  }
0x40: {  	[sflag:s9] =	ssyncset.done $0x0  }
0x41: {  	s31 =	simm.s32 $0x0;
	s15 =	simm.s32 $0x1100;
	[sflag:s9] =	ssyncadd.s32 $0xFFFFFF80  }
0x42: {  	[tilespmem:s15], [sflag:$0x1] =	stream.indirect.gather [hbm4b:s3+s11], $0x1, s31, s11, $0xb8;
	[tilespmem:$0x2100] =	vst v63  }
0x43: {  	s14 =	simm.s32 $0x200;
	_ =	swait.ge [sflag:s9], $0x80  }
.LBB2_6:
0x44: {  	s15 =	sshra.s32 s14, $0x2;
	[sflag:s9] =	ssyncset.done $0x0;
	p0 =	sne.s32 s14, $0x3400  }
.Ltmp2:
0x45: {  	s16 =	sadd.s32 $0x1100, s15;
	[sflag:s9] =	ssyncadd.s32 $0xFFFFFF80;
	(pc) =	sbr.rel @p0 .LBB2_6-.Ltmp2, $3  }
0x46: {  	[tilespmem:s16], [sflag:$0x1] =	stream.indirect.gather [hbm4b:s3+s11], $0x1, s15, s11, $0xb8;
	[tilespmem:$0x2100] =	vst v63  }
0x47: {  	s14 =	sadd.s32 $0x200, s14;
	_ =	sdelay $0x1  }
0x48: {  	_ =	swait.ge [sflag:s9], $0x80  }
0x49: {  	[sflag:s9] =	ssyncset.done $0x0  }
0x4a: {  	s14 =	simm.s32 $0x1100;
	s15 =	sadd.s32 $0x0, s8;
	[sflag:s9] =	ssyncadd.s32 $0xFFFFFF80  }
0x4b: {  	[hbm4b:s15+s1] =	stream.linear.scatter [tilespmem:s14], [sflag:$0x1], $0x80, $0x38;
	[tilespmem:$0x2100] =	vst v63  }
0x4c: {  	_ =	swait.ge [sflag:s9], $0x80  }
0x4d: {  	s15 =	simm.s32 $0x100;
	[sflag:s9] =	ssyncset.done $0x0  }
.LBB2_8:
0x4e: {  	s16 =	sadd.s32 s15, s8  }
0x4f: {  	[sflag:s9] =	ssyncadd.s32 $0xFFFFFF80;
	s14 =	sadd.s32 $0x80, s14;
	p0 =	sne.s32 s15, $0x1A00  }
0x50: {  	[hbm4b:s16+s1] =	stream.linear.scatter [tilespmem:s14], [sflag:$0x1], $0x80, $0x38;
	[tilespmem:$0x2100] =	vst v63  }
.Ltmp3:
0x51: {  	_ = 	snop;
	(pc) =	sbr.rel @p0 .LBB2_8-.Ltmp3, $4  }
0x52: {  	_ = 	snop  }
0x53: {  	s15 =	sadd.s32 $0x100, s15  }
0x54: {  	_ =	swait.ge [sflag:s9], $0x80  }
0x55: {  	[sflag:s9] =	ssyncset.done $0x0  }
0x56: {  	s13 =	sadd.s32 $0x1, s13  }
0x57: {  	p0 =	sne.s32 s13, s6  }
.Ltmp4:
0x58: {  	_ = 	snop;
	(pc) =	sbr.rel @p0 .LBB2_1-.Ltmp4, $2  }
0x59: {  	_ =	sdelay $0x2  }
0x5a: {  	[sflag:s9] =	ssyncadd.s32 $0xFFFFFF80  }
0x5b: {  	_ =	sfence.sel $0x180000  }
0x5c: {  	[bflag:$0x0] =	sbarrier.arrive $0xFFFF  }
0x5d: {  	p0 =	sne.s32 s2, $0x0;
	_ =	strace $0x9000004A  }
0x5e: {  	s0 =	sadd.s32 @!p0 $0x100000, s0;
	[bflag:$0x2] =	sbarrier.arrive $0xFFFF  }
0x5f: {  	[sflag:s0] =	ssyncadd.tile.s32 @!p0 $0x1;
	_ =	shalt  }
.Lfunc_end2:
_tile_overlayer_lowered:
.L_overlay_start_2:
0x60: {  	(tag) =	ssettag $0x2  }
0x61: {  	s0 =	rddreg [dreg:$0x0];
	s2 =	stileid.u32  }
0x62: {  	s1 =	rddreg [dreg:$0x1];
	p0 =	sne.s32 s2, $0x0  }
0x63: {  	s3 =	rddreg [dreg:$0x2];
	[bflag:$0x3] =	sbarrier.arrive $0xFFFF;
	s2 =	simm.s32 @!p0 $0x1C01  }
0x64: {  	[timem:s3], [sflag:s2] =	dma.local @!p0 [hbm:s0], s1  }
0x65: {  	s0 =	simm.s32 @!p0 $0x1  }
0x66: {  	_ =	swait.ge @!p0 [sflag:s0], s1  }
0x67: {  	s1 =	ssub.s32 @!p0 $0x0, s1;
	[sflag:s0] =	ssyncset.done @!p0 $0x0  }
0x68: {  	[sflag:s0] =	ssyncadd.s32 @!p0 s1  }
0x69: {  	[bflag:$0x3] =	sbarrier.arrive $0xFFFF  }
0x6a: {  	_ =	shalt  }

// kernel: kernel.14.cloned.1.call-start
scs
__scs_entry_jumppad:
0x0: {  	(pc) =	sbr.rel $0x88, $3  }
0x1: {  	(tag) =	ssettag $0x0;
	lr =	simm.s32 $0x1  }
0x2: {  	[smem:$0x3F8D] =	sst lr;
	_ =	strace $0xD0000000  }
0x3: {  	_ = 	snop  }
0x4: {  	_ = 	snop  }
0x5: {  	_ = 	snop  }
0x6: {  	_ = 	snop  }
0x7: {  	_ = 	snop  }
__scs_overlays_trampoline_lowered:
0x8: {  	[smem:$0x3F9C] =	sst s0  }
0x9: {  	[smem:$0x3F9D] =	sst s1  }
0xa: {  	[smem:$0x3F9E] =	sst s2  }
0xb: {  	[smem:$0x3F9F] =	sst s3  }
0xc: {  	[smem:$0x3FA0] =	sst s4  }
0xd: {  	[smem:$0x3FA1] =	sst s5  }
0xe: {  	[smem:$0x3FA2] =	sst s6  }
0xf: {  	[smem:$0x3FA3] =	sst s7  }
0x10: {  	[smem:$0x3FA4] =	sst s8  }
0x11: {  	[smem:$0x3FA5] =	sst s9;
	s0 =	simm.s32 @!p0 $0x0  }
0x12: {  	s1 =	sld [smem:$0x3F8B];
	s0 =	simm.s32 @p0 $0x1  }
0x13: {  	[smem:$0x3FA6] =	sst s0;
	s0 =	simm.s32 @!p1 $0x0  }
0x14: {  	s2 =	sld [smem:$0x3F8A];
	s0 =	simm.s32 @p1 $0x1  }
0x15: {  	[smem:$0x3FA7] =	sst s0;
	s0 =	simm.s32 @!p2 $0x0  }
0x16: {  	s3 =	sld [smem:$0x3FDB];
	s0 =	simm.s32 @p2 $0x1  }
0x17: {  	s4 =	simm.s32 $0x1BF5;
	[smem:$0x3FA9] =	sst s0  }
0x18: {  	s0 =	sld [smem:$0x3F8C];
	_ =	swait.ge [sflag:s4], $0x0  }
0x19: {  	s7 =	sld [smem:$0x3F8D]  }
0x1a: {  	s8 =	sadd.s32 $0xFFFFE003, lr  }
0x1b: {  	s9 =	sadd.s32 $0xFFFFFEF7, lr;
	s5 =	simm.s32 $0xFFFFFFFF;
	p2 =	slt.u32 s8, $0xFFFFF086  }
0x1c: {  	p1 =	slt.u32 s9, $0xF7A;
	s5 =	simm.s32 @!p2 $0x0  }
0x1d: {  	s5 =	simm.s32 @p1 $0x1;
	p0 =	seq.s32 s7, s2  }
0x1e: {  	s7 =	smul.u32 @!p0 $0xF7A, s2;
	p2 =	seq.s32 @!p0 s5, $0x0  }
0x1f: {  	s9 =	smul.u32 $0xF7A, s1;
	s8 =	simm.s32 @!p0 $0x1BF5;
	p2 =	por !p2, p0  }
0x20: {  	[sflag:s8] =	ssyncset.s32 @!p0 $0xFFFFF086;
	s6 =	sadd.s32 @!p0 s3, s7;
	s7 =	simm.s32 @!p0 $0x108  }
0x21: {  	s3 =	sadd.s32 s3, s9;
	s6 =	sadd.s32 @!p0 $0x88, s6;
	s7 =	simm.s32 @p2 $0x1082  }
0x22: {  	[simem:s7], [sflag:s8] =	dma.local @!p0 [hbm:s6], $0xF7A  }
0x23: {  	s9 =	sor.u32 $0xD0000000, s2;
	s6 =	simm.s32 $0x108;
	_ =	swait.ge @!p0 [sflag:s8], $0x0  }
0x24: {  	s3 =	sadd.s32 $0x88, s3;
	s6 =	simm.s32 @!p1 $0x1082;
	[sflag:s4] =	ssyncset.s32 $0xFFFFF086  }
0x25: {  	[simem:s6], [sflag:s4] =	dma.local [hbm:s3], $0xF7A  }
0x26: {  	[smem:$0x3F8D] =	sst s1;
	(tag) =	ssettag s2;
	_ =	strace s9  }
0x27: {  	s1 =	sld [smem:$0x3F9D]  }
0x28: {  	s2 =	sld [smem:$0x3F9E]  }
0x29: {  	s4 =	sld [smem:$0x3FA0]  }
0x2a: {  	p0 =	seq.s32 s5, $0x0;
	s5 =	sld [smem:$0x3FA1]  }
0x2b: {  	s6 =	sld [smem:$0x3FA2]  }
0x2c: {  	s7 =	sld [smem:$0x3FA3]  }
0x2d: {  	s3 =	simm.s32 $0x108;
	s8 =	sld [smem:$0x3FA4]  }
0x2e: {  	s3 =	simm.s32 @!p0 $0x1082;
	s9 =	sld [smem:$0x3FA5]  }
0x2f: {  	lr =	sadd.s32 s0, s3;
	s0 =	sld [smem:$0x3F9C]  }
0x30: {  	s3 =	sld [smem:$0x3F9F]  }
0x31: {  	[smem:$0x3FA8] =	sst s10  }
0x32: {  	s10 =	sld [smem:$0x3FA6];
	_ =	sdelay $0x3  }
0x33: {  	p0 =	seq.s32 s10, $0x1;
	s10 =	sld [smem:$0x3FA8];
	_ =	sdelay $0x3  }
0x34: {  	[smem:$0x3FA8] =	sst s10  }
0x35: {  	s10 =	sld [smem:$0x3FA7];
	_ =	sdelay $0x3  }
0x36: {  	p1 =	seq.s32 s10, $0x1;
	s10 =	sld [smem:$0x3FA8];
	_ =	sdelay $0x3  }
0x37: {  	[smem:$0x3FA8] =	sst s10  }
0x38: {  	s10 =	sld [smem:$0x3FA9]  }
0x39: {  	_ = 	snop;
	(pc) =	sbr.ind lr, $3  }
0x3a: {  	_ = 	snop  }
0x3b: {  	_ = 	snop  }
0x3c: {  	p2 =	seq.s32 s10, $0x1;
	s10 =	sld [smem:$0x3FA8]  }
0x3d: {  	_ =	shalt  }
0x3e: {  	_ =	shalt  }
0x3f: {  	_ =	shalt  }
0x40: {  	_ =	shalt  }
0x41: {  	_ =	shalt  }
0x42: {  	_ =	shalt  }
0x43: {  	_ =	shalt  }
0x44: {  	_ =	shalt  }
0x45: {  	_ =	shalt  }
0x46: {  	_ =	shalt  }
0x47: {  	_ =	shalt  }
0x48: {  	_ =	shalt  }
0x49: {  	_ =	shalt  }
0x4a: {  	_ =	shalt  }
0x4b: {  	_ =	shalt  }
0x4c: {  	_ =	shalt  }
0x4d: {  	_ =	shalt  }
0x4e: {  	_ =	shalt  }
0x4f: {  	_ =	shalt  }
0x50: {  	_ =	shalt  }
0x51: {  	_ =	shalt  }
0x52: {  	_ =	shalt  }
0x53: {  	_ =	shalt  }
0x54: {  	_ =	shalt  }
0x55: {  	_ =	shalt  }
0x56: {  	_ =	shalt  }
0x57: {  	_ =	shalt  }
0x58: {  	_ =	shalt  }
0x59: {  	_ =	shalt  }
0x5a: {  	_ =	shalt  }
0x5b: {  	_ =	shalt  }
0x5c: {  	_ =	shalt  }
0x5d: {  	_ =	shalt  }
0x5e: {  	_ =	shalt  }
0x5f: {  	_ =	shalt  }
0x60: {  	_ =	shalt  }
0x61: {  	_ =	shalt  }
0x62: {  	_ =	shalt  }
0x63: {  	_ =	shalt  }
0x64: {  	_ =	shalt  }
0x65: {  	_ =	shalt  }
0x66: {  	_ =	shalt  }
0x67: {  	_ =	shalt  }
0x68: {  	_ =	shalt  }
0x69: {  	_ =	shalt  }
0x6a: {  	_ =	shalt  }
0x6b: {  	_ =	shalt  }
0x6c: {  	_ =	shalt  }
0x6d: {  	_ =	shalt  }
0x6e: {  	_ =	shalt  }
0x6f: {  	_ =	shalt  }
0x70: {  	_ =	shalt  }
0x71: {  	_ =	shalt  }
0x72: {  	_ =	shalt  }
0x73: {  	_ =	shalt  }
0x74: {  	_ =	shalt  }
0x75: {  	_ =	shalt  }
0x76: {  	_ =	shalt  }
0x77: {  	_ =	shalt  }
0x78: {  	_ =	shalt  }
0x79: {  	_ =	shalt  }
0x7a: {  	_ =	shalt  }
0x7b: {  	_ =	shalt  }
0x7c: {  	_ =	shalt  }
0x7d: {  	_ =	shalt  }
0x7e: {  	_ =	shalt  }
0x7f: {  	_ =	shalt  }
0x80: {  	_ =	shalt  }
0x81: {  	_ =	shalt  }
0x82: {  	_ =	shalt  }
0x83: {  	_ =	shalt  }
0x84: {  	_ =	shalt  }
0x85: {  	_ =	shalt  }
0x86: {  	_ =	shalt  }
0x87: {  	_ =	shalt  }
.Lfunc_end0:
.L_simem_size_0:
called_computation.2_lowered:
.L_overlay_start_0:
0x88: {  	s2 =	sld [smem:$0x3FD9]  }
0x89: {  	s3 =	sld [smem:$0x3FFE];
	_ =	sdelay $0x1  }
0x8a: {  	s1 =	srdreg.scid  }
0x8b: {  	s0 =	sand.u32 $0x1, s1  }
0x8c: {  	s16 =	sshll.u32 s0, $0xA;
	s2 =	sadd.s32 s3, s2  }
0x8d: {  	s2 =	sadd.s32 s2, s16  }
0x8e: {  	[smem:$0x3FB4] =	sst s2  }
0x8f: {  	_ = 	snop  }
0x90: {  	(tm) =	ssettm $0x1  }
0x91: {  	s17 =	sld [smem:$0x3FFB];
	_ =	sdelay $0x3  }
0x92: {  	_ =	strace s17  }
0x93: {  	s2 =	sld [smem:$0x3FFC];
	_ =	sdelay $0x3  }
0x94: {  	_ =	strace s2  }
0x95: {  	s2 =	sld [smem:$0x3FFD];
	_ =	sdelay $0x3  }
0x96: {  	_ =	strace s2  }
0x97: {  	_ =	strace $0x8FFFFFFF  }
0x98: {  	s18 =	sld [smem:$0x3FDB];
	_ =	sdelay $0x1  }
0x99: {  	s19 =	simm.s32 $_scs_section_size  }
0x9a: {  	s4 =	simm.s32 $_size__tile_overlayer_lowered;
	s5 =	simm.s32 $_tile_overlayer_lowered  }
0x9b: {  	s22 =	simm.s32 $0x1BFF;
	s21 =	sshll.u32 s5, $0x1;
	s2 =	sadd.s32 s19, s18  }
0x9c: {  	s6 =	simm.s32 $0x0;
	s20 =	sshll.u32 s4, $0x1;
	s4 =	sadd.s32 s21, s2  }
0x9d: {  	[timem:s6], [sflag:s22] =	dma.local [hbm:s4], s20  }
0x9e: {  	_ =	swait.ge [sflag:s22], s20  }
0x9f: {  	s3 =	ssub.s32 $0x0, s20;
	[sflag:s22] =	ssyncset.done $0x0  }
0xa0: {  	[sflag:s22] =	ssyncadd.s32 s3;
	_ =	sdelay $0x1  }
0xa1: {  	s23 =	simm.s32 $0x1B8B  }
0xa2: {  	_ =	swait.ge [sflag:s23], $0x1  }
0xa3: {  	[sflag:s23] =	ssyncset.done $0x0  }
0xa4: {  	s25 =	simm.s32 $0x1B8E;
	s24 =	sld [smem:$0x3FFE];
	[sflag:s23] =	ssyncadd.s32 $0xFFFFFFFF  }
0xa5: {  	s26 =	simm.s32 $execute0_lowered;
	[smem:$0x3FD2] =	sst s25  }
0xa6: {  	s4 =	sshll.u32 s26, $0x1;
	_ =	strace $0x8000004C;
	[dreg:$0x1] =	wrdreg $0xFFFFFFFF  }
0xa7: {  	s28 =	simm.s32 $_size_execute0_lowered;
	s2 =	sadd.s32 s2, s4;
	[dreg:$0x0] =	wrdreg $0x0  }
0xa8: {  	s4 =	sshll.u32 s28, $0x1;
	[dreg:$0x2] =	wrdreg s2  }
0xa9: {  	[dreg:$0x3] =	wrdreg s4  }
0xaa: {  	[dreg:$0x4] =	wrdreg $0xC0  }
0xab: {  	_ =	task [dreg:s6], $0x5FFFF  }
0xac: {  	[dreg:$0x1] =	wrdreg $0xFFFFFFFF  }
0xad: {  	[dreg:$0x0] =	wrdreg $0x60  }
0xae: {  	[dreg:$0x2] =	wrdreg s24  }
0xaf: {  	[dreg:$0x3] =	wrdreg $0x9  }
0xb0: {  	_ =	task.clear_ibuf [dreg:s6], $0x4FFFF;
	_ =	strace $0x9000004C  }
0xb1: {  	s29 =	simm.s32 $0x9;
	_ =	strace $0x8000004E  }
0xb2: {  	_ =	swait.ge [sflag:s29], $0x1  }
0xb3: {  	[sflag:s29] =	ssyncadd.s32 $0xFFFFFFFF  }
0xb4: {  	_ =	strace $0x9000004E  }
0xb5: {  	_ =	sfence  }
0xb6: {  	s30 =	sld [smem:$0x0];
	_ =	sdelay $0x2  }
0xb7: {  	s31 =	sshll.u32 s1, $0xD;
	s1 =	sshrl.u32 s1, $0x2  }
0xb8: {  	s3 =	sand.u32 $0x4000, s31;
	s1 =	sadd.s32 s1, s30  }
0xb9: {  	s0 =	sor.u32 s3, s0;
	s1 =	sshll.u32 s1, $0x11  }
0xba: {  	s0 =	sor.u32 s1, s0  }
0xbb: {  	s0 =	sadd.s32 $0x8F2B, s0  }
0xbc: {  	[sflag:s0] =	ssyncadd.remote.s32 $0x1  }
0xbd: {  	_ =	sfence.sel $0xFFFF  }
0xbe: {  	[dreg:$0x0] =	wrdreg $0xFFFFFFFF;
	(pc) =	sbr.abs _section_cstart, $3  }
0xbf: {  	[dreg:$0x1] =	wrdreg $0xFFFFFFFF  }
0xc0: {  	_ =	task.clear_ibuf [dreg:s6], $0x2FFFF;
	_ =	strace $0x9FFFFFFF  }
0xc1: {  	(tm) =	ssettm $0x7FFFFFFF  }
tec
execute0_lowered:
.L_overlay_start_1:
0x0: {  	(tag) =	ssettag $0x1  }
0x1: {  	s0 =	rddreg [dreg:$0x0]  }
0x2: {  	s1 =	simm.s32 $0x0;
	s2 =	srdreg.scid;
	s11 =	stileid.u32  }
0x3: {  	s13 =	simm.s32 $0xA800;
	s14 =	simm.s32 $0xB000;
	s15 =	simm.s32 $0xB800  }
0x4: {  	s16 =	simm.s32 $0xC000;
	s17 =	simm.s32 $0xC800;
	[smem:$0x7FF] =	sst s1  }
0x5: {  	s18 =	simm.s32 $0xD000;
	_ =	strace $0x8000004D;
	[dreg:$0x3] =	wrdreg s13  }
0x6: {  	s19 =	simm.s32 $0xD800;
	s20 =	simm.s32 $0xE800;
	[dreg:$0x4] =	wrdreg s14  }
0x7: {  	s21 =	simm.s32 $0xF000;
	s22 =	simm.s32 $0xF800;
	[dreg:$0x5] =	wrdreg s15  }
0x8: {  	s23 =	simm.s32 $0x10000;
	s28 =	simm.s32 $0x1;
	[dreg:$0x6] =	wrdreg s16  }
0x9: {  	s29 =	simm.s32 $0x3;
	s30 =	simm.s32 $0x5;
	[dreg:$0x7] =	wrdreg s17  }
0xa: {  	s31 =	simm.s32 $0x7;
	s2 =	sand.u32 $0x1, s2;
	[dreg:$0x8] =	wrdreg s18  }
0xb: {  	s3 =	sadd.s32 $0x29800, s0;
	s6 =	sshll.u32 s11, $0xC;
	[dreg:$0x9] =	wrdreg s19  }
0xc: {  	s8 =	sadd.s32 $0xF9A00, s0;
	s26 =	sshll.u32 s11, $0x4;
	[dreg:$0xa] =	wrdreg s20  }
0xd: {  	s4 =	sshll.u32 s2, $0xD;
	s5 =	ssub.s32 $0x2, s2;
	[dreg:$0xb] =	wrdreg s21  }
0xe: {  	s7 =	sshll.u32 s2, $0x15;
	s2 =	sshll.u32 s2, $0xB;
	[dreg:$0xc] =	wrdreg s22  }
0xf: {  	s17 =	simm.s32 $0x6000;
	[dreg:$0xd] =	wrdreg s23;
	s13 =	simm.s32 $0x3800  }
0x10: {  	s14 =	simm.s32 $0x4000;
	s15 =	simm.s32 $0x4800;
	s16 =	simm.s32 $0x5000  }
0x11: {  	s18 =	simm.s32 $0x5800;
	s19 =	simm.s32 $0x6800;
	s20 =	simm.s32 $0x7000  }
0x12: {  	s21 =	simm.s32 $0x7800;
	s22 =	simm.s32 $0x8000;
	s23 =	simm.s32 $0x8800  }
0x13: {  	s9 =	sshrl.u32 s5, $0x1;
	s10 =	sor.u32 s6, s7;
	s0 =	sadd.s32 s4, s0  }
0x14: {  	s11 =	sadd.s32 s7, s8;
	v0 =	vmov s2;
	s2 =	simm.s32 $0x4;
	s24 =	ssub.s32 s5, s9  }
0x15: {  	s25 =	sadd.s32 s10, s8;
	s0 =	sadd.s32 s26, s0;
	s12 =	sadd.s32 s6, s11  }
0x16: {  	s8 =	simm.s32 $0x9;
	s26 =	simm.s32 $0x11800;
	[dreg:$0x2] =	wrdreg s12  }
0x17: {  	s9 =	simm.s32 $0x2000;
	s10 =	sadd.s32 $0x1A0000, s25;
	[dreg:$0x10] =	wrdreg s26  }
0x18: {  	s6 =	simm.s32 $0x0;
	s5 =	sadd.s32 $0x1A0800, s25;
	[dreg:$0x11] =	wrdreg s10  }
0x19: {  	s4 =	smax.u32 s24, $0x1;
	s7 =	sadd.s32 $0xF5A00, s0;
	[dreg:$0x12] =	wrdreg s5  }
0x1a: {  	v3 =	vlaneseq.u32;
	s24 =	simm.s32 $0x10800;
	s25 =	simm.s32 $0x11000;
	[dreg:$0x13] =	wrdreg s4  }
0x1b: {  	vm0 =	vmmov $0xffff;
	v2 =	vshrl.u32 v3, $0x3;
	s26 =	simm.s32 $0xE000;
	s0 =	simm.s32 $0x2;
	[dreg:$0xe] =	wrdreg s24  }
0x1c: {  	v1 =	vand.u32 $0x7, v3;
	v3 =	vor.u32 $0x8, v3;
	v2 =	vmul.u32 $0x8, v2;
	[dreg:$0xf] =	wrdreg s25;
	s25 =	simm.s32 $0xA000;
	s24 =	simm.s32 $0x9000  }
.LBB2_1:
0x1d: {  	[dreg:$0x14] =	wrdreg s6;
	s4 =	sadd.s32 $0x0, s7  }
0x1e: {  	[tilespmem:s1], [sflag:$0x9] =	stream.linear.gather [hbm4b:s4+s1], $0x80, $0x38;
	[tilespmem:$0x12000] =	vst v63  }
0x1f: {  	_ =	swait.ge [sflag:s8], $0x80  }
0x20: {  	s5 =	simm.s32 $0x80;
	s4 =	simm.s32 $0x100;
	[sflag:s8] =	ssyncset.done $0x0  }
.LBB2_2:
0x21: {  	s10 =	sadd.s32 s4, s7  }
0x22: {  	s6 =	simm.s32 $0x0;
	[sflag:s8] =	ssyncadd.s32 $0xFFFFFF80;
	p0 =	sne.s32 s4, $0x1A00  }
0x23: {  	[tilespmem:s5], [sflag:$0x9] =	stream.linear.gather [hbm4b:s10+s6], $0x80, $0x38;
	[tilespmem:$0x12000] =	vst v63  }
.Ltmp0:
0x24: {  	_ = 	snop;
	(pc) =	sbr.rel @p0 .LBB2_2-.Ltmp0, $4  }
0x25: {  	_ = 	snop  }
0x26: {  	s4 =	sadd.s32 $0x100, s4  }
0x27: {  	_ =	swait.ge [sflag:s8], $0x80  }
0x28: {  	s5 =	sadd.s32 $0x80, s5;
	[sflag:s8] =	ssyncset.done $0x0  }
0x29: {  	s4 =	sand.u32 $0x3E00, s6  }
0x2a: {  	s5 =	sand.u32 $0x70, s6;
	s4 =	sshrl.u32 s4, $0x2  }
0x2b: {  	[sflag:s8] =	ssyncadd.s32 $0xFFFFFF80;
	s4 =	sor.u32 s5, s4  }
0x2c: {  	v4 =	vld [tilespmem:s4+$0x0];
	_ =	sdelay $0x4  }
0x2d: {  	s6 =	simm.s32 $0x80;
	s4 =	simm.s32 $0x40;
	vm1 =	vgt.s32 v4, $0x0  }
0x2e: {  	s10 =	simm.s32 $0x0;
	s5 =	simm.s32 $0x10;
	s11 =	sand.u32 $0x3E00, s4;
	v4 =	vnsel vm1, $0x0, v4  }
.LBB2_4:
0x2f: {  	p0 =	sne.s32 s6, $0x35C0;
	s12 =	sand.u32 $0x70, s5;
	s11 =	sshrl.u32 s11, $0x2;
	v4 =	vadd.s32 v0, v4  }
0x30: {  	s11 =	sor.u32 s12, s11;
	[tilespmem:s10+$0x1000] =	vst v4;
	s10 =	smov.u32 s4;
	s4 =	smov.u32 s6  }
0x31: {  	v4 =	vld [tilespmem:s11+$0x0];
	_ =	sdelay $0x1  }
.Ltmp1:
0x32: {  	(pc) =	sbr.rel @p0 .LBB2_4-.Ltmp1, $3  }
0x33: {  	_ =	sdelay $0x1  }
0x34: {  	s5 =	sadd.s32 $0x10, s5;
	vm1 =	vgt.s32 v4, $0x0  }
0x35: {  	s6 =	sadd.s32 $0x40, s6;
	s11 =	sand.u32 $0x3E00, s4;
	s10 =	sshra.s32 s10, $0x2;
	v4 =	vnsel vm1, $0x0, v4  }
0x36: {  	s5 =	sand.u32 $0x70, s5;
	s6 =	sshrl.u32 s11, $0x2;
	v4 =	vadd.s32 v0, v4  }
0x37: {  	s5 =	sor.u32 s5, s6;
	[tilespmem:s10+$0x1000] =	vst v4  }
0x38: {  	v4 =	vld [tilespmem:s5+$0x0];
	_ =	sdelay $0x4  }
0x39: {  	vm1 =	vgt.s32 v4, $0x0  }
0x3a: {  	v4 =	vnsel vm1, $0x0, v4  }
0x3b: {  	s4 =	sshra.s32 s4, $0x2;
	v4 =	vadd.s32 v0, v4  }
0x3c: {  	[tilespmem:s4+$0x1000] =	vst v4  }
0x3d: {  	v4 =	vld [tilespmem:$0x1000];
	_ =	sdelay $0x4  }
0x3e: {  	v5 =	vshll.u32 v4, $0x1  }
0x3f: {  	v4 =	vand.u32 $0x7, v4;
	v5 =	vand.u32 $0xFFFFFFF0, v5  }
0x40: {  	v4 =	vor.u32 v4, v5  }
0x41: {  	v5 =	vperm.xlane v4, v1;
	_ =	sdelay $0x1  }
0x42: {  	v4 =	vperm.xlane v4, v3;
	v5 =	vadd.s32 v2, v5;
	_ =	sdelay $0x1  }
0x43: {  	v4 =	vadd.s32 v2, v4;
	_ =	sdelay $0x1  }
0x44: {  	s4 =	simm.s32 $0x0  }
0x45: {  	[tilespmem:s9], [sflag:$0x1] =	stream.indirect_vreg.gather [hbm4b:s3+s4], $0x80, v5, vm0, $0xb8;
	[tilespmem:$0x12000] =	vst v63  }
0x46: {  	s12 =	simm.s32 $0x2800  }
0x47: {  	[tilespmem:s12], [sflag:$0x1] =	stream.indirect_vreg.gather [hbm4b:s3+s4], $0x80, v4, vm0, $0xb8;
	[tilespmem:$0x12000] =	vst v63  }
0x48: {  	v4 =	vld [tilespmem:$0x1010];
	_ =	sdelay $0x4  }
0x49: {  	v5 =	vshll.u32 v4, $0x1  }
0x4a: {  	v4 =	vand.u32 $0x7, v4;
	v5 =	vand.u32 $0xFFFFFFF0, v5  }
0x4b: {  	v4 =	vor.u32 v4, v5  }
0x4c: {  	v5 =	vperm.xlane v4, v1;
	_ =	sdelay $0x1  }
0x4d: {  	v4 =	vperm.xlane v4, v3;
	v5 =	vadd.s32 v2, v5;
	_ =	sdelay $0x1  }
0x4e: {  	v4 =	vadd.s32 v2, v4;
	_ =	sdelay $0x1  }
0x4f: {  	s12 =	simm.s32 $0x3000  }
0x50: {  	[tilespmem:s12], [sflag:$0x1] =	stream.indirect_vreg.gather [hbm4b:s3+s4], $0x80, v5, vm0, $0xb8;
	[tilespmem:$0x12000] =	vst v63  }
0x51: {  	_ = 	snop  }
0x52: {  	[tilespmem:s13], [sflag:$0x1] =	stream.indirect_vreg.gather [hbm4b:s3+s4], $0x80, v4, vm0, $0xb8;
	[tilespmem:$0x12000] =	vst v63  }
0x53: {  	v4 =	vld [tilespmem:$0x1020];
	_ =	sdelay $0x4  }
0x54: {  	v5 =	vshll.u32 v4, $0x1  }
0x55: {  	v4 =	vand.u32 $0x7, v4;
	v5 =	vand.u32 $0xFFFFFFF0, v5  }
0x56: {  	v4 =	vor.u32 v4, v5  }
0x57: {  	v5 =	vperm.xlane v4, v1;
	_ =	sdelay $0x1  }
0x58: {  	v4 =	vperm.xlane v4, v3;
	v5 =	vadd.s32 v2, v5;
	_ =	sdelay $0x1  }
0x59: {  	v4 =	vadd.s32 v2, v4;
	_ =	sdelay $0x2  }
0x5a: {  	[tilespmem:s14], [sflag:$0x1] =	stream.indirect_vreg.gather [hbm4b:s3+s4], $0x80, v5, vm0, $0xb8;
	[tilespmem:$0x12000] =	vst v63  }
0x5b: {  	_ = 	snop  }
0x5c: {  	[tilespmem:s15], [sflag:$0x1] =	stream.indirect_vreg.gather [hbm4b:s3+s4], $0x80, v4, vm0, $0xb8;
	[tilespmem:$0x12000] =	vst v63  }
0x5d: {  	v4 =	vld [tilespmem:$0x1030];
	_ =	sdelay $0x4  }
0x5e: {  	v5 =	vshll.u32 v4, $0x1  }
0x5f: {  	v4 =	vand.u32 $0x7, v4;
	v5 =	vand.u32 $0xFFFFFFF0, v5  }
0x60: {  	v4 =	vor.u32 v4, v5  }
0x61: {  	v5 =	vperm.xlane v4, v1;
	_ =	sdelay $0x1  }
0x62: {  	v4 =	vperm.xlane v4, v3;
	v5 =	vadd.s32 v2, v5;
	_ =	sdelay $0x1  }
0x63: {  	v4 =	vadd.s32 v2, v4;
	_ =	sdelay $0x2  }
0x64: {  	[tilespmem:s16], [sflag:$0x1] =	stream.indirect_vreg.gather [hbm4b:s3+s4], $0x80, v5, vm0, $0xb8;
	[tilespmem:$0x12000] =	vst v63  }
0x65: {  	_ = 	snop  }
0x66: {  	[tilespmem:s18], [sflag:$0x1] =	stream.indirect_vreg.gather [hbm4b:s3+s4], $0x80, v4, vm0, $0xb8;
	[tilespmem:$0x12000] =	vst v63  }
0x67: {  	v4 =	vld [tilespmem:$0x1040];
	_ =	sdelay $0x4  }
0x68: {  	v5 =	vshll.u32 v4, $0x1  }
0x69: {  	v4 =	vand.u32 $0x7, v4;
	v5 =	vand.u32 $0xFFFFFFF0, v5  }
0x6a: {  	v4 =	vor.u32 v4, v5  }
0x6b: {  	v5 =	vperm.xlane v4, v1;
	_ =	sdelay $0x1  }
0x6c: {  	v4 =	vperm.xlane v4, v3;
	v5 =	vadd.s32 v2, v5;
	_ =	sdelay $0x1  }
0x6d: {  	v4 =	vadd.s32 v2, v4;
	_ =	sdelay $0x2  }
0x6e: {  	[tilespmem:s17], [sflag:$0x3] =	stream.indirect_vreg.gather [hbm4b:s3+s4], $0x80, v5, vm0, $0xb8;
	[tilespmem:$0x12000] =	vst v63  }
0x6f: {  	_ = 	snop  }
0x70: {  	[tilespmem:s19], [sflag:$0x3] =	stream.indirect_vreg.gather [hbm4b:s3+s4], $0x80, v4, vm0, $0xb8;
	[tilespmem:$0x12000] =	vst v63  }
0x71: {  	v4 =	vld [tilespmem:$0x1050];
	_ =	sdelay $0x4  }
0x72: {  	v5 =	vshll.u32 v4, $0x1  }
0x73: {  	v4 =	vand.u32 $0x7, v4;
	v5 =	vand.u32 $0xFFFFFFF0, v5  }
0x74: {  	v4 =	vor.u32 v4, v5  }
0x75: {  	v5 =	vperm.xlane v4, v1;
	_ =	sdelay $0x1  }
0x76: {  	v4 =	vperm.xlane v4, v3;
	v5 =	vadd.s32 v2, v5;
	_ =	sdelay $0x1  }
0x77: {  	v4 =	vadd.s32 v2, v4;
	_ =	sdelay $0x2  }
0x78: {  	[tilespmem:s20], [sflag:$0x3] =	stream.indirect_vreg.gather [hbm4b:s3+s4], $0x80, v5, vm0, $0xb8;
	[tilespmem:$0x12000] =	vst v63  }
0x79: {  	_ = 	snop  }
0x7a: {  	[tilespmem:s21], [sflag:$0x3] =	stream.indirect_vreg.gather [hbm4b:s3+s4], $0x80, v4, vm0, $0xb8;
	[tilespmem:$0x12000] =	vst v63  }
0x7b: {  	v4 =	vld [tilespmem:$0x1060];
	_ =	sdelay $0x4  }
0x7c: {  	v5 =	vshll.u32 v4, $0x1  }
0x7d: {  	v4 =	vand.u32 $0x7, v4;
	v5 =	vand.u32 $0xFFFFFFF0, v5  }
0x7e: {  	v4 =	vor.u32 v4, v5  }
0x7f: {  	v5 =	vperm.xlane v4, v1;
	_ =	sdelay $0x1  }
0x80: {  	v4 =	vperm.xlane v4, v3;
	v5 =	vadd.s32 v2, v5;
	_ =	sdelay $0x1  }
0x81: {  	v4 =	vadd.s32 v2, v4;
	_ =	sdelay $0x2  }
0x82: {  	[tilespmem:s22], [sflag:$0x3] =	stream.indirect_vreg.gather [hbm4b:s3+s4], $0x80, v5, vm0, $0xb8;
	[tilespmem:$0x12000] =	vst v63  }
0x83: {  	_ = 	snop  }
0x84: {  	[tilespmem:s23], [sflag:$0x3] =	stream.indirect_vreg.gather [hbm4b:s3+s4], $0x80, v4, vm0, $0xb8;
	[tilespmem:$0x12000] =	vst v63  }
0x85: {  	v4 =	vld [tilespmem:$0x1070];
	_ =	sdelay $0x4  }
0x86: {  	v5 =	vshll.u32 v4, $0x1  }
0x87: {  	v4 =	vand.u32 $0x7, v4;
	v5 =	vand.u32 $0xFFFFFFF0, v5  }
0x88: {  	v4 =	vor.u32 v4, v5  }
0x89: {  	v5 =	vperm.xlane v4, v1;
	_ =	sdelay $0x1  }
0x8a: {  	v4 =	vperm.xlane v4, v3;
	v5 =	vadd.s32 v2, v5;
	_ =	sdelay $0x1  }
0x8b: {  	v4 =	vadd.s32 v2, v4;
	_ =	sdelay $0x2  }
0x8c: {  	[tilespmem:s24], [sflag:$0x3] =	stream.indirect_vreg.gather [hbm4b:s3+s4], $0x80, v5, vm0, $0xb8;
	[tilespmem:$0x12000] =	vst v63  }
0x8d: {  	s11 =	simm.s32 $0x9800;
	s5 =	simm.s32 $0x10C0  }
0x8e: {  	[tilespmem:s11], [sflag:$0x3] =	stream.indirect_vreg.gather [hbm4b:s3+s4], $0x80, v4, vm0, $0xb8;
	[tilespmem:$0x12000] =	vst v63  }
.LBB2_6:
0x8f: {  	p0 =	seq.s32 s4, $0x0  }
0x90: {  	s6 =	simm.s32 @!p0 $0x6  }
0x91: {  	_ =	swait.ge @!p0 [sflag:s6], $0x4000  }
0x92: {  	[sflag:s6] =	ssyncset.done @!p0 $0x0  }
0x93: {  	[sflag:s6] =	ssyncadd.s32 @!p0 $0xFFFFC000;
	s6 =	simm.s32 @!p0 $0x8  }
0x94: {  	_ =	swait.ge @!p0 [sflag:s6], $0x4000  }
0x95: {  	[sflag:s6] =	ssyncset.done @!p0 $0x0  }
0x96: {  	[sflag:s6] =	ssyncadd.s32 @!p0 $0xFFFFC000  }
0x97: {  	v4 =	vld [tilespmem:s5+$0xFFFFFFC0];
	_ =	sdelay $0x4  }
0x98: {  	v5 =	vshll.u32 v4, $0x1  }
0x99: {  	v4 =	vand.u32 $0x7, v4;
	v5 =	vand.u32 $0xFFFFFFF0, v5  }
0x9a: {  	v4 =	vor.u32 v4, v5  }
0x9b: {  	v5 =	vperm.xlane v4, v1;
	_ =	sdelay $0x1  }
0x9c: {  	v4 =	vperm.xlane v4, v3;
	v5 =	vadd.s32 v2, v5;
	_ =	sdelay $0x1  }
0x9d: {  	v4 =	vadd.s32 v2, v4;
	_ =	sdelay $0x2  }
0x9e: {  	[tilespmem:s25], [sflag:$0x2] =	stream.indirect_vreg.gather [hbm4b:s3+s1], $0x80, v5, vm0, $0xb8;
	[tilespmem:$0x12000] =	vst v63  }
0x9f: {  	s10 =	rddreg [dreg:$0x3]  }
0xa0: {  	[tilespmem:s10], [sflag:$0x2] =	stream.indirect_vreg.gather [hbm4b:s3+s1], $0x80, v4, vm0, $0xb8;
	[tilespmem:$0x12000] =	vst v63  }
0xa1: {  	v4 =	vld [tilespmem:s5+$0xFFFFFFD0];
	_ =	sdelay $0x4  }
0xa2: {  	v5 =	vshll.u32 v4, $0x1  }
0xa3: {  	v4 =	vand.u32 $0x7, v4;
	v5 =	vand.u32 $0xFFFFFFF0, v5  }
0xa4: {  	v4 =	vor.u32 v4, v5  }
0xa5: {  	v5 =	vperm.xlane v4, v1;
	_ =	sdelay $0x1  }
0xa6: {  	v4 =	vperm.xlane v4, v3;
	v5 =	vadd.s32 v2, v5;
	_ =	sdelay $0x1  }
0xa7: {  	v4 =	vadd.s32 v2, v4;
	_ =	sdelay $0x1  }
0xa8: {  	s6 =	rddreg [dreg:$0x4]  }
0xa9: {  	[tilespmem:s6], [sflag:$0x2] =	stream.indirect_vreg.gather [hbm4b:s3+s1], $0x80, v5, vm0, $0xb8;
	[tilespmem:$0x12000] =	vst v63  }
0xaa: {  	s10 =	rddreg [dreg:$0x5]  }
0xab: {  	[tilespmem:s10], [sflag:$0x2] =	stream.indirect_vreg.gather [hbm4b:s3+s1], $0x80, v4, vm0, $0xb8;
	[tilespmem:$0x12000] =	vst v63  }
0xac: {  	v4 =	vld [tilespmem:s5+$0xFFFFFFE0];
	_ =	sdelay $0x4  }
0xad: {  	v5 =	vshll.u32 v4, $0x1  }
0xae: {  	v4 =	vand.u32 $0x7, v4;
	v5 =	vand.u32 $0xFFFFFFF0, v5  }
0xaf: {  	v4 =	vor.u32 v4, v5  }
0xb0: {  	v5 =	vperm.xlane v4, v1;
	_ =	sdelay $0x1  }
0xb1: {  	v4 =	vperm.xlane v4, v3;
	v5 =	vadd.s32 v2, v5;
	_ =	sdelay $0x1  }
0xb2: {  	v4 =	vadd.s32 v2, v4;
	_ =	sdelay $0x1  }
0xb3: {  	s6 =	rddreg [dreg:$0x6]  }
0xb4: {  	[tilespmem:s6], [sflag:$0x2] =	stream.indirect_vreg.gather [hbm4b:s3+s1], $0x80, v5, vm0, $0xb8;
	[tilespmem:$0x12000] =	vst v63  }
0xb5: {  	s10 =	rddreg [dreg:$0x7]  }
0xb6: {  	[tilespmem:s10], [sflag:$0x2] =	stream.indirect_vreg.gather [hbm4b:s3+s1], $0x80, v4, vm0, $0xb8;
	[tilespmem:$0x12000] =	vst v63  }
0xb7: {  	v4 =	vld [tilespmem:s5+$0xFFFFFFF0];
	_ =	sdelay $0x4  }
0xb8: {  	v5 =	vshll.u32 v4, $0x1  }
0xb9: {  	v4 =	vand.u32 $0x7, v4;
	v5 =	vand.u32 $0xFFFFFFF0, v5  }
0xba: {  	v4 =	vor.u32 v4, v5  }
0xbb: {  	v5 =	vperm.xlane v4, v1;
	_ =	sdelay $0x1  }
0xbc: {  	v4 =	vperm.xlane v4, v3;
	v5 =	vadd.s32 v2, v5;
	_ =	sdelay $0x1  }
0xbd: {  	v4 =	vadd.s32 v2, v4;
	_ =	sdelay $0x1  }
0xbe: {  	s6 =	rddreg [dreg:$0x8]  }
0xbf: {  	[tilespmem:s6], [sflag:$0x2] =	stream.indirect_vreg.gather [hbm4b:s3+s1], $0x80, v5, vm0, $0xb8;
	[tilespmem:$0x12000] =	vst v63  }
0xc0: {  	s10 =	rddreg [dreg:$0x9]  }
0xc1: {  	[tilespmem:s10], [sflag:$0x2] =	stream.indirect_vreg.gather [hbm4b:s3+s1], $0x80, v4, vm0, $0xb8;
	[tilespmem:$0x12000] =	vst v63  }
0xc2: {  	v4 =	vld [tilespmem:s5+$0x0];
	_ =	sdelay $0x4  }
0xc3: {  	v5 =	vshll.u32 v4, $0x1  }
0xc4: {  	v4 =	vand.u32 $0x7, v4;
	v5 =	vand.u32 $0xFFFFFFF0, v5  }
0xc5: {  	v4 =	vor.u32 v4, v5  }
0xc6: {  	v5 =	vperm.xlane v4, v1;
	_ =	sdelay $0x1  }
0xc7: {  	v4 =	vperm.xlane v4, v3;
	v5 =	vadd.s32 v2, v5;
	_ =	sdelay $0x1  }
0xc8: {  	v4 =	vadd.s32 v2, v4;
	_ =	sdelay $0x2  }
0xc9: {  	[tilespmem:s26], [sflag:$0x4] =	stream.indirect_vreg.gather [hbm4b:s3+s1], $0x80, v5, vm0, $0xb8;
	[tilespmem:$0x12000] =	vst v63  }
0xca: {  	s10 =	rddreg [dreg:$0xa]  }
0xcb: {  	[tilespmem:s10], [sflag:$0x4] =	stream.indirect_vreg.gather [hbm4b:s3+s1], $0x80, v4, vm0, $0xb8;
	[tilespmem:$0x12000] =	vst v63  }
0xcc: {  	v4 =	vld [tilespmem:s5+$0x10];
	_ =	sdelay $0x4  }
0xcd: {  	v5 =	vshll.u32 v4, $0x1  }
0xce: {  	v4 =	vand.u32 $0x7, v4;
	v5 =	vand.u32 $0xFFFFFFF0, v5  }
0xcf: {  	v4 =	vor.u32 v4, v5  }
0xd0: {  	v5 =	vperm.xlane v4, v1;
	_ =	sdelay $0x1  }
0xd1: {  	v4 =	vperm.xlane v4, v3;
	v5 =	vadd.s32 v2, v5;
	_ =	sdelay $0x1  }
0xd2: {  	v4 =	vadd.s32 v2, v4;
	_ =	sdelay $0x1  }
0xd3: {  	s6 =	rddreg [dreg:$0xb]  }
0xd4: {  	[tilespmem:s6], [sflag:$0x4] =	stream.indirect_vreg.gather [hbm4b:s3+s1], $0x80, v5, vm0, $0xb8;
	[tilespmem:$0x12000] =	vst v63  }
0xd5: {  	s10 =	rddreg [dreg:$0xc]  }
0xd6: {  	[tilespmem:s10], [sflag:$0x4] =	stream.indirect_vreg.gather [hbm4b:s3+s1], $0x80, v4, vm0, $0xb8;
	[tilespmem:$0x12000] =	vst v63  }
0xd7: {  	v4 =	vld [tilespmem:s5+$0x20];
	_ =	sdelay $0x4  }
0xd8: {  	v5 =	vshll.u32 v4, $0x1  }
0xd9: {  	v4 =	vand.u32 $0x7, v4;
	v5 =	vand.u32 $0xFFFFFFF0, v5  }
0xda: {  	v4 =	vor.u32 v4, v5  }
0xdb: {  	v5 =	vperm.xlane v4, v1;
	_ =	sdelay $0x1  }
0xdc: {  	v4 =	vperm.xlane v4, v3;
	v5 =	vadd.s32 v2, v5;
	_ =	sdelay $0x1  }
0xdd: {  	v4 =	vadd.s32 v2, v4;
	_ =	sdelay $0x1  }
0xde: {  	s6 =	rddreg [dreg:$0xd]  }
0xdf: {  	[tilespmem:s6], [sflag:$0x4] =	stream.indirect_vreg.gather [hbm4b:s3+s1], $0x80, v5, vm0, $0xb8;
	[tilespmem:$0x12000] =	vst v63  }
0xe0: {  	s10 =	rddreg [dreg:$0xe]  }
0xe1: {  	[tilespmem:s10], [sflag:$0x4] =	stream.indirect_vreg.gather [hbm4b:s3+s1], $0x80, v4, vm0, $0xb8;
	[tilespmem:$0x12000] =	vst v63  }
0xe2: {  	v4 =	vld [tilespmem:s5+$0x30];
	_ =	sdelay $0x4  }
0xe3: {  	v5 =	vshll.u32 v4, $0x1  }
0xe4: {  	v4 =	vand.u32 $0x7, v4;
	v5 =	vand.u32 $0xFFFFFFF0, v5  }
0xe5: {  	v4 =	vor.u32 v4, v5  }
0xe6: {  	v5 =	vperm.xlane v4, v1;
	_ =	sdelay $0x1  }
0xe7: {  	v4 =	vperm.xlane v4, v3;
	v5 =	vadd.s32 v2, v5;
	_ =	sdelay $0x1  }
0xe8: {  	v4 =	vadd.s32 v2, v4;
	_ =	sdelay $0x1  }
0xe9: {  	s6 =	rddreg [dreg:$0xf]  }
0xea: {  	[tilespmem:s6], [sflag:$0x4] =	stream.indirect_vreg.gather [hbm4b:s3+s1], $0x80, v5, vm0, $0xb8;
	[tilespmem:$0x12000] =	vst v63  }
0xeb: {  	s10 =	rddreg [dreg:$0x10]  }
0xec: {  	[tilespmem:s10], [sflag:$0x4] =	stream.indirect_vreg.gather [hbm4b:s3+s1], $0x80, v4, vm0, $0xb8;
	[tilespmem:$0x12000] =	vst v63  }
0xed: {  	_ =	swait.ge [sflag:s28], $0x4000  }
0xee: {  	[sflag:s28] =	ssyncset.done $0x0  }
0xef: {  	[sflag:s28] =	ssyncadd.s32 $0xFFFFC000  }
0xf0: {  	_ =	swait.ge [sflag:s29], $0x4000  }
0xf1: {  	s10 =	rddreg [dreg:$0x2];
	[sflag:s29] =	ssyncset.done $0x0  }
0xf2: {  	[sflag:s29] =	ssyncadd.s32 $0xFFFFC000;
	s6 =	sadd.s32 s4, s10  }
0xf3: {  	[hbm4b:s6+s1] =	stream.linear.scatter [tilespmem:s9], [sflag:$0x5], $0x4000, $0x38;
	[tilespmem:$0x12000] =	vst v63  }
0xf4: {  	s10 =	sadd.s32 $0x800, s6  }
0xf5: {  	[hbm4b:s10+s1] =	stream.linear.scatter [tilespmem:s17], [sflag:$0x7], $0x4000, $0x38;
	[tilespmem:$0x12000] =	vst v63  }
0xf6: {  	_ =	swait.ge [sflag:s30], $0x4000  }
0xf7: {  	[sflag:s30] =	ssyncset.done $0x0  }
0xf8: {  	[sflag:s30] =	ssyncadd.s32 $0xFFFFC000  }
0xf9: {  	_ =	swait.ge [sflag:s31], $0x4000  }
0xfa: {  	[sflag:s31] =	ssyncset.done $0x0  }
0xfb: {  	[sflag:s31] =	ssyncadd.s32 $0xFFFFC000  }
0xfc: {  	v4 =	vld [tilespmem:s5+$0x40];
	_ =	sdelay $0x4  }
0xfd: {  	v5 =	vshll.u32 v4, $0x1  }
0xfe: {  	v4 =	vand.u32 $0x7, v4;
	v5 =	vand.u32 $0xFFFFFFF0, v5  }
0xff: {  	v4 =	vor.u32 v4, v5  }
0x100: {  	v5 =	vperm.xlane v4, v1;
	_ =	sdelay $0x1  }
0x101: {  	v4 =	vperm.xlane v4, v3;
	v5 =	vadd.s32 v2, v5;
	_ =	sdelay $0x1  }
0x102: {  	v4 =	vadd.s32 v2, v4;
	_ =	sdelay $0x2  }
0x103: {  	[tilespmem:s9], [sflag:$0x1] =	stream.indirect_vreg.gather [hbm4b:s3+s1], $0x80, v5, vm0, $0xb8;
	[tilespmem:$0x12000] =	vst v63  }
0x104: {  	s10 =	simm.s32 $0x2800  }
0x105: {  	[tilespmem:s10], [sflag:$0x1] =	stream.indirect_vreg.gather [hbm4b:s3+s1], $0x80, v4, vm0, $0xb8;
	[tilespmem:$0x12000] =	vst v63  }
0x106: {  	v4 =	vld [tilespmem:s5+$0x50];
	_ =	sdelay $0x4  }
0x107: {  	v5 =	vshll.u32 v4, $0x1  }
0x108: {  	v4 =	vand.u32 $0x7, v4;
	v5 =	vand.u32 $0xFFFFFFF0, v5  }
0x109: {  	v4 =	vor.u32 v4, v5  }
0x10a: {  	v5 =	vperm.xlane v4, v1;
	_ =	sdelay $0x1  }
0x10b: {  	v4 =	vperm.xlane v4, v3;
	v5 =	vadd.s32 v2, v5;
	_ =	sdelay $0x1  }
0x10c: {  	v4 =	vadd.s32 v2, v4;
	_ =	sdelay $0x2  }
0x10d: {  	[tilespmem:s12], [sflag:$0x1] =	stream.indirect_vreg.gather [hbm4b:s3+s1], $0x80, v5, vm0, $0xb8;
	[tilespmem:$0x12000] =	vst v63  }
0x10e: {  	_ = 	snop  }
0x10f: {  	[tilespmem:s13], [sflag:$0x1] =	stream.indirect_vreg.gather [hbm4b:s3+s1], $0x80, v4, vm0, $0xb8;
	[tilespmem:$0x12000] =	vst v63  }
0x110: {  	v4 =	vld [tilespmem:s5+$0x60];
	_ =	sdelay $0x4  }
0x111: {  	v5 =	vshll.u32 v4, $0x1  }
0x112: {  	v4 =	vand.u32 $0x7, v4;
	v5 =	vand.u32 $0xFFFFFFF0, v5  }
0x113: {  	v4 =	vor.u32 v4, v5  }
0x114: {  	v5 =	vperm.xlane v4, v1;
	_ =	sdelay $0x1  }
0x115: {  	v4 =	vperm.xlane v4, v3;
	v5 =	vadd.s32 v2, v5;
	_ =	sdelay $0x1  }
0x116: {  	v4 =	vadd.s32 v2, v4;
	_ =	sdelay $0x2  }
0x117: {  	[tilespmem:s14], [sflag:$0x1] =	stream.indirect_vreg.gather [hbm4b:s3+s1], $0x80, v5, vm0, $0xb8;
	[tilespmem:$0x12000] =	vst v63  }
0x118: {  	_ = 	snop  }
0x119: {  	[tilespmem:s15], [sflag:$0x1] =	stream.indirect_vreg.gather [hbm4b:s3+s1], $0x80, v4, vm0, $0xb8;
	[tilespmem:$0x12000] =	vst v63  }
0x11a: {  	v4 =	vld [tilespmem:s5+$0x70];
	_ =	sdelay $0x4  }
0x11b: {  	v5 =	vshll.u32 v4, $0x1  }
0x11c: {  	v4 =	vand.u32 $0x7, v4;
	v5 =	vand.u32 $0xFFFFFFF0, v5  }
0x11d: {  	v4 =	vor.u32 v4, v5  }
0x11e: {  	v5 =	vperm.xlane v4, v1;
	_ =	sdelay $0x1  }
0x11f: {  	v4 =	vperm.xlane v4, v3;
	v5 =	vadd.s32 v2, v5;
	_ =	sdelay $0x1  }
0x120: {  	v4 =	vadd.s32 v2, v4;
	_ =	sdelay $0x2  }
0x121: {  	[tilespmem:s16], [sflag:$0x1] =	stream.indirect_vreg.gather [hbm4b:s3+s1], $0x80, v5, vm0, $0xb8;
	[tilespmem:$0x12000] =	vst v63  }
0x122: {  	_ = 	snop  }
0x123: {  	[tilespmem:s18], [sflag:$0x1] =	stream.indirect_vreg.gather [hbm4b:s3+s1], $0x80, v4, vm0, $0xb8;
	[tilespmem:$0x12000] =	vst v63  }
0x124: {  	v4 =	vld [tilespmem:s5+$0x80];
	_ =	sdelay $0x4  }
0x125: {  	v5 =	vshll.u32 v4, $0x1  }
0x126: {  	v4 =	vand.u32 $0x7, v4;
	v5 =	vand.u32 $0xFFFFFFF0, v5  }
0x127: {  	v4 =	vor.u32 v4, v5  }
0x128: {  	v5 =	vperm.xlane v4, v1;
	_ =	sdelay $0x1  }
0x129: {  	v4 =	vperm.xlane v4, v3;
	v5 =	vadd.s32 v2, v5;
	_ =	sdelay $0x1  }
0x12a: {  	v4 =	vadd.s32 v2, v4;
	_ =	sdelay $0x2  }
0x12b: {  	[tilespmem:s17], [sflag:$0x3] =	stream.indirect_vreg.gather [hbm4b:s3+s1], $0x80, v5, vm0, $0xb8;
	[tilespmem:$0x12000] =	vst v63  }
0x12c: {  	_ = 	snop  }
0x12d: {  	[tilespmem:s19], [sflag:$0x3] =	stream.indirect_vreg.gather [hbm4b:s3+s1], $0x80, v4, vm0, $0xb8;
	[tilespmem:$0x12000] =	vst v63  }
0x12e: {  	v4 =	vld [tilespmem:s5+$0x90];
	_ =	sdelay $0x4  }
0x12f: {  	v5 =	vshll.u32 v4, $0x1  }
0x130: {  	v4 =	vand.u32 $0x7, v4;
	v5 =	vand.u32 $0xFFFFFFF0, v5  }
0x131: {  	v4 =	vor.u32 v4, v5  }
0x132: {  	v5 =	vperm.xlane v4, v1;
	_ =	sdelay $0x1  }
0x133: {  	v4 =	vperm.xlane v4, v3;
	v5 =	vadd.s32 v2, v5;
	_ =	sdelay $0x1  }
0x134: {  	v4 =	vadd.s32 v2, v4;
	_ =	sdelay $0x2  }
0x135: {  	[tilespmem:s20], [sflag:$0x3] =	stream.indirect_vreg.gather [hbm4b:s3+s1], $0x80, v5, vm0, $0xb8;
	[tilespmem:$0x12000] =	vst v63  }
0x136: {  	_ = 	snop  }
0x137: {  	[tilespmem:s21], [sflag:$0x3] =	stream.indirect_vreg.gather [hbm4b:s3+s1], $0x80, v4, vm0, $0xb8;
	[tilespmem:$0x12000] =	vst v63  }
0x138: {  	v4 =	vld [tilespmem:s5+$0xA0];
	_ =	sdelay $0x4  }
0x139: {  	v5 =	vshll.u32 v4, $0x1  }
0x13a: {  	v4 =	vand.u32 $0x7, v4;
	v5 =	vand.u32 $0xFFFFFFF0, v5  }
0x13b: {  	v4 =	vor.u32 v4, v5  }
0x13c: {  	v5 =	vperm.xlane v4, v1;
	_ =	sdelay $0x1  }
0x13d: {  	v4 =	vperm.xlane v4, v3;
	v5 =	vadd.s32 v2, v5;
	_ =	sdelay $0x1  }
0x13e: {  	v4 =	vadd.s32 v2, v4;
	_ =	sdelay $0x2  }
0x13f: {  	[tilespmem:s22], [sflag:$0x3] =	stream.indirect_vreg.gather [hbm4b:s3+s1], $0x80, v5, vm0, $0xb8;
	[tilespmem:$0x12000] =	vst v63  }
0x140: {  	_ = 	snop  }
0x141: {  	[tilespmem:s23], [sflag:$0x3] =	stream.indirect_vreg.gather [hbm4b:s3+s1], $0x80, v4, vm0, $0xb8;
	[tilespmem:$0x12000] =	vst v63  }
0x142: {  	v4 =	vld [tilespmem:s5+$0xB0];
	_ =	sdelay $0x4  }
0x143: {  	v5 =	vshll.u32 v4, $0x1  }
0x144: {  	v4 =	vand.u32 $0x7, v4;
	v5 =	vand.u32 $0xFFFFFFF0, v5  }
0x145: {  	v4 =	vor.u32 v4, v5  }
0x146: {  	v5 =	vperm.xlane v4, v1;
	_ =	sdelay $0x1  }
0x147: {  	v4 =	vperm.xlane v4, v3;
	v5 =	vadd.s32 v2, v5;
	_ =	sdelay $0x1  }
0x148: {  	v4 =	vadd.s32 v2, v4;
	_ =	sdelay $0x2  }
0x149: {  	[tilespmem:s24], [sflag:$0x3] =	stream.indirect_vreg.gather [hbm4b:s3+s1], $0x80, v5, vm0, $0xb8;
	[tilespmem:$0x12000] =	vst v63  }
0x14a: {  	_ = 	snop  }
0x14b: {  	[tilespmem:s11], [sflag:$0x3] =	stream.indirect_vreg.gather [hbm4b:s3+s1], $0x80, v4, vm0, $0xb8;
	[tilespmem:$0x12000] =	vst v63  }
0x14c: {  	_ =	swait.ge [sflag:s0], $0x4000  }
0x14d: {  	[sflag:s0] =	ssyncset.done $0x0  }
0x14e: {  	s4 =	sadd.s32 $0x20000, s4;
	[sflag:s0] =	ssyncadd.s32 $0xFFFFC000  }
0x14f: {  	p0 =	sne.s32 s4, $0x1A0000;
	_ =	swait.ge [sflag:s2], $0x4000  }
.Ltmp2:
0x150: {  	[sflag:s2] =	ssyncset.done $0x0;
	(pc) =	sbr.rel @p0 .LBB2_6-.Ltmp2, $4  }
0x151: {  	s10 =	sadd.s32 $0x10000, s6;
	[sflag:s2] =	ssyncadd.s32 $0xFFFFC000  }
0x152: {  	[hbm4b:s10+s1] =	stream.linear.scatter [tilespmem:s25], [sflag:$0x6], $0x4000, $0x38;
	[tilespmem:$0x12000] =	vst v63  }
0x153: {  	s6 =	sadd.s32 $0x10800, s6;
	s5 =	sadd.s32 $0x100, s5  }
0x154: {  	[hbm4b:s6+s1] =	stream.linear.scatter [tilespmem:s26], [sflag:$0x8], $0x4000, $0x38;
	[tilespmem:$0x12000] =	vst v63  }
0x155: {  	_ =	swait.ge [sflag:s28], $0x4000  }
0x156: {  	[sflag:s28] =	ssyncset.done $0x0  }
0x157: {  	[sflag:s28] =	ssyncadd.s32 $0xFFFFC000  }
0x158: {  	_ =	swait.ge [sflag:s29], $0x4000  }
0x159: {  	[sflag:s29] =	ssyncset.done $0x0  }
0x15a: {  	s4 =	rddreg [dreg:$0x11];
	[sflag:s29] =	ssyncadd.s32 $0xFFFFC000  }
0x15b: {  	[hbm4b:s4+s1] =	stream.linear.scatter [tilespmem:s9], [sflag:$0x5], $0x4000, $0x38;
	[tilespmem:$0x12000] =	vst v63  }
0x15c: {  	s10 =	rddreg [dreg:$0x12]  }
0x15d: {  	[hbm4b:s10+s1] =	stream.linear.scatter [tilespmem:s17], [sflag:$0x7], $0x4000, $0x38;
	[tilespmem:$0x12000] =	vst v63  }
0x15e: {  	_ =	swait.ge [sflag:s30], $0x4000  }
0x15f: {  	[sflag:s30] =	ssyncset.done $0x0  }
0x160: {  	[sflag:s30] =	ssyncadd.s32 $0xFFFFC000  }
0x161: {  	_ =	swait.ge [sflag:s31], $0x4000  }
0x162: {  	[sflag:s31] =	ssyncset.done $0x0  }
0x163: {  	s11 =	simm.s32 $0x6;
	[sflag:s31] =	ssyncadd.s32 $0xFFFFC000  }
0x164: {  	_ =	swait.ge [sflag:s11], $0x4000  }
0x165: {  	[sflag:s11] =	ssyncset.done $0x0  }
0x166: {  	s5 =	simm.s32 $0x8;
	[sflag:s11] =	ssyncadd.s32 $0xFFFFC000  }
0x167: {  	_ =	swait.ge [sflag:s5], $0x4000  }
0x168: {  	s6 =	rddreg [dreg:$0x14]  }
0x169: {  	s12 =	rddreg [dreg:$0x13];
	s6 =	sadd.s32 $0x1, s6  }
0x16a: {  	p0 =	sne.s32 s6, s12  }
.Ltmp3:
0x16b: {  	_ = 	snop;
	(pc) =	sbr.rel @p0 .LBB2_1-.Ltmp3, $3  }
0x16c: {  	_ =	sdelay $0x1  }
0x16d: {  	[sflag:s5] =	ssyncset.done $0x0  }
0x16e: {  	[sflag:s5] =	ssyncadd.s32 $0xFFFFC000  }
0x16f: {  	_ =	sfence.sel $0x180000  }
0x170: {  	[bflag:$0x0] =	sbarrier.arrive $0xFFFF  }
0x171: {  	_ =	strace $0x9000004D  }
0x172: {  	s0 =	stileid.u32;
	[bflag:$0x2] =	sbarrier.arrive $0xFFFF  }
0x173: {  	p0 =	sne.s32 s0, $0x0;
	s0 =	rddreg [dreg:$0x1]  }
0x174: {  	s0 =	sadd.s32 @!p0 $0x100000, s0  }
0x175: {  	[sflag:s0] =	ssyncadd.tile.s32 @!p0 $0x1;
	_ =	shalt  }
.Lfunc_end2:
_tile_overlayer_lowered:
.L_overlay_start_2:
0x176: {  	(tag) =	ssettag $0x2  }
0x177: {  	s0 =	rddreg [dreg:$0x0];
	s2 =	stileid.u32  }
0x178: {  	s1 =	rddreg [dreg:$0x1];
	p0 =	sne.s32 s2, $0x0  }
0x179: {  	s3 =	rddreg [dreg:$0x2];
	[bflag:$0x3] =	sbarrier.arrive $0xFFFF;
	s2 =	simm.s32 @!p0 $0x1C09  }
0x17a: {  	[timem:s3], [sflag:s2] =	dma.local @!p0 [hbm:s0], s1  }
0x17b: {  	s0 =	simm.s32 @!p0 $0x9  }
0x17c: {  	_ =	swait.ge @!p0 [sflag:s0], s1  }
0x17d: {  	s1 =	ssub.s32 @!p0 $0x0, s1;
	[sflag:s0] =	ssyncset.done @!p0 $0x0  }
0x17e: {  	[sflag:s0] =	ssyncadd.s32 @!p0 s1  }
0x17f: {  	[bflag:$0x3] =	sbarrier.arrive $0xFFFF  }
0x180: {  	_ =	shalt  }

// kernel: kernel.8.cloned.1.call-start
scs
__scs_entry_jumppad:
0x0: {  	(pc) =	sbr.rel $0x88, $3  }
0x1: {  	(tag) =	ssettag $0x0;
	lr =	simm.s32 $0x1  }
0x2: {  	[smem:$0x3F8D] =	sst lr;
	_ =	strace $0xD0000000  }
0x3: {  	_ = 	snop  }
0x4: {  	_ = 	snop  }
0x5: {  	_ = 	snop  }
0x6: {  	_ = 	snop  }
0x7: {  	_ = 	snop  }
__scs_overlays_trampoline_lowered:
0x8: {  	[smem:$0x3F9C] =	sst s0  }
0x9: {  	[smem:$0x3F9D] =	sst s1  }
0xa: {  	[smem:$0x3F9E] =	sst s2  }
0xb: {  	[smem:$0x3F9F] =	sst s3  }
0xc: {  	[smem:$0x3FA0] =	sst s4  }
0xd: {  	[smem:$0x3FA1] =	sst s5  }
0xe: {  	[smem:$0x3FA2] =	sst s6  }
0xf: {  	[smem:$0x3FA3] =	sst s7  }
0x10: {  	[smem:$0x3FA4] =	sst s8  }
0x11: {  	[smem:$0x3FA5] =	sst s9;
	s0 =	simm.s32 @!p0 $0x0  }
0x12: {  	s1 =	sld [smem:$0x3F8B];
	s0 =	simm.s32 @p0 $0x1  }
0x13: {  	[smem:$0x3FA6] =	sst s0;
	s0 =	simm.s32 @!p1 $0x0  }
0x14: {  	s2 =	sld [smem:$0x3F8A];
	s0 =	simm.s32 @p1 $0x1  }
0x15: {  	[smem:$0x3FA7] =	sst s0;
	s0 =	simm.s32 @!p2 $0x0  }
0x16: {  	s3 =	sld [smem:$0x3FDB];
	s0 =	simm.s32 @p2 $0x1  }
0x17: {  	s4 =	simm.s32 $0x1BF5;
	[smem:$0x3FA9] =	sst s0  }
0x18: {  	s0 =	sld [smem:$0x3F8C];
	_ =	swait.ge [sflag:s4], $0x0  }
0x19: {  	s7 =	sld [smem:$0x3F8D]  }
0x1a: {  	s8 =	sadd.s32 $0xFFFFE003, lr  }
0x1b: {  	s9 =	sadd.s32 $0xFFFFFEF7, lr;
	s5 =	simm.s32 $0xFFFFFFFF;
	p2 =	slt.u32 s8, $0xFFFFF086  }
0x1c: {  	p1 =	slt.u32 s9, $0xF7A;
	s5 =	simm.s32 @!p2 $0x0  }
0x1d: {  	s5 =	simm.s32 @p1 $0x1;
	p0 =	seq.s32 s7, s2  }
0x1e: {  	s7 =	smul.u32 @!p0 $0xF7A, s2;
	p2 =	seq.s32 @!p0 s5, $0x0  }
0x1f: {  	s9 =	smul.u32 $0xF7A, s1;
	s8 =	simm.s32 @!p0 $0x1BF5;
	p2 =	por !p2, p0  }
0x20: {  	[sflag:s8] =	ssyncset.s32 @!p0 $0xFFFFF086;
	s6 =	sadd.s32 @!p0 s3, s7;
	s7 =	simm.s32 @!p0 $0x108  }
0x21: {  	s3 =	sadd.s32 s3, s9;
	s6 =	sadd.s32 @!p0 $0x88, s6;
	s7 =	simm.s32 @p2 $0x1082  }
0x22: {  	[simem:s7], [sflag:s8] =	dma.local @!p0 [hbm:s6], $0xF7A  }
0x23: {  	s9 =	sor.u32 $0xD0000000, s2;
	s6 =	simm.s32 $0x108;
	_ =	swait.ge @!p0 [sflag:s8], $0x0  }
0x24: {  	s3 =	sadd.s32 $0x88, s3;
	s6 =	simm.s32 @!p1 $0x1082;
	[sflag:s4] =	ssyncset.s32 $0xFFFFF086  }
0x25: {  	[simem:s6], [sflag:s4] =	dma.local [hbm:s3], $0xF7A  }
0x26: {  	[smem:$0x3F8D] =	sst s1;
	(tag) =	ssettag s2;
	_ =	strace s9  }
0x27: {  	s1 =	sld [smem:$0x3F9D]  }
0x28: {  	s2 =	sld [smem:$0x3F9E]  }
0x29: {  	s4 =	sld [smem:$0x3FA0]  }
0x2a: {  	p0 =	seq.s32 s5, $0x0;
	s5 =	sld [smem:$0x3FA1]  }
0x2b: {  	s6 =	sld [smem:$0x3FA2]  }
0x2c: {  	s7 =	sld [smem:$0x3FA3]  }
0x2d: {  	s3 =	simm.s32 $0x108;
	s8 =	sld [smem:$0x3FA4]  }
0x2e: {  	s3 =	simm.s32 @!p0 $0x1082;
	s9 =	sld [smem:$0x3FA5]  }
0x2f: {  	lr =	sadd.s32 s0, s3;
	s0 =	sld [smem:$0x3F9C]  }
0x30: {  	s3 =	sld [smem:$0x3F9F]  }
0x31: {  	[smem:$0x3FA8] =	sst s10  }
0x32: {  	s10 =	sld [smem:$0x3FA6];
	_ =	sdelay $0x3  }
0x33: {  	p0 =	seq.s32 s10, $0x1;
	s10 =	sld [smem:$0x3FA8];
	_ =	sdelay $0x3  }
0x34: {  	[smem:$0x3FA8] =	sst s10  }
0x35: {  	s10 =	sld [smem:$0x3FA7];
	_ =	sdelay $0x3  }
0x36: {  	p1 =	seq.s32 s10, $0x1;
	s10 =	sld [smem:$0x3FA8];
	_ =	sdelay $0x3  }
0x37: {  	[smem:$0x3FA8] =	sst s10  }
0x38: {  	s10 =	sld [smem:$0x3FA9]  }
0x39: {  	_ = 	snop;
	(pc) =	sbr.ind lr, $3  }
0x3a: {  	_ = 	snop  }
0x3b: {  	_ = 	snop  }
0x3c: {  	p2 =	seq.s32 s10, $0x1;
	s10 =	sld [smem:$0x3FA8]  }
0x3d: {  	_ =	shalt  }
0x3e: {  	_ =	shalt  }
0x3f: {  	_ =	shalt  }
0x40: {  	_ =	shalt  }
0x41: {  	_ =	shalt  }
0x42: {  	_ =	shalt  }
0x43: {  	_ =	shalt  }
0x44: {  	_ =	shalt  }
0x45: {  	_ =	shalt  }
0x46: {  	_ =	shalt  }
0x47: {  	_ =	shalt  }
0x48: {  	_ =	shalt  }
0x49: {  	_ =	shalt  }
0x4a: {  	_ =	shalt  }
0x4b: {  	_ =	shalt  }
0x4c: {  	_ =	shalt  }
0x4d: {  	_ =	shalt  }
0x4e: {  	_ =	shalt  }
0x4f: {  	_ =	shalt  }
0x50: {  	_ =	shalt  }
0x51: {  	_ =	shalt  }
0x52: {  	_ =	shalt  }
0x53: {  	_ =	shalt  }
0x54: {  	_ =	shalt  }
0x55: {  	_ =	shalt  }
0x56: {  	_ =	shalt  }
0x57: {  	_ =	shalt  }
0x58: {  	_ =	shalt  }
0x59: {  	_ =	shalt  }
0x5a: {  	_ =	shalt  }
0x5b: {  	_ =	shalt  }
0x5c: {  	_ =	shalt  }
0x5d: {  	_ =	shalt  }
0x5e: {  	_ =	shalt  }
0x5f: {  	_ =	shalt  }
0x60: {  	_ =	shalt  }
0x61: {  	_ =	shalt  }
0x62: {  	_ =	shalt  }
0x63: {  	_ =	shalt  }
0x64: {  	_ =	shalt  }
0x65: {  	_ =	shalt  }
0x66: {  	_ =	shalt  }
0x67: {  	_ =	shalt  }
0x68: {  	_ =	shalt  }
0x69: {  	_ =	shalt  }
0x6a: {  	_ =	shalt  }
0x6b: {  	_ =	shalt  }
0x6c: {  	_ =	shalt  }
0x6d: {  	_ =	shalt  }
0x6e: {  	_ =	shalt  }
0x6f: {  	_ =	shalt  }
0x70: {  	_ =	shalt  }
0x71: {  	_ =	shalt  }
0x72: {  	_ =	shalt  }
0x73: {  	_ =	shalt  }
0x74: {  	_ =	shalt  }
0x75: {  	_ =	shalt  }
0x76: {  	_ =	shalt  }
0x77: {  	_ =	shalt  }
0x78: {  	_ =	shalt  }
0x79: {  	_ =	shalt  }
0x7a: {  	_ =	shalt  }
0x7b: {  	_ =	shalt  }
0x7c: {  	_ =	shalt  }
0x7d: {  	_ =	shalt  }
0x7e: {  	_ =	shalt  }
0x7f: {  	_ =	shalt  }
0x80: {  	_ =	shalt  }
0x81: {  	_ =	shalt  }
0x82: {  	_ =	shalt  }
0x83: {  	_ =	shalt  }
0x84: {  	_ =	shalt  }
0x85: {  	_ =	shalt  }
0x86: {  	_ =	shalt  }
0x87: {  	_ =	shalt  }
.Lfunc_end0:
.L_simem_size_0:
called_computation_lowered:
.L_overlay_start_0:
0x88: {  	s2 =	sld [smem:$0x3FD9]  }
0x89: {  	s3 =	sld [smem:$0x3FFE];
	_ =	sdelay $0x1  }
0x8a: {  	s1 =	srdreg.scid  }
0x8b: {  	s0 =	sand.u32 $0x1, s1  }
0x8c: {  	s16 =	sshll.u32 s0, $0xA;
	s2 =	sadd.s32 s3, s2  }
0x8d: {  	s2 =	sadd.s32 s2, s16  }
0x8e: {  	[smem:$0x3FB4] =	sst s2  }
0x8f: {  	_ = 	snop  }
0x90: {  	(tm) =	ssettm $0x1  }
0x91: {  	s17 =	sld [smem:$0x3FFB];
	_ =	sdelay $0x3  }
0x92: {  	_ =	strace s17  }
0x93: {  	s2 =	sld [smem:$0x3FFC];
	_ =	sdelay $0x3  }
0x94: {  	_ =	strace s2  }
0x95: {  	s2 =	sld [smem:$0x3FFD];
	_ =	sdelay $0x3  }
0x96: {  	_ =	strace s2  }
0x97: {  	_ =	strace $0x8FFFFFFF  }
0x98: {  	s18 =	sld [smem:$0x3FDB];
	_ =	sdelay $0x1  }
0x99: {  	s19 =	simm.s32 $_scs_section_size  }
0x9a: {  	s4 =	simm.s32 $_size__tile_overlayer_lowered;
	s5 =	simm.s32 $_tile_overlayer_lowered  }
0x9b: {  	s22 =	simm.s32 $0x1BFF;
	s21 =	sshll.u32 s5, $0x1;
	s2 =	sadd.s32 s19, s18  }
0x9c: {  	s6 =	simm.s32 $0x0;
	s20 =	sshll.u32 s4, $0x1;
	s4 =	sadd.s32 s21, s2  }
0x9d: {  	[timem:s6], [sflag:s22] =	dma.local [hbm:s4], s20  }
0x9e: {  	_ =	swait.ge [sflag:s22], s20  }
0x9f: {  	s3 =	ssub.s32 $0x0, s20;
	[sflag:s22] =	ssyncset.done $0x0  }
0xa0: {  	[sflag:s22] =	ssyncadd.s32 s3;
	_ =	sdelay $0x1  }
0xa1: {  	s23 =	simm.s32 $0x1B8B  }
0xa2: {  	_ =	swait.ge [sflag:s23], $0x1  }
0xa3: {  	[sflag:s23] =	ssyncset.done $0x0  }
0xa4: {  	s25 =	simm.s32 $0x1B8E;
	s24 =	sld [smem:$0x3FFE];
	[sflag:s23] =	ssyncadd.s32 $0xFFFFFFFF  }
0xa5: {  	s26 =	simm.s32 $execute0_lowered;
	[smem:$0x3FD2] =	sst s25  }
0xa6: {  	s4 =	sshll.u32 s26, $0x1;
	_ =	strace $0x80000046;
	[dreg:$0x1] =	wrdreg $0xFFFFFFFF  }
0xa7: {  	s28 =	simm.s32 $_size_execute0_lowered;
	s2 =	sadd.s32 s2, s4;
	[dreg:$0x0] =	wrdreg $0x0  }
0xa8: {  	s4 =	sshll.u32 s28, $0x1;
	[dreg:$0x2] =	wrdreg s2  }
0xa9: {  	[dreg:$0x3] =	wrdreg s4  }
0xaa: {  	[dreg:$0x4] =	wrdreg $0xC0  }
0xab: {  	_ =	task [dreg:s6], $0x5FFFF  }
0xac: {  	[dreg:$0x1] =	wrdreg $0xFFFFFFFF  }
0xad: {  	[dreg:$0x0] =	wrdreg $0x60  }
0xae: {  	[dreg:$0x2] =	wrdreg s24  }
0xaf: {  	[dreg:$0x3] =	wrdreg $0x9  }
0xb0: {  	_ =	task.clear_ibuf [dreg:s6], $0x4FFFF;
	_ =	strace $0x90000046  }
0xb1: {  	s29 =	simm.s32 $0x9;
	_ =	strace $0x80000048  }
0xb2: {  	_ =	swait.ge [sflag:s29], $0x1  }
0xb3: {  	[sflag:s29] =	ssyncadd.s32 $0xFFFFFFFF  }
0xb4: {  	_ =	strace $0x90000048  }
0xb5: {  	_ =	sfence  }
0xb6: {  	s30 =	sld [smem:$0x0];
	_ =	sdelay $0x2  }
0xb7: {  	s31 =	sshll.u32 s1, $0xD;
	s1 =	sshrl.u32 s1, $0x2  }
0xb8: {  	s3 =	sand.u32 $0x4000, s31;
	s1 =	sadd.s32 s1, s30  }
0xb9: {  	s0 =	sor.u32 s3, s0;
	s1 =	sshll.u32 s1, $0x11  }
0xba: {  	s0 =	sor.u32 s1, s0  }
0xbb: {  	s0 =	sadd.s32 $0x8F2B, s0  }
0xbc: {  	[sflag:s0] =	ssyncadd.remote.s32 $0x1  }
0xbd: {  	_ =	sfence.sel $0xFFFF  }
0xbe: {  	[dreg:$0x0] =	wrdreg $0xFFFFFFFF;
	(pc) =	sbr.abs _section_cstart, $3  }
0xbf: {  	[dreg:$0x1] =	wrdreg $0xFFFFFFFF  }
0xc0: {  	_ =	task.clear_ibuf [dreg:s6], $0x2FFFF;
	_ =	strace $0x9FFFFFFF  }
0xc1: {  	(tm) =	ssettm $0x7FFFFFFF  }
tec
execute0_lowered:
.L_overlay_start_1:
0x0: {  	(tag) =	ssettag $0x1  }
0x1: {  	s3 =	rddreg [dreg:$0x0]  }
0x2: {  	s0 =	rddreg [dreg:$0x1];
	s4 =	srdreg.scid  }
0x3: {  	s2 =	simm.s32 $0x0;
	s1 =	stileid.u32;
	s4 =	sand.u32 $0x1, s4  }
0x4: {  	[smem:$0x7FF] =	sst s2;
	s5 =	sshll.u32 s1, $0x4;
	s9 =	sshll.u32 s1, $0x7  }
0x5: {  	s26 =	smul.u32 $0x32000, s1;
	s6 =	ssub.s32 $0x2, s4;
	_ =	strace $0x80000047  }
0x6: {  	s5 =	sadd.s32 s5, s3;
	s3 =	sadd.s32 $0x2D800, s3;
	s24 =	sshll.u32 s4, $0xD  }
0x7: {  	v8 =	vlaneseq.u32;
	s8 =	smul.u32 $0x320000, s4;
	s28 =	sor.u32 $0x10, s9;
	s10 =	sor.u32 $0x20, s9  }
0x8: {  	s11 =	sor.u32 $0x30, s9;
	s12 =	sor.u32 $0x40, s9;
	s29 =	sor.u32 $0x50, s9;
	v2 =	vor.u32 s9, v8;
	v1 =	vor.u32 s28, v8  }
0x9: {  	s30 =	sor.u32 $0x60, s9;
	s9 =	sor.u32 $0x70, s9;
	s7 =	sshrl.u32 s6, $0x1;
	v3 =	vor.u32 s10, v8;
	v4 =	vor.u32 s11, v8;
	v5 =	vor.u32 s12, v8  }
0xa: {  	s25 =	sadd.s32 s24, s5;
	v6 =	vor.u32 s29, v8;
	v7 =	vor.u32 s30, v8;
	v8 =	vor.u32 s9, v8;
	s9 =	simm.s32 $0x80;
	s10 =	simm.s32 $0x3280  }
0xb: {  	s11 =	simm.s32 $0x0;
	s6 =	ssub.s32 s6, s7;
	s7 =	sadd.s32 s26, s8  }
0xc: {  	s4 =	sadd.s32 $0x2A500, s25;
	v0 =	vmov s8;
	s8 =	simm.s32 $0x3200;
	s31 =	sshrl.u32 s7, $0x3  }
0xd: {  	v9 =	vimm.s32 $0xFFFFFFFF;
	s5 =	smax.u32 s6, $0x1;
	s7 =	simm.s32 $0x1;
	s6 =	sadd.s32 s31, s3  }
.LBB2_1:
0xe: {  	s12 =	simm.s32 $0x40;
	s13 =	simm.s32 $0x0  }
.LBB2_2:
0xf: {  	p0 =	sne.s32 s12, $0xC7C0;
	[tilespmem:s13+$0x0] =	vst v9;
	s13 =	smov.u32 s12;
	s12 =	sadd.s32 $0x40, s12  }
.Ltmp0:
0x10: {  	(pc) =	sbr.rel @p0 .LBB2_2-.Ltmp0, $2  }
0x11: {  	_ =	sdelay $0x2  }
0x12: {  	s13 =	sshra.s32 s13, $0x2  }
0x13: {  	[tilespmem:s13+$0x0] =	vst v9  }
0x14: {  	[tilespmem:$0x3280] =	vst v2  }
0x15: {  	[tilespmem:$0x3290] =	vst v1  }
0x16: {  	[tilespmem:$0x32A0] =	vst v3  }
0x17: {  	[tilespmem:$0x32B0] =	vst v4  }
0x18: {  	[tilespmem:$0x32C0] =	vst v5  }
0x19: {  	[tilespmem:$0x32D0] =	vst v6  }
0x1a: {  	[tilespmem:$0x32E0] =	vst v7  }
0x1b: {  	s12 =	sadd.s32 $0x0, s6;
	[tilespmem:$0x32F0] =	vst v8  }
0x1c: {  	[hbm4b:s12+s2] =	stream.linear.scatter [tilespmem:s2], [sflag:$0x1], $0x3200, $0x38;
	[tilespmem:$0x3300] =	vst v63  }
0x1d: {  	_ =	swait.ge [sflag:s7], $0x3200  }
0x1e: {  	s12 =	simm.s32 $0x640;
	[sflag:s7] =	ssyncset.done $0x0  }
.LBB2_4:
0x1f: {  	s13 =	sadd.s32 s12, s6;
	[sflag:s7] =	ssyncadd.s32 $0xFFFFCE00;
	p0 =	sne.s32 s12, $0x5DC0  }
0x20: {  	[hbm4b:s13+s2] =	stream.linear.scatter [tilespmem:s2], [sflag:$0x1], $0x3200, $0x38;
	[tilespmem:$0x3300] =	vst v63  }
.Ltmp1:
0x21: {  	_ = 	snop;
	(pc) =	sbr.rel @p0 .LBB2_4-.Ltmp1, $4  }
0x22: {  	_ = 	snop  }
0x23: {  	s12 =	sadd.s32 $0x640, s12  }
0x24: {  	_ =	swait.ge [sflag:s7], $0x3200  }
0x25: {  	[sflag:s7] =	ssyncset.done $0x0  }
0x26: {  	[sflag:s7] =	ssyncadd.s32 $0xFFFFCE00  }
0x27: {  	[tilespmem:s8], [sflag:$0x1] =	stream.linear.gather [hbm4b:s4+s2], $0x80, $0x38;
	[tilespmem:$0x3300] =	vst v63  }
0x28: {  	_ =	swait.ge [sflag:s7], $0x80  }
0x29: {  	[sflag:s7] =	ssyncset.done $0x0  }
0x2a: {  	[sflag:s7] =	ssyncadd.s32 $0xFFFFFF80  }
0x2b: {  	v10 =	vld [tilespmem:$0x3200]  }
0x2c: {  	v11 =	vld [tilespmem:$0x3210]  }
0x2d: {  	v12 =	vld [tilespmem:$0x3220]  }
0x2e: {  	v13 =	vld [tilespmem:$0x3230]  }
0x2f: {  	v14 =	vld [tilespmem:$0x3240]  }
0x30: {  	v15 =	vld [tilespmem:$0x3250];
	v10 =	vadd.s32 v0, v10  }
0x31: {  	[tilespmem:$0x3200] =	vst v10;
	v10 =	vadd.s32 v0, v11;
	v11 =	vld [tilespmem:$0x3260]  }
0x32: {  	v63 =	vld [tilespmem:$0x3270];
	[tilespmem:$0x3210] =	vst v10;
	v10 =	vadd.s32 v0, v12  }
0x33: {  	[tilespmem:$0x3220] =	vst v10;
	v10 =	vadd.s32 v0, v13  }
0x34: {  	[tilespmem:$0x3230] =	vst v10;
	v10 =	vadd.s32 v0, v14  }
0x35: {  	[tilespmem:$0x3240] =	vst v10;
	v10 =	vadd.s32 v0, v15  }
0x36: {  	[tilespmem:$0x3250] =	vst v10;
	v10 =	vadd.s32 v0, v11  }
0x37: {  	s11 =	sadd.s32 $0x1, s11;
	[tilespmem:$0x3260] =	vst v10;
	v10 =	vadd.s32 v0, v63  }
0x38: {  	p0 =	sne.s32 s11, s5;
	[tilespmem:$0x3270] =	vst v10  }
.Ltmp2:
0x39: {  	[bflag:$0x0] =	sbarrier.arrive $0xFFFF;
	(pc) =	sbr.rel @p0 .LBB2_1-.Ltmp2, $4  }
0x3a: {  	[hbm4b:s3+s9] =	stream.indirect.scatter [tilespmem:s10], [sflag:$0x1], $0x1, s8, s9, $0xb8;
	[tilespmem:$0x3300] =	vst v63  }
0x3b: {  	_ =	swait.ge [sflag:s7], $0x80  }
0x3c: {  	[sflag:s7] =	ssyncset.done $0x0  }
0x3d: {  	[sflag:s7] =	ssyncadd.s32 $0xFFFFFF80  }
0x3e: {  	_ =	sfence.sel $0x180000  }
0x3f: {  	[bflag:$0x0] =	sbarrier.arrive $0xFFFF  }
0x40: {  	p0 =	sne.s32 s1, $0x0;
	_ =	strace $0x90000047  }
0x41: {  	s0 =	sadd.s32 @!p0 $0x100000, s0;
	[bflag:$0x2] =	sbarrier.arrive $0xFFFF  }
0x42: {  	[sflag:s0] =	ssyncadd.tile.s32 @!p0 $0x1;
	_ =	shalt  }
.Lfunc_end2:
_tile_overlayer_lowered:
.L_overlay_start_2:
0x43: {  	(tag) =	ssettag $0x2  }
0x44: {  	s0 =	rddreg [dreg:$0x0];
	s2 =	stileid.u32  }
0x45: {  	s1 =	rddreg [dreg:$0x1];
	p0 =	sne.s32 s2, $0x0  }
0x46: {  	s3 =	rddreg [dreg:$0x2];
	[bflag:$0x3] =	sbarrier.arrive $0xFFFF;
	s2 =	simm.s32 @!p0 $0x1C01  }
0x47: {  	[timem:s3], [sflag:s2] =	dma.local @!p0 [hbm:s0], s1  }
0x48: {  	s0 =	simm.s32 @!p0 $0x1  }
0x49: {  	_ =	swait.ge @!p0 [sflag:s0], s1  }
0x4a: {  	s1 =	ssub.s32 @!p0 $0x0, s1;
	[sflag:s0] =	ssyncset.done @!p0 $0x0  }
0x4b: {  	[sflag:s0] =	ssyncadd.s32 @!p0 s1  }
0x4c: {  	[bflag:$0x3] =	sbarrier.arrive $0xFFFF  }
0x4d: {  	_ =	shalt  }

</sc_bundles>
